<compile_context>
chip_gen: v7x
topology: tpu7x:2x2x1
jax: 0.10.2.dev20260603
libtpu: 0.0.44.dev20260713+nightly
codegen_flags: <defaults>
</compile_context>

<pallas_src>
import functools

import jax
import jax.numpy as jnp
from jax import lax
from jax.experimental import pallas as pl
from jax.experimental.pallas import tpu as pltpu
from jax.experimental.pallas import tpu_sc as plsc

N, E, D, H, L, OUT = 10000, 320000, 128, 256, 64, 128
EPS = 1e-5

NC, NS = 2, 16
NW = NC * NS
LANES = 16

_MESH = plsc.VectorSubcoreMesh(core_axis_name="c", subcore_axis_name="s")


def _fill_1d(ref, length, value, dtype):
    vec = jnp.full((LANES,), value, dtype)

    @pl.loop(0, length, step=LANES)
    def _(i):
        ref[pl.ds(i, LANES)] = vec


def _sc_degrees(src, dst):
    epw = E // NS
    ept = E // NW
    ch = 1000
    zslice = 2000

    @functools.partial(
        pl.kernel,
        out_type=jax.ShapeDtypeStruct((NC * 2 * N,), jnp.float32),
        mesh=_MESH,
        scratch_types=[
            pltpu.VMEM((ch,), jnp.int32),
            pltpu.VMEM((ch,), jnp.float32),
            pltpu.VMEM((zslice,), jnp.float32),
            pltpu.VMEM_SHARED((2 * N,), jnp.float32),
        ],
    )
    def k(src_hbm, dst_hbm, out_hbm, idx_v, ones_v, zero_v, acc_sh):
        c = lax.axis_index("c")
        s = lax.axis_index("s")
        wid = c * NS + s
        _fill_1d(ones_v, ch, 1.0, jnp.float32)

        @pl.when(s < 10)
        def _():
            _fill_1d(zero_v, zslice, 0.0, jnp.float32)
            pltpu.sync_copy(zero_v, acc_sh.at[pl.ds(s * zslice, zslice)])

        plsc.subcore_barrier()

        base = wid * ept

        @pl.loop(0, ept, step=ch)
        def _(e0):
            pltpu.sync_copy(src_hbm.at[pl.ds(base + e0, ch)], idx_v)
            pltpu.sync_copy(ones_v, acc_sh.at[idx_v], add=True)
            pltpu.sync_copy(dst_hbm.at[pl.ds(base + e0, ch)], idx_v)

            @pl.loop(0, ch, step=LANES)
            def _(i):
                idx_v[pl.ds(i, LANES)] = idx_v[pl.ds(i, LANES)] + N

            pltpu.sync_copy(ones_v, acc_sh.at[idx_v], add=True)

        plsc.subcore_barrier()

        @pl.when(s < 10)
        def _():
            pltpu.sync_copy(acc_sh.at[pl.ds(s * zslice, zslice)], zero_v)
            pltpu.sync_copy(zero_v, out_hbm.at[pl.ds(c * 2 * N + s * zslice, zslice)])

    return k(src, dst)


NPAD = 10048
CH = 200


def _sc_message(tab, srcp, zeros_nw, feature_split, cpt):
    w = 128
    ept = cpt * CH

    @functools.partial(
        pl.kernel,
        out_type=jax.ShapeDtypeStruct((NC, N, w), jnp.float32),
        mesh=_MESH,
        scratch_types=[
            pltpu.VMEM((2 * CH,), jnp.int32),
            pltpu.VMEM((CH, w), jnp.float32),
            pltpu.VMEM_SHARED((NPAD, w), jnp.float32),
        ],
    )
    def k(tab_hbm, edge_hbm, zeros_hbm, out_hbm, eidx, m0, acc_sh):
        c = lax.axis_index("c")
        s = lax.axis_index("s")
        if feature_split:
            tabref = tab_hbm.at[c]
        else:
            tabref = tab_hbm

        fs = 80

        def zchunk(row0, sz):
            pltpu.sync_copy(zeros_hbm.at[pl.ds(row0, sz)], m0.at[pl.ds(0, sz)])
            pltpu.sync_copy(m0.at[pl.ds(0, sz)], acc_sh.at[pl.ds(row0, sz)])

        @pl.when(s < 15)
        def _():
            @pl.loop(0, 640, step=fs)
            def _(r):
                zchunk(s * 640 + r, fs)

        @pl.when(s == 15)
        def _():
            @pl.loop(0, 400, step=fs)
            def _(r):
                zchunk(9600 + r, fs)

        plsc.subcore_barrier()

        base = (s if feature_split else c * NS + s) * (2 * ept)

        @pl.loop(0, 2 * ept, step=2 * CH)
        def _(e0):
            pltpu.sync_copy(edge_hbm.at[pl.ds(base + e0, 2 * CH)], eidx)
            pltpu.sync_copy(tabref.at[eidx.at[pl.ds(0, CH)]], m0)
            pltpu.sync_copy(m0, acc_sh.at[eidx.at[pl.ds(CH, CH)]], add=True)

        plsc.subcore_barrier()

        def fchunk(row0, sz):
            pltpu.sync_copy(acc_sh.at[pl.ds(row0, sz)], m0.at[pl.ds(0, sz)])
            pltpu.sync_copy(m0.at[pl.ds(0, sz)], out_hbm.at[c, pl.ds(row0, sz)])

        @pl.when(s < 15)
        def _():
            @pl.loop(0, 640, step=fs)
            def _(r):
                fchunk(s * 640 + r, fs)

        @pl.when(s == 15)
        def _():
            @pl.loop(0, 400, step=fs)
            def _(r):
                fchunk(9600 + r, fs)

    return k(tab, srcp, zeros_nw)


def _pad_edges(src, dst, nranges, cpt):
    per = E // nranges
    pad = cpt * CH - per
    s2 = jnp.pad(src.reshape(nranges, per), ((0, 0), (0, pad)))
    dump = N + 16 + jnp.arange(nranges, dtype=jnp.int32)[:, None]
    d2 = jnp.concatenate(
        [dst.reshape(nranges, per),
         jnp.broadcast_to(dump, (nranges, pad))], axis=1)
    inter = jnp.stack([s2.reshape(nranges, cpt, CH),
                       d2.reshape(nranges, cpt, CH)], axis=2)
    return inter.reshape(-1)


BN = 2000


def _tc_norm_scale(degp, x):

    def body(degp_ref, x_ref, ns_ref, nd_ref, xs_ref):
        deg_s = degp_ref[0] + degp_ref[2]
        deg_d = degp_ref[1] + degp_ref[3]
        ns_full = lax.rsqrt(jnp.maximum(deg_s, 1.0))
        nd_full = lax.rsqrt(jnp.maximum(deg_d, 1.0))
        ns_ref[...] = ns_full
        nd_ref[...] = nd_full
        xs_ref[...] = x_ref[...] * ns_full

    grid = N // BN
    return pl.pallas_call(
        body,
        grid=(grid,),
        in_specs=[
            pl.BlockSpec((4, BN, 1), lambda i: (0, i, 0)),
            pl.BlockSpec((BN, D), lambda i: (i, 0)),
        ],
        out_specs=[
            pl.BlockSpec((BN, 1), lambda i: (i, 0)),
            pl.BlockSpec((BN, 1), lambda i: (i, 0)),
            pl.BlockSpec((BN, D), lambda i: (i, 0)),
        ],
        out_shape=[
            jax.ShapeDtypeStruct((N, 1), jnp.float32),
            jax.ShapeDtypeStruct((N, 1), jnp.float32),
            jax.ShapeDtypeStruct((N, D), jnp.float32),
        ],
    )(degp, x)


def _tc_gcn1(aggp, nd, ns, g1W, g1b):

    def body(aggp_ref, nd_ref, ns_ref, w_ref, b_ref, hs_ref):
        agg = (aggp_ref[0] + aggp_ref[1]) * nd_ref[...]
        h = jnp.maximum(
            jnp.dot(agg, w_ref[...], preferred_element_type=jnp.float32)
            + b_ref[...],
            0.0,
        )
        hs = h * ns_ref[...]
        hs_ref[0] = hs[:, : H // 2]
        hs_ref[1] = hs[:, H // 2 :]

    grid = N // BN
    return pl.pallas_call(
        body,
        grid=(grid,),
        in_specs=[
            pl.BlockSpec((NC, BN, D), lambda i: (0, i, 0)),
            pl.BlockSpec((BN, 1), lambda i: (i, 0)),
            pl.BlockSpec((BN, 1), lambda i: (i, 0)),
            pl.BlockSpec((D, H), lambda i: (0, 0)),
            pl.BlockSpec((H,), lambda i: (0,)),
        ],
        out_specs=pl.BlockSpec((NC, BN, H // 2), lambda i: (0, i, 0)),
        out_shape=jax.ShapeDtypeStruct((NC, N, H // 2), jnp.float32),
    )(aggp, nd, ns, g1W, g1b)


def _ln(x, g, b):
    m = jnp.mean(x, axis=-1, keepdims=True)
    v = jnp.mean(jnp.square(x - m), axis=-1, keepdims=True)
    return (x - m) * lax.rsqrt(v + EPS) * g + b


def _tc_mlp(agg2p, nd, ws):
    (g2W, g2b, e1W, e1b, e1g, e1be, e2W, e2b, e2g, e2be,
     d1W, d1b, d1g, d1be, d2W, d2b, d2g, d2be,
     m1W, m1b, m1g, m1be, m2W, m2b) = ws

    def body(agg_ref, nd_ref, g2W_, g2b_, e1W_, e1b_, e1g_, e1be_, e2W_,
             e2b_, e2g_, e2be_, d1W_, d1b_, d1g_, d1be_, d2W_, d2b_, d2g_,
             d2be_, m1W_, m1b_, m1g_, m1be_, m2W_, m2b_, out_ref):
        agg = jnp.concatenate([agg_ref[0], agg_ref[1]], axis=1)
        agg = agg * nd_ref[...]

        def mm(a, w, b):
            return jnp.dot(a, w[...], preferred_element_type=jnp.float32) + b[...]

        h = jnp.maximum(mm(agg, g2W_, g2b_), 0.0)
        h = _ln(jnp.maximum(mm(h, e1W_, e1b_), 0.0), e1g_[...], e1be_[...])
        z = _ln(jnp.maximum(mm(h, e2W_, e2b_), 0.0), e2g_[...], e2be_[...])
        h = _ln(jnp.maximum(mm(z, d1W_, d1b_), 0.0), d1g_[...], d1be_[...])
        h = _ln(jnp.maximum(mm(h, d2W_, d2b_), 0.0), d2g_[...], d2be_[...])
        h = _ln(jnp.maximum(mm(h, m1W_, m1b_), 0.0), m1g_[...], m1be_[...])
        out_ref[...] = jnp.maximum(mm(h, m2W_, m2b_), 0.0)

    grid = N // BN
    w_specs = []
    for warr in ws:
        if warr.ndim == 2:
            w_specs.append(pl.BlockSpec(warr.shape, lambda i: (0, 0)))
        else:
            w_specs.append(pl.BlockSpec(warr.shape, lambda i: (0,)))
    return pl.pallas_call(
        body,
        grid=(grid,),
        in_specs=[
            pl.BlockSpec((NC, BN, H // 2), lambda i: (0, i, 0)),
            pl.BlockSpec((BN, 1), lambda i: (i, 0)),
        ] + w_specs,
        out_specs=pl.BlockSpec((BN, OUT), lambda i: (i, 0)),
        out_shape=jax.ShapeDtypeStruct((N, OUT), jnp.float32),
    )(agg2p, nd, *ws)


def kernel(x, edge_index, g1W, g1b, g2W, g2b, e1W, e1b, e1g, e1be, e2W, e2b,
           e2g, e2be, d1W, d1b, d1g, d1be, d2W, d2b, d2g, d2be, m1W, m1b,
           m1g, m1be, m2W, m2b):
    src = edge_index[0]
    dst = edge_index[1]
    degp = _sc_degrees(src, dst).reshape(4, N, 1)
    ns, nd, xs = _tc_norm_scale(degp, x)
    zeros128 = jnp.zeros((N, 128), jnp.float32)
    edges1 = _pad_edges(src, dst, NW, 50)
    edges2 = _pad_edges(src, dst, NS, 100)
    aggp = _sc_message(xs, edges1, zeros128, False, 50)
    hs = _tc_gcn1(aggp, nd, ns, g1W, g1b)
    agg2p = _sc_message(hs, edges2, zeros128, True, 100)
    ws = (g2W, g2b, e1W, e1b, e1g, e1be, e2W, e2b, e2g, e2be,
          d1W, d1b, d1g, d1be, d2W, d2b, d2g, d2be,
          m1W, m1b, m1g, m1be, m2W, m2b)
    return _tc_mlp(agg2p, nd, ws)

# --- scband reference (transcript-rebuilt; emitter-appended) ---
"""Pipeline reference for scband-joint-gcnauto-encoder-609885356113 (READ-ONLY COPY).

The authoritative reference and input builder live on the scoring server;
editing this copy changes nothing except your own understanding.
"""

import jax, jax.numpy as jnp
import numpy as np

N, E, D, H, L, OUT = 10000, 320000, 128, 256, 64, 128
EPS = 1e-5

def _ln(x, g, b):
    m = jnp.mean(x, axis=-1, keepdims=True)
    v = jnp.var(x, axis=-1, keepdims=True)
    return (x - m) / jnp.sqrt(v + EPS) * g + b

def setup_inputs(seed: int = 0):
    key = jax.random.key(seed)
    ks = iter(jax.random.split(key, 40))
    def w(din, dout):
        return (jax.random.normal(next(ks), (din, dout), dtype=jnp.float32) / np.sqrt(din)).astype(jnp.float32)
    inp = {}
    inp['x'] = jax.random.normal(next(ks), (N, D), dtype=jnp.float32)
    inp['edge_index'] = jax.random.randint(next(ks), (2, E), 0, N, dtype=jnp.int32)
    inp['g1W'] = w(D, H); inp['g1b'] = jnp.zeros((H,), jnp.float32)
    inp['g2W'] = w(H, H); inp['g2b'] = jnp.zeros((H,), jnp.float32)
    inp['e1W'] = w(H, H); inp['e1b'] = jnp.zeros((H,), jnp.float32)
    inp['e1g'] = jnp.ones((H,), jnp.float32); inp['e1be'] = jnp.zeros((H,), jnp.float32)
    inp['e2W'] = w(H, L); inp['e2b'] = jnp.zeros((L,), jnp.float32)
    inp['e2g'] = jnp.ones((L,), jnp.float32); inp['e2be'] = jnp.zeros((L,), jnp.float32)
    inp['d1W'] = w(L, H); inp['d1b'] = jnp.zeros((H,), jnp.float32)
    inp['d1g'] = jnp.ones((H,), jnp.float32); inp['d1be'] = jnp.zeros((H,), jnp.float32)
    inp['d2W'] = w(H, H); inp['d2b'] = jnp.zeros((H,), jnp.float32)
    inp['d2g'] = jnp.ones((H,), jnp.float32); inp['d2be'] = jnp.zeros((H,), jnp.float32)
    inp['m1W'] = w(H, H); inp['m1b'] = jnp.zeros((H,), jnp.float32)
    inp['m1g'] = jnp.ones((H,), jnp.float32); inp['m1be'] = jnp.zeros((H,), jnp.float32)
    inp['m2W'] = w(H, OUT); inp['m2b'] = jnp.zeros((OUT,), jnp.float32)
    return inp

def reference(x, edge_index, g1W, g1b, g2W, g2b, e1W, e1b, e1g, e1be, e2W, e2b, e2g, e2be, d1W, d1b, d1g, d1be, d2W, d2b, d2g, d2be, m1W, m1b, m1g, m1be, m2W, m2b):
    src = edge_index[0]
    dst = edge_index[1]
    deg_out = jnp.clip(jnp.zeros((N,), x.dtype).at[src].add(1.0), 1.0, None)
    deg_in = jnp.clip(jnp.zeros((N,), x.dtype).at[dst].add(1.0), 1.0, None)
    ns = jax.lax.rsqrt(deg_out)
    nd = jax.lax.rsqrt(deg_in)
    def gcn(h, W, b):
        msg = h[src] * ns[src][:, None]
        agg = jnp.zeros((N, h.shape[1]), h.dtype).at[dst].add(msg)
        return (agg * nd[:, None]) @ W + b
    # GCNlayer (2 GraphConv + ReLU), DGL norm='both'
    h = jax.nn.relu(gcn(x, g1W, g1b))
    h = jax.nn.relu(gcn(h, g2W, g2b))
    # HiddenEncoder: linear -> relu -> layernorm
    h = _ln(jax.nn.relu(h @ e1W + e1b), e1g, e1be)
    z = _ln(jax.nn.relu(h @ e2W + e2b), e2g, e2be)
    # HiddenDecoder
    h = _ln(jax.nn.relu(z @ d1W + d1b), d1g, d1be)
    h = _ln(jax.nn.relu(h @ d2W + d2b), d2g, d2be)
    # ModalityDecoder (last layer: activation only)
    h = _ln(jax.nn.relu(h @ m1W + m1b), m1g, m1be)
    out = jax.nn.relu(h @ m2W + m2b)
    return out

if __name__ == "__main__":
    import jax
    _d = setup_inputs()
    print(jax.jit(kernel)(*tuple(_d.values())))

</pallas_src>

<mosaic_0001>
#map = affine_map<(d0, d1) -> (0, 0)>
#map1 = affine_map<(d0, d1) -> (0)>
#map2 = affine_map<(d0, d1) -> (0, 0, 0)>
module attributes {stable_mosaic.version = 14 : i64} {
  func.func @k(%arg0: i32, %arg1: i32, %arg2: memref<10000x128xf32, #tpu.memory_space<hbm>>, %arg3: memref<640000xi32, #tpu.memory_space<hbm>>, %arg4: memref<10000x128xf32, #tpu.memory_space<hbm>>, %arg5: memref<2x10000x128xf32, #tpu.memory_space<hbm>>, %arg6: memref<400xi32, #tpu.memory_space<vmem>>, %arg7: memref<200x128xf32, #tpu.memory_space<vmem>>, %arg8: memref<10048x128xf32, #tpu.memory_space<vmem_shared>>) attributes {dimension_semantics = [#tpu.dimension_semantics<core_parallel>, #tpu.dimension_semantics<subcore_parallel>], iteration_bounds = array<i64: 2, 16>, scalar_prefetch = 0 : i64, scratch_operands = 3 : i64, tpu.core_type = #tpu.core_type<sc_vector_subcore>, window_params = [{transform_indices = #map}, {transform_indices = #map1}, {transform_indices = #map}, {transform_indices = #map2}]} {
    %lt3A = arith.constant 15 : i32
    %lt3A_0 = arith.cmpi slt, %arg1, %lt3A : i32
    %convert_element_type3A = arith.extui %lt3A_0 : i1 to i32
    %cond3A = arith.constant 0 : i32
    %cond3A_1 = arith.cmpi ne, %convert_element_type3A, %cond3A : i32
    scf.if %cond3A_1 {
      %scan3A_24 = arith.constant 0 : i32
      %scan3A_25 = arith.constant 8 : i32
      %scan3A_26 = arith.addi %scan3A_24, %scan3A_25 : i32
      %scan3A_27 = arith.constant 1 : i32
      scf.for %scan3A_29 = %scan3A_24 to %scan3A_26 step %scan3A_27  : i32 {
        %mul3A_30 = arith.constant 80 : i32
        %mul3A_31 = arith.muli %scan3A_29, %mul3A_30 : i32
        %add3A_32 = arith.constant 0 : i32
        %add3A_33 = arith.addi %add3A_32, %mul3A_31 : i32
        %mul3A_34 = arith.constant 640 : i32
        %mul3A_35 = arith.muli %arg1, %mul3A_34 : i32
        %add3A_36 = arith.addi %mul3A_35, %add3A_33 : i32
        "tpu.region"() ({
          %run_scoped3A = tpu.sem_alloc : memref<!tpu.dma_semaphore, #tpu.memory_space<semaphore_mem>>
          %dma_start3A = arith.constant 0 : i32
          %dma_start3A_37 = arith.constant 0 : i32
          %dma_start3A_38 = tpu.memref_slice %arg7[%dma_start3A, %dma_start3A_37] : memref<200x128xf32, #tpu.memory_space<vmem>> -> memref<80x128xf32, #tpu.memory_space<vmem>>
          %dma_start3A_39 = arith.constant 0 : i32
          %dma_start3A_40 = tpu.memref_slice %arg4[%add3A_36, %dma_start3A_39] : memref<10000x128xf32, #tpu.memory_space<hbm>> -> memref<80x128xf32, #tpu.memory_space<hbm>>
          %dma_start3A_41 = arith.constant 0 : i32
          %dma_start3A_42 = arith.constant 0 : i32
          %dma_start3A_43 = tpu.memref_slice %arg7[%dma_start3A_41, %dma_start3A_42] : memref<200x128xf32, #tpu.memory_space<vmem>> -> memref<80x128xf32, #tpu.memory_space<vmem>>
          %dma_start3A_44 = arith.constant 0 : i32
          %dma_start3A_45 = tpu.memref_slice %arg4[%add3A_36, %dma_start3A_44] : memref<10000x128xf32, #tpu.memory_space<hbm>> -> memref<80x128xf32, #tpu.memory_space<hbm>>
          tpu.enqueue_dma source(%dma_start3A_45 : memref<80x128xf32, #tpu.memory_space<hbm>>) target(%dma_start3A_43 : memref<80x128xf32, #tpu.memory_space<vmem>>) target_semaphore(%run_scoped3A : memref<!tpu.dma_semaphore, #tpu.memory_space<semaphore_mem>>)
          %dma_wait3A = arith.constant 0 : i32
          %dma_wait3A_46 = arith.constant 0 : i32
          %dma_wait3A_47 = tpu.memref_slice %arg7[%dma_wait3A, %dma_wait3A_46] : memref<200x128xf32, #tpu.memory_space<vmem>> -> memref<80x128xf32, #tpu.memory_space<vmem>>
          %dma_wait3A_48 = arith.constant 0 : i32
          %dma_wait3A_49 = tpu.memref_slice %arg4[%add3A_36, %dma_wait3A_48] : memref<10000x128xf32, #tpu.memory_space<hbm>> -> memref<80x128xf32, #tpu.memory_space<hbm>>
          %dma_wait3A_50 = arith.constant 0 : i32
          %dma_wait3A_51 = arith.constant 0 : i32
          %dma_wait3A_52 = tpu.memref_slice %arg7[%dma_wait3A_50, %dma_wait3A_51] : memref<200x128xf32, #tpu.memory_space<vmem>> -> memref<80x128xf32, #tpu.memory_space<vmem>>
          %dma_wait3A_53 = arith.constant 0 : i32
          %dma_wait3A_54 = tpu.memref_slice %arg4[%add3A_36, %dma_wait3A_53] : memref<10000x128xf32, #tpu.memory_space<hbm>> -> memref<80x128xf32, #tpu.memory_space<hbm>>
          tpu.wait_dma2 semaphore(%run_scoped3A : memref<!tpu.dma_semaphore, #tpu.memory_space<semaphore_mem>>) src(%dma_wait3A_54 : memref<80x128xf32, #tpu.memory_space<hbm>>) dst(%dma_wait3A_52 : memref<80x128xf32, #tpu.memory_space<vmem>>)
          tpu.yield
        }) : () -> ()
        "tpu.region"() ({
          %run_scoped3A = tpu.sem_alloc : memref<!tpu.dma_semaphore, #tpu.memory_space<semaphore_mem>>
          %dma_start3A = arith.constant 0 : i32
          %dma_start3A_37 = arith.constant 0 : i32
          %dma_start3A_38 = tpu.memref_slice %arg7[%dma_start3A, %dma_start3A_37] : memref<200x128xf32, #tpu.memory_space<vmem>> -> memref<80x128xf32, #tpu.memory_space<vmem>>
          %dma_start3A_39 = arith.constant 0 : i32
          %dma_start3A_40 = tpu.memref_slice %arg8[%add3A_36, %dma_start3A_39] : memref<10048x128xf32, #tpu.memory_space<vmem_shared>> -> memref<80x128xf32, #tpu.memory_space<vmem_shared>>
          %dma_start3A_41 = arith.constant 0 : i32
          %dma_start3A_42 = tpu.memref_slice %arg8[%add3A_36, %dma_start3A_41] : memref<10048x128xf32, #tpu.memory_space<vmem_shared>> -> memref<80x128xf32, #tpu.memory_space<vmem_shared>>
          %dma_start3A_43 = arith.constant 0 : i32
          %dma_start3A_44 = arith.constant 0 : i32
          %dma_start3A_45 = tpu.memref_slice %arg7[%dma_start3A_43, %dma_start3A_44] : memref<200x128xf32, #tpu.memory_space<vmem>> -> memref<80x128xf32, #tpu.memory_space<vmem>>
          tpu.enqueue_dma source(%dma_start3A_45 : memref<80x128xf32, #tpu.memory_space<vmem>>) target(%dma_start3A_42 : memref<80x128xf32, #tpu.memory_space<vmem_shared>>) target_semaphore(%run_scoped3A : memref<!tpu.dma_semaphore, #tpu.memory_space<semaphore_mem>>)
          %dma_wait3A = arith.constant 0 : i32
          %dma_wait3A_46 = arith.constant 0 : i32
          %dma_wait3A_47 = tpu.memref_slice %arg7[%dma_wait3A, %dma_wait3A_46] : memref<200x128xf32, #tpu.memory_space<vmem>> -> memref<80x128xf32, #tpu.memory_space<vmem>>
          %dma_wait3A_48 = arith.constant 0 : i32
          %dma_wait3A_49 = tpu.memref_slice %arg8[%add3A_36, %dma_wait3A_48] : memref<10048x128xf32, #tpu.memory_space<vmem_shared>> -> memref<80x128xf32, #tpu.memory_space<vmem_shared>>
          %dma_wait3A_50 = arith.constant 0 : i32
          %dma_wait3A_51 = tpu.memref_slice %arg8[%add3A_36, %dma_wait3A_50] : memref<10048x128xf32, #tpu.memory_space<vmem_shared>> -> memref<80x128xf32, #tpu.memory_space<vmem_shared>>
          %dma_wait3A_52 = arith.constant 0 : i32
          %dma_wait3A_53 = arith.constant 0 : i32
          %dma_wait3A_54 = tpu.memref_slice %arg7[%dma_wait3A_52, %dma_wait3A_53] : memref<200x128xf32, #tpu.memory_space<vmem>> -> memref<80x128xf32, #tpu.memory_space<vmem>>
          tpu.wait_dma2 semaphore(%run_scoped3A : memref<!tpu.dma_semaphore, #tpu.memory_space<semaphore_mem>>) src(%dma_wait3A_54 : memref<80x128xf32, #tpu.memory_space<vmem>>) dst(%dma_wait3A_51 : memref<80x128xf32, #tpu.memory_space<vmem_shared>>)
          tpu.yield
        }) : () -> ()
      }
      %scan3A_28 = arith.constant 8 : i32
    } else {
    }
    %eq3A = arith.constant 15 : i32
    %eq3A_2 = arith.cmpi eq, %arg1, %eq3A : i32
    %convert_element_type3A_3 = arith.extui %eq3A_2 : i1 to i32
    %cond3A_4 = arith.constant 0 : i32
    %cond3A_5 = arith.cmpi ne, %convert_element_type3A_3, %cond3A_4 : i32
    scf.if %cond3A_5 {
      %scan3A_24 = arith.constant 0 : i32
      %scan3A_25 = arith.constant 5 : i32
      %scan3A_26 = arith.addi %scan3A_24, %scan3A_25 : i32
      %scan3A_27 = arith.constant 1 : i32
      scf.for %scan3A_29 = %scan3A_24 to %scan3A_26 step %scan3A_27  : i32 {
        %mul3A_30 = arith.constant 80 : i32
        %mul3A_31 = arith.muli %scan3A_29, %mul3A_30 : i32
        %add3A_32 = arith.constant 0 : i32
        %add3A_33 = arith.addi %add3A_32, %mul3A_31 : i32
        %add3A_34 = arith.constant 9600 : i32
        %add3A_35 = arith.addi %add3A_34, %add3A_33 : i32
        "tpu.region"() ({
          %run_scoped3A = tpu.sem_alloc : memref<!tpu.dma_semaphore, #tpu.memory_space<semaphore_mem>>
          %dma_start3A = arith.constant 0 : i32
          %dma_start3A_36 = arith.constant 0 : i32
          %dma_start3A_37 = tpu.memref_slice %arg7[%dma_start3A, %dma_start3A_36] : memref<200x128xf32, #tpu.memory_space<vmem>> -> memref<80x128xf32, #tpu.memory_space<vmem>>
          %dma_start3A_38 = arith.constant 0 : i32
          %dma_start3A_39 = tpu.memref_slice %arg4[%add3A_35, %dma_start3A_38] : memref<10000x128xf32, #tpu.memory_space<hbm>> -> memref<80x128xf32, #tpu.memory_space<hbm>>
          %dma_start3A_40 = arith.constant 0 : i32
          %dma_start3A_41 = arith.constant 0 : i32
          %dma_start3A_42 = tpu.memref_slice %arg7[%dma_start3A_40, %dma_start3A_41] : memref<200x128xf32, #tpu.memory_space<vmem>> -> memref<80x128xf32, #tpu.memory_space<vmem>>
          %dma_start3A_43 = arith.constant 0 : i32
          %dma_start3A_44 = tpu.memref_slice %arg4[%add3A_35, %dma_start3A_43] : memref<10000x128xf32, #tpu.memory_space<hbm>> -> memref<80x128xf32, #tpu.memory_space<hbm>>
          tpu.enqueue_dma source(%dma_start3A_44 : memref<80x128xf32, #tpu.memory_space<hbm>>) target(%dma_start3A_42 : memref<80x128xf32, #tpu.memory_space<vmem>>) target_semaphore(%run_scoped3A : memref<!tpu.dma_semaphore, #tpu.memory_space<semaphore_mem>>)
          %dma_wait3A = arith.constant 0 : i32
          %dma_wait3A_45 = arith.constant 0 : i32
          %dma_wait3A_46 = tpu.memref_slice %arg7[%dma_wait3A, %dma_wait3A_45] : memref<200x128xf32, #tpu.memory_space<vmem>> -> memref<80x128xf32, #tpu.memory_space<vmem>>
          %dma_wait3A_47 = arith.constant 0 : i32
          %dma_wait3A_48 = tpu.memref_slice %arg4[%add3A_35, %dma_wait3A_47] : memref<10000x128xf32, #tpu.memory_space<hbm>> -> memref<80x128xf32, #tpu.memory_space<hbm>>
          %dma_wait3A_49 = arith.constant 0 : i32
          %dma_wait3A_50 = arith.constant 0 : i32
          %dma_wait3A_51 = tpu.memref_slice %arg7[%dma_wait3A_49, %dma_wait3A_50] : memref<200x128xf32, #tpu.memory_space<vmem>> -> memref<80x128xf32, #tpu.memory_space<vmem>>
          %dma_wait3A_52 = arith.constant 0 : i32
          %dma_wait3A_53 = tpu.memref_slice %arg4[%add3A_35, %dma_wait3A_52] : memref<10000x128xf32, #tpu.memory_space<hbm>> -> memref<80x128xf32, #tpu.memory_space<hbm>>
          tpu.wait_dma2 semaphore(%run_scoped3A : memref<!tpu.dma_semaphore, #tpu.memory_space<semaphore_mem>>) src(%dma_wait3A_53 : memref<80x128xf32, #tpu.memory_space<hbm>>) dst(%dma_wait3A_51 : memref<80x128xf32, #tpu.memory_space<vmem>>)
          tpu.yield
        }) : () -> ()
        "tpu.region"() ({
          %run_scoped3A = tpu.sem_alloc : memref<!tpu.dma_semaphore, #tpu.memory_space<semaphore_mem>>
          %dma_start3A = arith.constant 0 : i32
          %dma_start3A_36 = arith.constant 0 : i32
          %dma_start3A_37 = tpu.memref_slice %arg7[%dma_start3A, %dma_start3A_36] : memref<200x128xf32, #tpu.memory_space<vmem>> -> memref<80x128xf32, #tpu.memory_space<vmem>>
          %dma_start3A_38 = arith.constant 0 : i32
          %dma_start3A_39 = tpu.memref_slice %arg8[%add3A_35, %dma_start3A_38] : memref<10048x128xf32, #tpu.memory_space<vmem_shared>> -> memref<80x128xf32, #tpu.memory_space<vmem_shared>>
          %dma_start3A_40 = arith.constant 0 : i32
          %dma_start3A_41 = tpu.memref_slice %arg8[%add3A_35, %dma_start3A_40] : memref<10048x128xf32, #tpu.memory_space<vmem_shared>> -> memref<80x128xf32, #tpu.memory_space<vmem_shared>>
          %dma_start3A_42 = arith.constant 0 : i32
          %dma_start3A_43 = arith.constant 0 : i32
          %dma_start3A_44 = tpu.memref_slice %arg7[%dma_start3A_42, %dma_start3A_43] : memref<200x128xf32, #tpu.memory_space<vmem>> -> memref<80x128xf32, #tpu.memory_space<vmem>>
          tpu.enqueue_dma source(%dma_start3A_44 : memref<80x128xf32, #tpu.memory_space<vmem>>) target(%dma_start3A_41 : memref<80x128xf32, #tpu.memory_space<vmem_shared>>) target_semaphore(%run_scoped3A : memref<!tpu.dma_semaphore, #tpu.memory_space<semaphore_mem>>)
          %dma_wait3A = arith.constant 0 : i32
          %dma_wait3A_45 = arith.constant 0 : i32
          %dma_wait3A_46 = tpu.memref_slice %arg7[%dma_wait3A, %dma_wait3A_45] : memref<200x128xf32, #tpu.memory_space<vmem>> -> memref<80x128xf32, #tpu.memory_space<vmem>>
          %dma_wait3A_47 = arith.constant 0 : i32
          %dma_wait3A_48 = tpu.memref_slice %arg8[%add3A_35, %dma_wait3A_47] : memref<10048x128xf32, #tpu.memory_space<vmem_shared>> -> memref<80x128xf32, #tpu.memory_space<vmem_shared>>
          %dma_wait3A_49 = arith.constant 0 : i32
          %dma_wait3A_50 = tpu.memref_slice %arg8[%add3A_35, %dma_wait3A_49] : memref<10048x128xf32, #tpu.memory_space<vmem_shared>> -> memref<80x128xf32, #tpu.memory_space<vmem_shared>>
          %dma_wait3A_51 = arith.constant 0 : i32
          %dma_wait3A_52 = arith.constant 0 : i32
          %dma_wait3A_53 = tpu.memref_slice %arg7[%dma_wait3A_51, %dma_wait3A_52] : memref<200x128xf32, #tpu.memory_space<vmem>> -> memref<80x128xf32, #tpu.memory_space<vmem>>
          tpu.wait_dma2 semaphore(%run_scoped3A : memref<!tpu.dma_semaphore, #tpu.memory_space<semaphore_mem>>) src(%dma_wait3A_53 : memref<80x128xf32, #tpu.memory_space<vmem>>) dst(%dma_wait3A_50 : memref<80x128xf32, #tpu.memory_space<vmem_shared>>)
          tpu.yield
        }) : () -> ()
      }
      %scan3A_28 = arith.constant 5 : i32
    } else {
    }
    %barrier3A = arith.constant 0 : index
    tpu.barrier barrier_id(%barrier3A)
    %mul3A = arith.constant 16 : i32
    %mul3A_6 = arith.muli %arg0, %mul3A : i32
    %add3A = arith.addi %mul3A_6, %arg1 : i32
    %mul3A_7 = arith.constant 20000 : i32
    %mul3A_8 = arith.muli %add3A, %mul3A_7 : i32
    %scan3A = arith.constant 0 : i32
    %scan3A_9 = arith.constant 50 : i32
    %scan3A_10 = arith.addi %scan3A, %scan3A_9 : i32
    %scan3A_11 = arith.constant 1 : i32
    scf.for %scan3A_24 = %scan3A to %scan3A_10 step %scan3A_11  : i32 {
      %mul3A_25 = arith.constant 400 : i32
      %mul3A_26 = arith.muli %scan3A_24, %mul3A_25 : i32
      %add3A_27 = arith.constant 0 : i32
      %add3A_28 = arith.addi %add3A_27, %mul3A_26 : i32
      %add3A_29 = arith.addi %mul3A_8, %add3A_28 : i32
      "tpu.region"() ({
        %run_scoped3A = tpu.sem_alloc : memref<!tpu.dma_semaphore, #tpu.memory_space<semaphore_mem>>
        %dma_start3A = tpu.memref_slice %arg3[%add3A_29] : memref<640000xi32, #tpu.memory_space<hbm>> -> memref<400xi32, #tpu.memory_space<hbm>>
        %dma_start3A_30 = tpu.memref_slice %arg3[%add3A_29] : memref<640000xi32, #tpu.memory_space<hbm>> -> memref<400xi32, #tpu.memory_space<hbm>>
        tpu.enqueue_dma source(%dma_start3A_30 : memref<400xi32, #tpu.memory_space<hbm>>) target(%arg6 : memref<400xi32, #tpu.memory_space<vmem>>) target_semaphore(%run_scoped3A : memref<!tpu.dma_semaphore, #tpu.memory_space<semaphore_mem>>)
        %dma_wait3A = tpu.memref_slice %arg3[%add3A_29] : memref<640000xi32, #tpu.memory_space<hbm>> -> memref<400xi32, #tpu.memory_space<hbm>>
        %dma_wait3A_31 = tpu.memref_slice %arg3[%add3A_29] : memref<640000xi32, #tpu.memory_space<hbm>> -> memref<400xi32, #tpu.memory_space<hbm>>
        tpu.wait_dma2 semaphore(%run_scoped3A : memref<!tpu.dma_semaphore, #tpu.memory_space<semaphore_mem>>) src(%dma_wait3A_31 : memref<400xi32, #tpu.memory_space<hbm>>) dst(%arg6 : memref<400xi32, #tpu.memory_space<vmem>>)
        tpu.yield
      }) : () -> ()
      "tpu.region"() ({
        %run_scoped3A = tpu.sem_alloc : memref<!tpu.dma_semaphore, #tpu.memory_space<semaphore_mem>>
        %dma_start3A = arith.constant 0 : i32
        %dma_start3A_30 = tpu.memref_slice %arg6[%dma_start3A] : memref<400xi32, #tpu.memory_space<vmem>> -> memref<200xi32, #tpu.memory_space<vmem>>
        %dma_start3A_31 = arith.constant 0 : i32
        %dma_start3A_32 = arith.constant 0 : i32
        %dma_start3A_33 = tpu.memref_slice %arg2[%dma_start3A_31, %dma_start3A_32] : memref<10000x128xf32, #tpu.memory_space<hbm>> -> memref<10000x128xf32, #tpu.memory_space<hbm>>
        tpu.enqueue_indirect_dma source(%dma_start3A_33 : memref<10000x128xf32, #tpu.memory_space<hbm>>) target(%arg7 : memref<200x128xf32, #tpu.memory_space<vmem>>) offsets(%dma_start3A_30 : memref<200xi32, #tpu.memory_space<vmem>>) semaphore(%run_scoped3A : memref<!tpu.dma_semaphore, #tpu.memory_space<semaphore_mem>>)
        %dma_wait3A = arith.constant 0 : i32
        %dma_wait3A_34 = tpu.memref_slice %arg6[%dma_wait3A] : memref<400xi32, #tpu.memory_space<vmem>> -> memref<200xi32, #tpu.memory_space<vmem>>
        %dma_wait3A_35 = arith.constant 0 : i32
        %dma_wait3A_36 = arith.constant 0 : i32
        %dma_wait3A_37 = tpu.memref_slice %arg2[%dma_wait3A_35, %dma_wait3A_36] : memref<10000x128xf32, #tpu.memory_space<hbm>> -> memref<10000x128xf32, #tpu.memory_space<hbm>>
        tpu.wait_indirect_dma semaphore(%run_scoped3A : memref<!tpu.dma_semaphore, #tpu.memory_space<semaphore_mem>>) src(%dma_wait3A_37 : memref<10000x128xf32, #tpu.memory_space<hbm>>) dst(%arg7 : memref<200x128xf32, #tpu.memory_space<vmem>>)
        tpu.yield
      }) : () -> ()
      "tpu.region"() ({
        %run_scoped3A = tpu.sem_alloc : memref<!tpu.dma_semaphore, #tpu.memory_space<semaphore_mem>>
        %dma_start3A = arith.constant 200 : i32
        %dma_start3A_30 = tpu.memref_slice %arg6[%dma_start3A] : memref<400xi32, #tpu.memory_space<vmem>> -> memref<200xi32, #tpu.memory_space<vmem>>
        %dma_start3A_31 = arith.constant 0 : i32
        %dma_start3A_32 = arith.constant 0 : i32
        %dma_start3A_33 = tpu.memref_slice %arg8[%dma_start3A_31, %dma_start3A_32] : memref<10048x128xf32, #tpu.memory_space<vmem_shared>> -> memref<10048x128xf32, #tpu.memory_space<vmem_shared>>
        tpu.enqueue_indirect_dma source(%arg7 : memref<200x128xf32, #tpu.memory_space<vmem>>) target(%dma_start3A_33 : memref<10048x128xf32, #tpu.memory_space<vmem_shared>>) offsets(%dma_start3A_30 : memref<200xi32, #tpu.memory_space<vmem>>) semaphore(%run_scoped3A : memref<!tpu.dma_semaphore, #tpu.memory_space<semaphore_mem>>) {add = true}
        %dma_wait3A = arith.constant 200 : i32
        %dma_wait3A_34 = tpu.memref_slice %arg6[%dma_wait3A] : memref<400xi32, #tpu.memory_space<vmem>> -> memref<200xi32, #tpu.memory_space<vmem>>
        %dma_wait3A_35 = arith.constant 0 : i32
        %dma_wait3A_36 = arith.constant 0 : i32
        %dma_wait3A_37 = tpu.memref_slice %arg8[%dma_wait3A_35, %dma_wait3A_36] : memref<10048x128xf32, #tpu.memory_space<vmem_shared>> -> memref<10048x128xf32, #tpu.memory_space<vmem_shared>>
        tpu.wait_indirect_dma semaphore(%run_scoped3A : memref<!tpu.dma_semaphore, #tpu.memory_space<semaphore_mem>>) src(%arg7 : memref<200x128xf32, #tpu.memory_space<vmem>>) dst(%dma_wait3A_37 : memref<10048x128xf32, #tpu.memory_space<vmem_shared>>)
        tpu.yield
      }) : () -> ()
    }
    %scan3A_12 = arith.constant 50 : i32
    %barrier3A_13 = arith.constant 0 : index
    tpu.barrier barrier_id(%barrier3A_13)
    %lt3A_14 = arith.constant 15 : i32
    %lt3A_15 = arith.cmpi slt, %arg1, %lt3A_14 : i32
    %convert_element_type3A_16 = arith.extui %lt3A_15 : i1 to i32
    %cond3A_17 = arith.constant 0 : i32
    %cond3A_18 = arith.cmpi ne, %convert_element_type3A_16, %cond3A_17 : i32
    scf.if %cond3A_18 {
      %scan3A_24 = arith.constant 0 : i32
      %scan3A_25 = arith.constant 8 : i32
      %scan3A_26 = arith.addi %scan3A_24, %scan3A_25 : i32
      %scan3A_27 = arith.constant 1 : i32
      scf.for %scan3A_29 = %scan3A_24 to %scan3A_26 step %scan3A_27  : i32 {
        %mul3A_30 = arith.constant 80 : i32
        %mul3A_31 = arith.muli %scan3A_29, %mul3A_30 : i32
        %add3A_32 = arith.constant 0 : i32
        %add3A_33 = arith.addi %add3A_32, %mul3A_31 : i32
        %mul3A_34 = arith.constant 640 : i32
        %mul3A_35 = arith.muli %arg1, %mul3A_34 : i32
        %add3A_36 = arith.addi %mul3A_35, %add3A_33 : i32
        "tpu.region"() ({
          %run_scoped3A = tpu.sem_alloc : memref<!tpu.dma_semaphore, #tpu.memory_space<semaphore_mem>>
          %dma_start3A = arith.constant 0 : i32
          %dma_start3A_37 = arith.constant 0 : i32
          %dma_start3A_38 = tpu.memref_slice %arg7[%dma_start3A, %dma_start3A_37] : memref<200x128xf32, #tpu.memory_space<vmem>> -> memref<80x128xf32, #tpu.memory_space<vmem>>
          %dma_start3A_39 = arith.constant 0 : i32
          %dma_start3A_40 = tpu.memref_slice %arg8[%add3A_36, %dma_start3A_39] : memref<10048x128xf32, #tpu.memory_space<vmem_shared>> -> memref<80x128xf32, #tpu.memory_space<vmem_shared>>
          %dma_start3A_41 = arith.constant 0 : i32
          %dma_start3A_42 = arith.constant 0 : i32
          %dma_start3A_43 = tpu.memref_slice %arg7[%dma_start3A_41, %dma_start3A_42] : memref<200x128xf32, #tpu.memory_space<vmem>> -> memref<80x128xf32, #tpu.memory_space<vmem>>
          %dma_start3A_44 = arith.constant 0 : i32
          %dma_start3A_45 = tpu.memref_slice %arg8[%add3A_36, %dma_start3A_44] : memref<10048x128xf32, #tpu.memory_space<vmem_shared>> -> memref<80x128xf32, #tpu.memory_space<vmem_shared>>
          tpu.enqueue_dma source(%dma_start3A_45 : memref<80x128xf32, #tpu.memory_space<vmem_shared>>) target(%dma_start3A_43 : memref<80x128xf32, #tpu.memory_space<vmem>>) target_semaphore(%run_scoped3A : memref<!tpu.dma_semaphore, #tpu.memory_space<semaphore_mem>>)
          %dma_wait3A = arith.constant 0 : i32
          %dma_wait3A_46 = arith.constant 0 : i32
          %dma_wait3A_47 = tpu.memref_slice %arg7[%dma_wait3A, %dma_wait3A_46] : memref<200x128xf32, #tpu.memory_space<vmem>> -> memref<80x128xf32, #tpu.memory_space<vmem>>
          %dma_wait3A_48 = arith.constant 0 : i32
          %dma_wait3A_49 = tpu.memref_slice %arg8[%add3A_36, %dma_wait3A_48] : memref<10048x128xf32, #tpu.memory_space<vmem_shared>> -> memref<80x128xf32, #tpu.memory_space<vmem_shared>>
          %dma_wait3A_50 = arith.constant 0 : i32
          %dma_wait3A_51 = arith.constant 0 : i32
          %dma_wait3A_52 = tpu.memref_slice %arg7[%dma_wait3A_50, %dma_wait3A_51] : memref<200x128xf32, #tpu.memory_space<vmem>> -> memref<80x128xf32, #tpu.memory_space<vmem>>
          %dma_wait3A_53 = arith.constant 0 : i32
          %dma_wait3A_54 = tpu.memref_slice %arg8[%add3A_36, %dma_wait3A_53] : memref<10048x128xf32, #tpu.memory_space<vmem_shared>> -> memref<80x128xf32, #tpu.memory_space<vmem_shared>>
          tpu.wait_dma2 semaphore(%run_scoped3A : memref<!tpu.dma_semaphore, #tpu.memory_space<semaphore_mem>>) src(%dma_wait3A_54 : memref<80x128xf32, #tpu.memory_space<vmem_shared>>) dst(%dma_wait3A_52 : memref<80x128xf32, #tpu.memory_space<vmem>>)
          tpu.yield
        }) : () -> ()
        "tpu.region"() ({
          %run_scoped3A = tpu.sem_alloc : memref<!tpu.dma_semaphore, #tpu.memory_space<semaphore_mem>>
          %dma_start3A = arith.constant 0 : i32
          %dma_start3A_37 = arith.constant 0 : i32
          %dma_start3A_38 = tpu.memref_slice %arg7[%dma_start3A, %dma_start3A_37] : memref<200x128xf32, #tpu.memory_space<vmem>> -> memref<80x128xf32, #tpu.memory_space<vmem>>
          %dma_start3A_39 = arith.constant 0 : i32
          %dma_start3A_40 = tpu.memref_slice %arg5[%arg0, %add3A_36, %dma_start3A_39] : memref<2x10000x128xf32, #tpu.memory_space<hbm>> -> memref<1x80x128xf32, #tpu.memory_space<hbm>>
          %dma_start3A_41 = tpu.memref_squeeze %dma_start3A_40 : memref<1x80x128xf32, #tpu.memory_space<hbm>> -> memref<80x128xf32, #tpu.memory_space<hbm>>
          %dma_start3A_42 = arith.constant 0 : i32
          %dma_start3A_43 = tpu.memref_slice %arg5[%arg0, %add3A_36, %dma_start3A_42] : memref<2x10000x128xf32, #tpu.memory_space<hbm>> -> memref<1x80x128xf32, #tpu.memory_space<hbm>>
          %dma_start3A_44 = tpu.memref_squeeze %dma_start3A_43 : memref<1x80x128xf32, #tpu.memory_space<hbm>> -> memref<80x128xf32, #tpu.memory_space<hbm>>
          %dma_start3A_45 = arith.constant 0 : i32
          %dma_start3A_46 = arith.constant 0 : i32
          %dma_start3A_47 = tpu.memref_slice %arg7[%dma_start3A_45, %dma_start3A_46] : memref<200x128xf32, #tpu.memory_space<vmem>> -> memref<80x128xf32, #tpu.memory_space<vmem>>
          tpu.enqueue_dma source(%dma_start3A_47 : memref<80x128xf32, #tpu.memory_space<vmem>>) target(%dma_start3A_44 : memref<80x128xf32, #tpu.memory_space<hbm>>) target_semaphore(%run_scoped3A : memref<!tpu.dma_semaphore, #tpu.memory_space<semaphore_mem>>)
          %dma_wait3A = arith.constant 0 : i32
          %dma_wait3A_48 = arith.constant 0 : i32
          %dma_wait3A_49 = tpu.memref_slice %arg7[%dma_wait3A, %dma_wait3A_48] : memref<200x128xf32, #tpu.memory_space<vmem>> -> memref<80x128xf32, #tpu.memory_space<vmem>>
          %dma_wait3A_50 = arith.constant 0 : i32
          %dma_wait3A_51 = tpu.memref_slice %arg5[%arg0, %add3A_36, %dma_wait3A_50] : memref<2x10000x128xf32, #tpu.memory_space<hbm>> -> memref<1x80x128xf32, #tpu.memory_space<hbm>>
          %dma_wait3A_52 = tpu.memref_squeeze %dma_wait3A_51 : memref<1x80x128xf32, #tpu.memory_space<hbm>> -> memref<80x128xf32, #tpu.memory_space<hbm>>
          %dma_wait3A_53 = arith.constant 0 : i32
          %dma_wait3A_54 = tpu.memref_slice %arg5[%arg0, %add3A_36, %dma_wait3A_53] : memref<2x10000x128xf32, #tpu.memory_space<hbm>> -> memref<1x80x128xf32, #tpu.memory_space<hbm>>
          %dma_wait3A_55 = tpu.memref_squeeze %dma_wait3A_54 : memref<1x80x128xf32, #tpu.memory_space<hbm>> -> memref<80x128xf32, #tpu.memory_space<hbm>>
          %dma_wait3A_56 = arith.constant 0 : i32
          %dma_wait3A_57 = arith.constant 0 : i32
          %dma_wait3A_58 = tpu.memref_slice %arg7[%dma_wait3A_56, %dma_wait3A_57] : memref<200x128xf32, #tpu.memory_space<vmem>> -> memref<80x128xf32, #tpu.memory_space<vmem>>
          tpu.wait_dma2 semaphore(%run_scoped3A : memref<!tpu.dma_semaphore, #tpu.memory_space<semaphore_mem>>) src(%dma_wait3A_58 : memref<80x128xf32, #tpu.memory_space<vmem>>) dst(%dma_wait3A_55 : memref<80x128xf32, #tpu.memory_space<hbm>>)
          tpu.yield
        }) : () -> ()
      }
      %scan3A_28 = arith.constant 8 : i32
    } else {
    }
    %eq3A_19 = arith.constant 15 : i32
    %eq3A_20 = arith.cmpi eq, %arg1, %eq3A_19 : i32
    %convert_element_type3A_21 = arith.extui %eq3A_20 : i1 to i32
    %cond3A_22 = arith.constant 0 : i32
    %cond3A_23 = arith.cmpi ne, %convert_element_type3A_21, %cond3A_22 : i32
    scf.if %cond3A_23 {
      %scan3A_24 = arith.constant 0 : i32
      %scan3A_25 = arith.constant 5 : i32
      %scan3A_26 = arith.addi %scan3A_24, %scan3A_25 : i32
      %scan3A_27 = arith.constant 1 : i32
      scf.for %scan3A_29 = %scan3A_24 to %scan3A_26 step %scan3A_27  : i32 {
        %mul3A_30 = arith.constant 80 : i32
        %mul3A_31 = arith.muli %scan3A_29, %mul3A_30 : i32
        %add3A_32 = arith.constant 0 : i32
        %add3A_33 = arith.addi %add3A_32, %mul3A_31 : i32
        %add3A_34 = arith.constant 9600 : i32
        %add3A_35 = arith.addi %add3A_34, %add3A_33 : i32
        "tpu.region"() ({
          %run_scoped3A = tpu.sem_alloc : memref<!tpu.dma_semaphore, #tpu.memory_space<semaphore_mem>>
          %dma_start3A = arith.constant 0 : i32
          %dma_start3A_36 = arith.constant 0 : i32
          %dma_start3A_37 = tpu.memref_slice %arg7[%dma_start3A, %dma_start3A_36] : memref<200x128xf32, #tpu.memory_space<vmem>> -> memref<80x128xf32, #tpu.memory_space<vmem>>
          %dma_start3A_38 = arith.constant 0 : i32
          %dma_start3A_39 = tpu.memref_slice %arg8[%add3A_35, %dma_start3A_38] : memref<10048x128xf32, #tpu.memory_space<vmem_shared>> -> memref<80x128xf32, #tpu.memory_space<vmem_shared>>
          %dma_start3A_40 = arith.constant 0 : i32
          %dma_start3A_41 = arith.constant 0 : i32
          %dma_start3A_42 = tpu.memref_slice %arg7[%dma_start3A_40, %dma_start3A_41] : memref<200x128xf32, #tpu.memory_space<vmem>> -> memref<80x128xf32, #tpu.memory_space<vmem>>
          %dma_start3A_43 = arith.constant 0 : i32
          %dma_start3A_44 = tpu.memref_slice %arg8[%add3A_35, %dma_start3A_43] : memref<10048x128xf32, #tpu.memory_space<vmem_shared>> -> memref<80x128xf32, #tpu.memory_space<vmem_shared>>
          tpu.enqueue_dma source(%dma_start3A_44 : memref<80x128xf32, #tpu.memory_space<vmem_shared>>) target(%dma_start3A_42 : memref<80x128xf32, #tpu.memory_space<vmem>>) target_semaphore(%run_scoped3A : memref<!tpu.dma_semaphore, #tpu.memory_space<semaphore_mem>>)
          %dma_wait3A = arith.constant 0 : i32
          %dma_wait3A_45 = arith.constant 0 : i32
          %dma_wait3A_46 = tpu.memref_slice %arg7[%dma_wait3A, %dma_wait3A_45] : memref<200x128xf32, #tpu.memory_space<vmem>> -> memref<80x128xf32, #tpu.memory_space<vmem>>
          %dma_wait3A_47 = arith.constant 0 : i32
          %dma_wait3A_48 = tpu.memref_slice %arg8[%add3A_35, %dma_wait3A_47] : memref<10048x128xf32, #tpu.memory_space<vmem_shared>> -> memref<80x128xf32, #tpu.memory_space<vmem_shared>>
          %dma_wait3A_49 = arith.constant 0 : i32
          %dma_wait3A_50 = arith.constant 0 : i32
          %dma_wait3A_51 = tpu.memref_slice %arg7[%dma_wait3A_49, %dma_wait3A_50] : memref<200x128xf32, #tpu.memory_space<vmem>> -> memref<80x128xf32, #tpu.memory_space<vmem>>
          %dma_wait3A_52 = arith.constant 0 : i32
          %dma_wait3A_53 = tpu.memref_slice %arg8[%add3A_35, %dma_wait3A_52] : memref<10048x128xf32, #tpu.memory_space<vmem_shared>> -> memref<80x128xf32, #tpu.memory_space<vmem_shared>>
          tpu.wait_dma2 semaphore(%run_scoped3A : memref<!tpu.dma_semaphore, #tpu.memory_space<semaphore_mem>>) src(%dma_wait3A_53 : memref<80x128xf32, #tpu.memory_space<vmem_shared>>) dst(%dma_wait3A_51 : memref<80x128xf32, #tpu.memory_space<vmem>>)
          tpu.yield
        }) : () -> ()
        "tpu.region"() ({
          %run_scoped3A = tpu.sem_alloc : memref<!tpu.dma_semaphore, #tpu.memory_space<semaphore_mem>>
          %dma_start3A = arith.constant 0 : i32
          %dma_start3A_36 = arith.constant 0 : i32
          %dma_start3A_37 = tpu.memref_slice %arg7[%dma_start3A, %dma_start3A_36] : memref<200x128xf32, #tpu.memory_space<vmem>> -> memref<80x128xf32, #tpu.memory_space<vmem>>
          %dma_start3A_38 = arith.constant 0 : i32
          %dma_start3A_39 = tpu.memref_slice %arg5[%arg0, %add3A_35, %dma_start3A_38] : memref<2x10000x128xf32, #tpu.memory_space<hbm>> -> memref<1x80x128xf32, #tpu.memory_space<hbm>>
          %dma_start3A_40 = tpu.memref_squeeze %dma_start3A_39 : memref<1x80x128xf32, #tpu.memory_space<hbm>> -> memref<80x128xf32, #tpu.memory_space<hbm>>
          %dma_start3A_41 = arith.constant 0 : i32
          %dma_start3A_42 = tpu.memref_slice %arg5[%arg0, %add3A_35, %dma_start3A_41] : memref<2x10000x128xf32, #tpu.memory_space<hbm>> -> memref<1x80x128xf32, #tpu.memory_space<hbm>>
          %dma_start3A_43 = tpu.memref_squeeze %dma_start3A_42 : memref<1x80x128xf32, #tpu.memory_space<hbm>> -> memref<80x128xf32, #tpu.memory_space<hbm>>
          %dma_start3A_44 = arith.constant 0 : i32
          %dma_start3A_45 = arith.constant 0 : i32
          %dma_start3A_46 = tpu.memref_slice %arg7[%dma_start3A_44, %dma_start3A_45] : memref<200x128xf32, #tpu.memory_space<vmem>> -> memref<80x128xf32, #tpu.memory_space<vmem>>
          tpu.enqueue_dma source(%dma_start3A_46 : memref<80x128xf32, #tpu.memory_space<vmem>>) target(%dma_start3A_43 : memref<80x128xf32, #tpu.memory_space<hbm>>) target_semaphore(%run_scoped3A : memref<!tpu.dma_semaphore, #tpu.memory_space<semaphore_mem>>)
          %dma_wait3A = arith.constant 0 : i32
          %dma_wait3A_47 = arith.constant 0 : i32
          %dma_wait3A_48 = tpu.memref_slice %arg7[%dma_wait3A, %dma_wait3A_47] : memref<200x128xf32, #tpu.memory_space<vmem>> -> memref<80x128xf32, #tpu.memory_space<vmem>>
          %dma_wait3A_49 = arith.constant 0 : i32
          %dma_wait3A_50 = tpu.memref_slice %arg5[%arg0, %add3A_35, %dma_wait3A_49] : memref<2x10000x128xf32, #tpu.memory_space<hbm>> -> memref<1x80x128xf32, #tpu.memory_space<hbm>>
          %dma_wait3A_51 = tpu.memref_squeeze %dma_wait3A_50 : memref<1x80x128xf32, #tpu.memory_space<hbm>> -> memref<80x128xf32, #tpu.memory_space<hbm>>
          %dma_wait3A_52 = arith.constant 0 : i32
          %dma_wait3A_53 = tpu.memref_slice %arg5[%arg0, %add3A_35, %dma_wait3A_52] : memref<2x10000x128xf32, #tpu.memory_space<hbm>> -> memref<1x80x128xf32, #tpu.memory_space<hbm>>
          %dma_wait3A_54 = tpu.memref_squeeze %dma_wait3A_53 : memref<1x80x128xf32, #tpu.memory_space<hbm>> -> memref<80x128xf32, #tpu.memory_space<hbm>>
          %dma_wait3A_55 = arith.constant 0 : i32
          %dma_wait3A_56 = arith.constant 0 : i32
          %dma_wait3A_57 = tpu.memref_slice %arg7[%dma_wait3A_55, %dma_wait3A_56] : memref<200x128xf32, #tpu.memory_space<vmem>> -> memref<80x128xf32, #tpu.memory_space<vmem>>
          tpu.wait_dma2 semaphore(%run_scoped3A : memref<!tpu.dma_semaphore, #tpu.memory_space<semaphore_mem>>) src(%dma_wait3A_57 : memref<80x128xf32, #tpu.memory_space<vmem>>) dst(%dma_wait3A_54 : memref<80x128xf32, #tpu.memory_space<hbm>>)
          tpu.yield
        }) : () -> ()
      }
      %scan3A_28 = arith.constant 5 : i32
    } else {
    }
    return
  }
}

#map = affine_map<(d0, d1) -> (0)>
module attributes {stable_mosaic.version = 14 : i64} {
  func.func @k(%arg0: i32, %arg1: i32, %arg2: memref<320000xi32, #tpu.memory_space<hbm>>, %arg3: memref<320000xi32, #tpu.memory_space<hbm>>, %arg4: memref<40000xf32, #tpu.memory_space<hbm>>, %arg5: memref<1000xi32, #tpu.memory_space<vmem>>, %arg6: memref<1000xf32, #tpu.memory_space<vmem>>, %arg7: memref<2000xf32, #tpu.memory_space<vmem>>, %arg8: memref<20000xf32, #tpu.memory_space<vmem_shared>>) attributes {dimension_semantics = [#tpu.dimension_semantics<core_parallel>, #tpu.dimension_semantics<subcore_parallel>], iteration_bounds = array<i64: 2, 16>, scalar_prefetch = 0 : i64, scratch_operands = 4 : i64, tpu.core_type = #tpu.core_type<sc_vector_subcore>, window_params = [{transform_indices = #map}, {transform_indices = #map}, {transform_indices = #map}]} {
    %mul3A = arith.constant 16 : i32
    %mul3A_0 = arith.muli %arg0, %mul3A : i32
    %add3A = arith.addi %mul3A_0, %arg1 : i32
    %broadcast_in_dim3A = arith.constant 1.000000e+00 : f32
    %broadcast_in_dim3A_1 = vector.broadcast %broadcast_in_dim3A : f32 to vector<16xf32>
    %scan3A = arith.constant 0 : i32
    %scan3A_2 = arith.constant 63 : i32
    %scan3A_3 = arith.addi %scan3A, %scan3A_2 : i32
    %scan3A_4 = arith.constant 1 : i32
    scf.for %scan3A_21 = %scan3A to %scan3A_3 step %scan3A_4  : i32 {
      %mul3A_22 = arith.constant 16 : i32
      %mul3A_23 = arith.muli %scan3A_21, %mul3A_22 : i32
      %add3A_24 = arith.constant 0 : i32
      %add3A_25 = arith.addi %add3A_24, %mul3A_23 : i32
      %swap3A = arith.index_cast %add3A_25 : i32 to index
      %swap3A_26 = tpu.vector_load %arg6[%swap3A] {strides = array<i32>} : memref<1000xf32, #tpu.memory_space<vmem>>, vector<16xf32>,
      %swap3A_27 = vector.shape_cast %swap3A_26 : vector<16xf32> to vector<16xf32>
      %swap3A_28 = vector.shape_cast %broadcast_in_dim3A_1 : vector<16xf32> to vector<16xf32>
      tpu.vector_store %arg6[%swap3A], %swap3A_28 {strides = array<i32>} : memref<1000xf32, #tpu.memory_space<vmem>>, vector<16xf32>,
    }
    %scan3A_5 = arith.constant 63 : i32
    %lt3A = arith.constant 10 : i32
    %lt3A_6 = arith.cmpi slt, %arg1, %lt3A : i32
    %convert_element_type3A = arith.extui %lt3A_6 : i1 to i32
    %cond3A = arith.constant 0 : i32
    %cond3A_7 = arith.cmpi ne, %convert_element_type3A, %cond3A : i32
    scf.if %cond3A_7 {
      %broadcast_in_dim3A_21 = arith.constant 0.000000e+00 : f32
      %broadcast_in_dim3A_22 = vector.broadcast %broadcast_in_dim3A_21 : f32 to vector<16xf32>
      %scan3A_23 = arith.constant 0 : i32
      %scan3A_24 = arith.constant 125 : i32
      %scan3A_25 = arith.addi %scan3A_23, %scan3A_24 : i32
      %scan3A_26 = arith.constant 1 : i32
      scf.for %scan3A_30 = %scan3A_23 to %scan3A_25 step %scan3A_26  : i32 {
        %mul3A_31 = arith.constant 16 : i32
        %mul3A_32 = arith.muli %scan3A_30, %mul3A_31 : i32
        %add3A_33 = arith.constant 0 : i32
        %add3A_34 = arith.addi %add3A_33, %mul3A_32 : i32
        %swap3A = arith.index_cast %add3A_34 : i32 to index
        %swap3A_35 = tpu.vector_load %arg7[%swap3A] {strides = array<i32>} : memref<2000xf32, #tpu.memory_space<vmem>>, vector<16xf32>,
        %swap3A_36 = vector.shape_cast %swap3A_35 : vector<16xf32> to vector<16xf32>
        %swap3A_37 = vector.shape_cast %broadcast_in_dim3A_22 : vector<16xf32> to vector<16xf32>
        tpu.vector_store %arg7[%swap3A], %swap3A_37 {strides = array<i32>} : memref<2000xf32, #tpu.memory_space<vmem>>, vector<16xf32>,
      }
      %scan3A_27 = arith.constant 125 : i32
      %mul3A_28 = arith.constant 2000 : i32
      %mul3A_29 = arith.muli %arg1, %mul3A_28 : i32
      "tpu.region"() ({
        %run_scoped3A = tpu.sem_alloc : memref<!tpu.dma_semaphore, #tpu.memory_space<semaphore_mem>>
        %dma_start3A = tpu.memref_slice %arg8[%mul3A_29] : memref<20000xf32, #tpu.memory_space<vmem_shared>> -> memref<2000xf32, #tpu.memory_space<vmem_shared>>
        %dma_start3A_30 = tpu.memref_slice %arg8[%mul3A_29] : memref<20000xf32, #tpu.memory_space<vmem_shared>> -> memref<2000xf32, #tpu.memory_space<vmem_shared>>
        tpu.enqueue_dma source(%arg7 : memref<2000xf32, #tpu.memory_space<vmem>>) target(%dma_start3A_30 : memref<2000xf32, #tpu.memory_space<vmem_shared>>) target_semaphore(%run_scoped3A : memref<!tpu.dma_semaphore, #tpu.memory_space<semaphore_mem>>)
        %dma_wait3A = tpu.memref_slice %arg8[%mul3A_29] : memref<20000xf32, #tpu.memory_space<vmem_shared>> -> memref<2000xf32, #tpu.memory_space<vmem_shared>>
        %dma_wait3A_31 = tpu.memref_slice %arg8[%mul3A_29] : memref<20000xf32, #tpu.memory_space<vmem_shared>> -> memref<2000xf32, #tpu.memory_space<vmem_shared>>
        tpu.wait_dma2 semaphore(%run_scoped3A : memref<!tpu.dma_semaphore, #tpu.memory_space<semaphore_mem>>) src(%arg7 : memref<2000xf32, #tpu.memory_space<vmem>>) dst(%dma_wait3A_31 : memref<2000xf32, #tpu.memory_space<vmem_shared>>)
        tpu.yield
      }) : () -> ()
    } else {
    }
    %barrier3A = arith.constant 0 : index
    tpu.barrier barrier_id(%barrier3A)
    %mul3A_8 = arith.constant 10000 : i32
    %mul3A_9 = arith.muli %add3A, %mul3A_8 : i32
    %scan3A_10 = arith.constant 0 : i32
    %scan3A_11 = arith.constant 10 : i32
    %scan3A_12 = arith.addi %scan3A_10, %scan3A_11 : i32
    %scan3A_13 = arith.constant 1 : i32
    scf.for %scan3A_21 = %scan3A_10 to %scan3A_12 step %scan3A_13  : i32 {
      %mul3A_22 = arith.constant 1000 : i32
      %mul3A_23 = arith.muli %scan3A_21, %mul3A_22 : i32
      %add3A_24 = arith.constant 0 : i32
      %add3A_25 = arith.addi %add3A_24, %mul3A_23 : i32
      %add3A_26 = arith.addi %mul3A_9, %add3A_25 : i32
      "tpu.region"() ({
        %run_scoped3A = tpu.sem_alloc : memref<!tpu.dma_semaphore, #tpu.memory_space<semaphore_mem>>
        %dma_start3A = tpu.memref_slice %arg2[%add3A_26] : memref<320000xi32, #tpu.memory_space<hbm>> -> memref<1000xi32, #tpu.memory_space<hbm>>
        %dma_start3A_33 = tpu.memref_slice %arg2[%add3A_26] : memref<320000xi32, #tpu.memory_space<hbm>> -> memref<1000xi32, #tpu.memory_space<hbm>>
        tpu.enqueue_dma source(%dma_start3A_33 : memref<1000xi32, #tpu.memory_space<hbm>>) target(%arg5 : memref<1000xi32, #tpu.memory_space<vmem>>) target_semaphore(%run_scoped3A : memref<!tpu.dma_semaphore, #tpu.memory_space<semaphore_mem>>)
        %dma_wait3A = tpu.memref_slice %arg2[%add3A_26] : memref<320000xi32, #tpu.memory_space<hbm>> -> memref<1000xi32, #tpu.memory_space<hbm>>
        %dma_wait3A_34 = tpu.memref_slice %arg2[%add3A_26] : memref<320000xi32, #tpu.memory_space<hbm>> -> memref<1000xi32, #tpu.memory_space<hbm>>
        tpu.wait_dma2 semaphore(%run_scoped3A : memref<!tpu.dma_semaphore, #tpu.memory_space<semaphore_mem>>) src(%dma_wait3A_34 : memref<1000xi32, #tpu.memory_space<hbm>>) dst(%arg5 : memref<1000xi32, #tpu.memory_space<vmem>>)
        tpu.yield
      }) : () -> ()
      "tpu.region"() ({
        %run_scoped3A = tpu.sem_alloc : memref<!tpu.dma_semaphore, #tpu.memory_space<semaphore_mem>>
        %dma_start3A = arith.constant 0 : i32
        %dma_start3A_33 = tpu.memref_slice %arg8[%dma_start3A] : memref<20000xf32, #tpu.memory_space<vmem_shared>> -> memref<20000xf32, #tpu.memory_space<vmem_shared>>
        tpu.enqueue_indirect_dma source(%arg6 : memref<1000xf32, #tpu.memory_space<vmem>>) target(%dma_start3A_33 : memref<20000xf32, #tpu.memory_space<vmem_shared>>) offsets(%arg5 : memref<1000xi32, #tpu.memory_space<vmem>>) semaphore(%run_scoped3A : memref<!tpu.dma_semaphore, #tpu.memory_space<semaphore_mem>>) {add = true}
        %dma_wait3A = arith.constant 0 : i32
        %dma_wait3A_34 = tpu.memref_slice %arg8[%dma_wait3A] : memref<20000xf32, #tpu.memory_space<vmem_shared>> -> memref<20000xf32, #tpu.memory_space<vmem_shared>>
        tpu.wait_indirect_dma semaphore(%run_scoped3A : memref<!tpu.dma_semaphore, #tpu.memory_space<semaphore_mem>>) src(%arg6 : memref<1000xf32, #tpu.memory_space<vmem>>) dst(%dma_wait3A_34 : memref<20000xf32, #tpu.memory_space<vmem_shared>>)
        tpu.yield
      }) : () -> ()
      %add3A_27 = arith.addi %mul3A_9, %add3A_25 : i32
      "tpu.region"() ({
        %run_scoped3A = tpu.sem_alloc : memref<!tpu.dma_semaphore, #tpu.memory_space<semaphore_mem>>
        %dma_start3A = tpu.memref_slice %arg3[%add3A_27] : memref<320000xi32, #tpu.memory_space<hbm>> -> memref<1000xi32, #tpu.memory_space<hbm>>
        %dma_start3A_33 = tpu.memref_slice %arg3[%add3A_27] : memref<320000xi32, #tpu.memory_space<hbm>> -> memref<1000xi32, #tpu.memory_space<hbm>>
        tpu.enqueue_dma source(%dma_start3A_33 : memref<1000xi32, #tpu.memory_space<hbm>>) target(%arg5 : memref<1000xi32, #tpu.memory_space<vmem>>) target_semaphore(%run_scoped3A : memref<!tpu.dma_semaphore, #tpu.memory_space<semaphore_mem>>)
        %dma_wait3A = tpu.memref_slice %arg3[%add3A_27] : memref<320000xi32, #tpu.memory_space<hbm>> -> memref<1000xi32, #tpu.memory_space<hbm>>
        %dma_wait3A_34 = tpu.memref_slice %arg3[%add3A_27] : memref<320000xi32, #tpu.memory_space<hbm>> -> memref<1000xi32, #tpu.memory_space<hbm>>
        tpu.wait_dma2 semaphore(%run_scoped3A : memref<!tpu.dma_semaphore, #tpu.memory_space<semaphore_mem>>) src(%dma_wait3A_34 : memref<1000xi32, #tpu.memory_space<hbm>>) dst(%arg5 : memref<1000xi32, #tpu.memory_space<vmem>>)
        tpu.yield
      }) : () -> ()
      %scan3A_28 = arith.constant 0 : i32
      %scan3A_29 = arith.constant 63 : i32
      %scan3A_30 = arith.addi %scan3A_28, %scan3A_29 : i32
      %scan3A_31 = arith.constant 1 : i32
      scf.for %scan3A_33 = %scan3A_28 to %scan3A_30 step %scan3A_31  : i32 {
        %mul3A_34 = arith.constant 16 : i32
        %mul3A_35 = arith.muli %scan3A_33, %mul3A_34 : i32
        %add3A_36 = arith.constant 0 : i32
        %add3A_37 = arith.addi %add3A_36, %mul3A_35 : i32
        %get3A = arith.index_cast %add3A_37 : i32 to index
        %get3A_38 = tpu.vector_load %arg5[%get3A] {strides = array<i32>} : memref<1000xi32, #tpu.memory_space<vmem>>, vector<16xi32>,
        %get3A_39 = vector.shape_cast %get3A_38 : vector<16xi32> to vector<16xi32>
        %add3A_40 = arith.constant 10000 : i32
        %add3A_41 = vector.broadcast %add3A_40 : i32 to vector<16xi32>
        %add3A_42 = arith.addi %get3A_39, %add3A_41 : vector<16xi32>
        %swap3A = arith.index_cast %add3A_37 : i32 to index
        %swap3A_43 = tpu.vector_load %arg5[%swap3A] {strides = array<i32>} : memref<1000xi32, #tpu.memory_space<vmem>>, vector<16xi32>,
        %swap3A_44 = vector.shape_cast %swap3A_43 : vector<16xi32> to vector<16xi32>
        %swap3A_45 = vector.shape_cast %add3A_42 : vector<16xi32> to vector<16xi32>
        tpu.vector_store %arg5[%swap3A], %swap3A_45 {strides = array<i32>} : memref<1000xi32, #tpu.memory_space<vmem>>, vector<16xi32>,
      }
      %scan3A_32 = arith.constant 63 : i32
      "tpu.region"() ({
        %run_scoped3A = tpu.sem_alloc : memref<!tpu.dma_semaphore, #tpu.memory_space<semaphore_mem>>
        %dma_start3A = arith.constant 0 : i32
        %dma_start3A_33 = tpu.memref_slice %arg8[%dma_start3A] : memref<20000xf32, #tpu.memory_space<vmem_shared>> -> memref<20000xf32, #tpu.memory_space<vmem_shared>>
        tpu.enqueue_indirect_dma source(%arg6 : memref<1000xf32, #tpu.memory_space<vmem>>) target(%dma_start3A_33 : memref<20000xf32, #tpu.memory_space<vmem_shared>>) offsets(%arg5 : memref<1000xi32, #tpu.memory_space<vmem>>) semaphore(%run_scoped3A : memref<!tpu.dma_semaphore, #tpu.memory_space<semaphore_mem>>) {add = true}
        %dma_wait3A = arith.constant 0 : i32
        %dma_wait3A_34 = tpu.memref_slice %arg8[%dma_wait3A] : memref<20000xf32, #tpu.memory_space<vmem_shared>> -> memref<20000xf32, #tpu.memory_space<vmem_shared>>
        tpu.wait_indirect_dma semaphore(%run_scoped3A : memref<!tpu.dma_semaphore, #tpu.memory_space<semaphore_mem>>) src(%arg6 : memref<1000xf32, #tpu.memory_space<vmem>>) dst(%dma_wait3A_34 : memref<20000xf32, #tpu.memory_space<vmem_shared>>)
        tpu.yield
      }) : () -> ()
    }
    %scan3A_14 = arith.constant 10 : i32
    %barrier3A_15 = arith.constant 0 : index
    tpu.barrier barrier_id(%barrier3A_15)
    %lt3A_16 = arith.constant 10 : i32
    %lt3A_17 = arith.cmpi slt, %arg1, %lt3A_16 : i32
    %convert_element_type3A_18 = arith.extui %lt3A_17 : i1 to i32
    %cond3A_19 = arith.constant 0 : i32
    %cond3A_20 = arith.cmpi ne, %convert_element_type3A_18, %cond3A_19 : i32
    scf.if %cond3A_20 {
      %mul3A_21 = arith.constant 2000 : i32
      %mul3A_22 = arith.muli %arg1, %mul3A_21 : i32
      "tpu.region"() ({
        %run_scoped3A = tpu.sem_alloc : memref<!tpu.dma_semaphore, #tpu.memory_space<semaphore_mem>>
        %dma_start3A = tpu.memref_slice %arg8[%mul3A_22] : memref<20000xf32, #tpu.memory_space<vmem_shared>> -> memref<2000xf32, #tpu.memory_space<vmem_shared>>
        %dma_start3A_30 = tpu.memref_slice %arg8[%mul3A_22] : memref<20000xf32, #tpu.memory_space<vmem_shared>> -> memref<2000xf32, #tpu.memory_space<vmem_shared>>
        tpu.enqueue_dma source(%dma_start3A_30 : memref<2000xf32, #tpu.memory_space<vmem_shared>>) target(%arg7 : memref<2000xf32, #tpu.memory_space<vmem>>) target_semaphore(%run_scoped3A : memref<!tpu.dma_semaphore, #tpu.memory_space<semaphore_mem>>)
        %dma_wait3A = tpu.memref_slice %arg8[%mul3A_22] : memref<20000xf32, #tpu.memory_space<vmem_shared>> -> memref<2000xf32, #tpu.memory_space<vmem_shared>>
        %dma_wait3A_31 = tpu.memref_slice %arg8[%mul3A_22] : memref<20000xf32, #tpu.memory_space<vmem_shared>> -> memref<2000xf32, #tpu.memory_space<vmem_shared>>
        tpu.wait_dma2 semaphore(%run_scoped3A : memref<!tpu.dma_semaphore, #tpu.memory_space<semaphore_mem>>) src(%dma_wait3A_31 : memref<2000xf32, #tpu.memory_space<vmem_shared>>) dst(%arg7 : memref<2000xf32, #tpu.memory_space<vmem>>)
        tpu.yield
      }) : () -> ()
      %mul3A_23 = arith.constant 2 : i32
      %mul3A_24 = arith.muli %arg0, %mul3A_23 : i32
      %mul3A_25 = arith.constant 10000 : i32
      %mul3A_26 = arith.muli %mul3A_24, %mul3A_25 : i32
      %mul3A_27 = arith.constant 2000 : i32
      %mul3A_28 = arith.muli %arg1, %mul3A_27 : i32
      %add3A_29 = arith.addi %mul3A_26, %mul3A_28 : i32
      "tpu.region"() ({
        %run_scoped3A = tpu.sem_alloc : memref<!tpu.dma_semaphore, #tpu.memory_space<semaphore_mem>>
        %dma_start3A = tpu.memref_slice %arg4[%add3A_29] : memref<40000xf32, #tpu.memory_space<hbm>> -> memref<2000xf32, #tpu.memory_space<hbm>>
        %dma_start3A_30 = tpu.memref_slice %arg4[%add3A_29] : memref<40000xf32, #tpu.memory_space<hbm>> -> memref<2000xf32, #tpu.memory_space<hbm>>
        tpu.enqueue_dma source(%arg7 : memref<2000xf32, #tpu.memory_space<vmem>>) target(%dma_start3A_30 : memref<2000xf32, #tpu.memory_space<hbm>>) target_semaphore(%run_scoped3A : memref<!tpu.dma_semaphore, #tpu.memory_space<semaphore_mem>>)
        %dma_wait3A = tpu.memref_slice %arg4[%add3A_29] : memref<40000xf32, #tpu.memory_space<hbm>> -> memref<2000xf32, #tpu.memory_space<hbm>>
        %dma_wait3A_31 = tpu.memref_slice %arg4[%add3A_29] : memref<40000xf32, #tpu.memory_space<hbm>> -> memref<2000xf32, #tpu.memory_space<hbm>>
        tpu.wait_dma2 semaphore(%run_scoped3A : memref<!tpu.dma_semaphore, #tpu.memory_space<semaphore_mem>>) src(%arg7 : memref<2000xf32, #tpu.memory_space<vmem>>) dst(%dma_wait3A_31 : memref<2000xf32, #tpu.memory_space<hbm>>)
        tpu.yield
      }) : () -> ()
    } else {
    }
    return
  }
}

#map = affine_map<(d0, d1) -> (0, 0, 0)>
#map1 = affine_map<(d0, d1) -> (0)>
#map2 = affine_map<(d0, d1) -> (0, 0)>
module attributes {stable_mosaic.version = 14 : i64} {
  func.func @k(%arg0: i32, %arg1: i32, %arg2: memref<2x10000x128xf32, #tpu.memory_space<hbm>>, %arg3: memref<640000xi32, #tpu.memory_space<hbm>>, %arg4: memref<10000x128xf32, #tpu.memory_space<hbm>>, %arg5: memref<2x10000x128xf32, #tpu.memory_space<hbm>>, %arg6: memref<400xi32, #tpu.memory_space<vmem>>, %arg7: memref<200x128xf32, #tpu.memory_space<vmem>>, %arg8: memref<10048x128xf32, #tpu.memory_space<vmem_shared>>) attributes {dimension_semantics = [#tpu.dimension_semantics<core_parallel>, #tpu.dimension_semantics<subcore_parallel>], iteration_bounds = array<i64: 2, 16>, scalar_prefetch = 0 : i64, scratch_operands = 3 : i64, tpu.core_type = #tpu.core_type<sc_vector_subcore>, window_params = [{transform_indices = #map}, {transform_indices = #map1}, {transform_indices = #map2}, {transform_indices = #map}]} {
    %lt3A = arith.constant 15 : i32
    %lt3A_0 = arith.cmpi slt, %arg1, %lt3A : i32
    %convert_element_type3A = arith.extui %lt3A_0 : i1 to i32
    %cond3A = arith.constant 0 : i32
    %cond3A_1 = arith.cmpi ne, %convert_element_type3A, %cond3A : i32
    scf.if %cond3A_1 {
      %scan3A_22 = arith.constant 0 : i32
      %scan3A_23 = arith.constant 8 : i32
      %scan3A_24 = arith.addi %scan3A_22, %scan3A_23 : i32
      %scan3A_25 = arith.constant 1 : i32
      scf.for %scan3A_27 = %scan3A_22 to %scan3A_24 step %scan3A_25  : i32 {
        %mul3A_28 = arith.constant 80 : i32
        %mul3A_29 = arith.muli %scan3A_27, %mul3A_28 : i32
        %add3A = arith.constant 0 : i32
        %add3A_30 = arith.addi %add3A, %mul3A_29 : i32
        %mul3A_31 = arith.constant 640 : i32
        %mul3A_32 = arith.muli %arg1, %mul3A_31 : i32
        %add3A_33 = arith.addi %mul3A_32, %add3A_30 : i32
        "tpu.region"() ({
          %run_scoped3A = tpu.sem_alloc : memref<!tpu.dma_semaphore, #tpu.memory_space<semaphore_mem>>
          %dma_start3A = arith.constant 0 : i32
          %dma_start3A_34 = arith.constant 0 : i32
          %dma_start3A_35 = tpu.memref_slice %arg7[%dma_start3A, %dma_start3A_34] : memref<200x128xf32, #tpu.memory_space<vmem>> -> memref<80x128xf32, #tpu.memory_space<vmem>>
          %dma_start3A_36 = arith.constant 0 : i32
          %dma_start3A_37 = tpu.memref_slice %arg4[%add3A_33, %dma_start3A_36] : memref<10000x128xf32, #tpu.memory_space<hbm>> -> memref<80x128xf32, #tpu.memory_space<hbm>>
          %dma_start3A_38 = arith.constant 0 : i32
          %dma_start3A_39 = arith.constant 0 : i32
          %dma_start3A_40 = tpu.memref_slice %arg7[%dma_start3A_38, %dma_start3A_39] : memref<200x128xf32, #tpu.memory_space<vmem>> -> memref<80x128xf32, #tpu.memory_space<vmem>>
          %dma_start3A_41 = arith.constant 0 : i32
          %dma_start3A_42 = tpu.memref_slice %arg4[%add3A_33, %dma_start3A_41] : memref<10000x128xf32, #tpu.memory_space<hbm>> -> memref<80x128xf32, #tpu.memory_space<hbm>>
          tpu.enqueue_dma source(%dma_start3A_42 : memref<80x128xf32, #tpu.memory_space<hbm>>) target(%dma_start3A_40 : memref<80x128xf32, #tpu.memory_space<vmem>>) target_semaphore(%run_scoped3A : memref<!tpu.dma_semaphore, #tpu.memory_space<semaphore_mem>>)
          %dma_wait3A = arith.constant 0 : i32
          %dma_wait3A_43 = arith.constant 0 : i32
          %dma_wait3A_44 = tpu.memref_slice %arg7[%dma_wait3A, %dma_wait3A_43] : memref<200x128xf32, #tpu.memory_space<vmem>> -> memref<80x128xf32, #tpu.memory_space<vmem>>
          %dma_wait3A_45 = arith.constant 0 : i32
          %dma_wait3A_46 = tpu.memref_slice %arg4[%add3A_33, %dma_wait3A_45] : memref<10000x128xf32, #tpu.memory_space<hbm>> -> memref<80x128xf32, #tpu.memory_space<hbm>>
          %dma_wait3A_47 = arith.constant 0 : i32
          %dma_wait3A_48 = arith.constant 0 : i32
          %dma_wait3A_49 = tpu.memref_slice %arg7[%dma_wait3A_47, %dma_wait3A_48] : memref<200x128xf32, #tpu.memory_space<vmem>> -> memref<80x128xf32, #tpu.memory_space<vmem>>
          %dma_wait3A_50 = arith.constant 0 : i32
          %dma_wait3A_51 = tpu.memref_slice %arg4[%add3A_33, %dma_wait3A_50] : memref<10000x128xf32, #tpu.memory_space<hbm>> -> memref<80x128xf32, #tpu.memory_space<hbm>>
          tpu.wait_dma2 semaphore(%run_scoped3A : memref<!tpu.dma_semaphore, #tpu.memory_space<semaphore_mem>>) src(%dma_wait3A_51 : memref<80x128xf32, #tpu.memory_space<hbm>>) dst(%dma_wait3A_49 : memref<80x128xf32, #tpu.memory_space<vmem>>)
          tpu.yield
        }) : () -> ()
        "tpu.region"() ({
          %run_scoped3A = tpu.sem_alloc : memref<!tpu.dma_semaphore, #tpu.memory_space<semaphore_mem>>
          %dma_start3A = arith.constant 0 : i32
          %dma_start3A_34 = arith.constant 0 : i32
          %dma_start3A_35 = tpu.memref_slice %arg7[%dma_start3A, %dma_start3A_34] : memref<200x128xf32, #tpu.memory_space<vmem>> -> memref<80x128xf32, #tpu.memory_space<vmem>>
          %dma_start3A_36 = arith.constant 0 : i32
          %dma_start3A_37 = tpu.memref_slice %arg8[%add3A_33, %dma_start3A_36] : memref<10048x128xf32, #tpu.memory_space<vmem_shared>> -> memref<80x128xf32, #tpu.memory_space<vmem_shared>>
          %dma_start3A_38 = arith.constant 0 : i32
          %dma_start3A_39 = tpu.memref_slice %arg8[%add3A_33, %dma_start3A_38] : memref<10048x128xf32, #tpu.memory_space<vmem_shared>> -> memref<80x128xf32, #tpu.memory_space<vmem_shared>>
          %dma_start3A_40 = arith.constant 0 : i32
          %dma_start3A_41 = arith.constant 0 : i32
          %dma_start3A_42 = tpu.memref_slice %arg7[%dma_start3A_40, %dma_start3A_41] : memref<200x128xf32, #tpu.memory_space<vmem>> -> memref<80x128xf32, #tpu.memory_space<vmem>>
          tpu.enqueue_dma source(%dma_start3A_42 : memref<80x128xf32, #tpu.memory_space<vmem>>) target(%dma_start3A_39 : memref<80x128xf32, #tpu.memory_space<vmem_shared>>) target_semaphore(%run_scoped3A : memref<!tpu.dma_semaphore, #tpu.memory_space<semaphore_mem>>)
          %dma_wait3A = arith.constant 0 : i32
          %dma_wait3A_43 = arith.constant 0 : i32
          %dma_wait3A_44 = tpu.memref_slice %arg7[%dma_wait3A, %dma_wait3A_43] : memref<200x128xf32, #tpu.memory_space<vmem>> -> memref<80x128xf32, #tpu.memory_space<vmem>>
          %dma_wait3A_45 = arith.constant 0 : i32
          %dma_wait3A_46 = tpu.memref_slice %arg8[%add3A_33, %dma_wait3A_45] : memref<10048x128xf32, #tpu.memory_space<vmem_shared>> -> memref<80x128xf32, #tpu.memory_space<vmem_shared>>
          %dma_wait3A_47 = arith.constant 0 : i32
          %dma_wait3A_48 = tpu.memref_slice %arg8[%add3A_33, %dma_wait3A_47] : memref<10048x128xf32, #tpu.memory_space<vmem_shared>> -> memref<80x128xf32, #tpu.memory_space<vmem_shared>>
          %dma_wait3A_49 = arith.constant 0 : i32
          %dma_wait3A_50 = arith.constant 0 : i32
          %dma_wait3A_51 = tpu.memref_slice %arg7[%dma_wait3A_49, %dma_wait3A_50] : memref<200x128xf32, #tpu.memory_space<vmem>> -> memref<80x128xf32, #tpu.memory_space<vmem>>
          tpu.wait_dma2 semaphore(%run_scoped3A : memref<!tpu.dma_semaphore, #tpu.memory_space<semaphore_mem>>) src(%dma_wait3A_51 : memref<80x128xf32, #tpu.memory_space<vmem>>) dst(%dma_wait3A_48 : memref<80x128xf32, #tpu.memory_space<vmem_shared>>)
          tpu.yield
        }) : () -> ()
      }
      %scan3A_26 = arith.constant 8 : i32
    } else {
    }
    %eq3A = arith.constant 15 : i32
    %eq3A_2 = arith.cmpi eq, %arg1, %eq3A : i32
    %convert_element_type3A_3 = arith.extui %eq3A_2 : i1 to i32
    %cond3A_4 = arith.constant 0 : i32
    %cond3A_5 = arith.cmpi ne, %convert_element_type3A_3, %cond3A_4 : i32
    scf.if %cond3A_5 {
      %scan3A_22 = arith.constant 0 : i32
      %scan3A_23 = arith.constant 5 : i32
      %scan3A_24 = arith.addi %scan3A_22, %scan3A_23 : i32
      %scan3A_25 = arith.constant 1 : i32
      scf.for %scan3A_27 = %scan3A_22 to %scan3A_24 step %scan3A_25  : i32 {
        %mul3A_28 = arith.constant 80 : i32
        %mul3A_29 = arith.muli %scan3A_27, %mul3A_28 : i32
        %add3A = arith.constant 0 : i32
        %add3A_30 = arith.addi %add3A, %mul3A_29 : i32
        %add3A_31 = arith.constant 9600 : i32
        %add3A_32 = arith.addi %add3A_31, %add3A_30 : i32
        "tpu.region"() ({
          %run_scoped3A = tpu.sem_alloc : memref<!tpu.dma_semaphore, #tpu.memory_space<semaphore_mem>>
          %dma_start3A = arith.constant 0 : i32
          %dma_start3A_33 = arith.constant 0 : i32
          %dma_start3A_34 = tpu.memref_slice %arg7[%dma_start3A, %dma_start3A_33] : memref<200x128xf32, #tpu.memory_space<vmem>> -> memref<80x128xf32, #tpu.memory_space<vmem>>
          %dma_start3A_35 = arith.constant 0 : i32
          %dma_start3A_36 = tpu.memref_slice %arg4[%add3A_32, %dma_start3A_35] : memref<10000x128xf32, #tpu.memory_space<hbm>> -> memref<80x128xf32, #tpu.memory_space<hbm>>
          %dma_start3A_37 = arith.constant 0 : i32
          %dma_start3A_38 = arith.constant 0 : i32
          %dma_start3A_39 = tpu.memref_slice %arg7[%dma_start3A_37, %dma_start3A_38] : memref<200x128xf32, #tpu.memory_space<vmem>> -> memref<80x128xf32, #tpu.memory_space<vmem>>
          %dma_start3A_40 = arith.constant 0 : i32
          %dma_start3A_41 = tpu.memref_slice %arg4[%add3A_32, %dma_start3A_40] : memref<10000x128xf32, #tpu.memory_space<hbm>> -> memref<80x128xf32, #tpu.memory_space<hbm>>
          tpu.enqueue_dma source(%dma_start3A_41 : memref<80x128xf32, #tpu.memory_space<hbm>>) target(%dma_start3A_39 : memref<80x128xf32, #tpu.memory_space<vmem>>) target_semaphore(%run_scoped3A : memref<!tpu.dma_semaphore, #tpu.memory_space<semaphore_mem>>)
          %dma_wait3A = arith.constant 0 : i32
          %dma_wait3A_42 = arith.constant 0 : i32
          %dma_wait3A_43 = tpu.memref_slice %arg7[%dma_wait3A, %dma_wait3A_42] : memref<200x128xf32, #tpu.memory_space<vmem>> -> memref<80x128xf32, #tpu.memory_space<vmem>>
          %dma_wait3A_44 = arith.constant 0 : i32
          %dma_wait3A_45 = tpu.memref_slice %arg4[%add3A_32, %dma_wait3A_44] : memref<10000x128xf32, #tpu.memory_space<hbm>> -> memref<80x128xf32, #tpu.memory_space<hbm>>
          %dma_wait3A_46 = arith.constant 0 : i32
          %dma_wait3A_47 = arith.constant 0 : i32
          %dma_wait3A_48 = tpu.memref_slice %arg7[%dma_wait3A_46, %dma_wait3A_47] : memref<200x128xf32, #tpu.memory_space<vmem>> -> memref<80x128xf32, #tpu.memory_space<vmem>>
          %dma_wait3A_49 = arith.constant 0 : i32
          %dma_wait3A_50 = tpu.memref_slice %arg4[%add3A_32, %dma_wait3A_49] : memref<10000x128xf32, #tpu.memory_space<hbm>> -> memref<80x128xf32, #tpu.memory_space<hbm>>
          tpu.wait_dma2 semaphore(%run_scoped3A : memref<!tpu.dma_semaphore, #tpu.memory_space<semaphore_mem>>) src(%dma_wait3A_50 : memref<80x128xf32, #tpu.memory_space<hbm>>) dst(%dma_wait3A_48 : memref<80x128xf32, #tpu.memory_space<vmem>>)
          tpu.yield
        }) : () -> ()
        "tpu.region"() ({
          %run_scoped3A = tpu.sem_alloc : memref<!tpu.dma_semaphore, #tpu.memory_space<semaphore_mem>>
          %dma_start3A = arith.constant 0 : i32
          %dma_start3A_33 = arith.constant 0 : i32
          %dma_start3A_34 = tpu.memref_slice %arg7[%dma_start3A, %dma_start3A_33] : memref<200x128xf32, #tpu.memory_space<vmem>> -> memref<80x128xf32, #tpu.memory_space<vmem>>
          %dma_start3A_35 = arith.constant 0 : i32
          %dma_start3A_36 = tpu.memref_slice %arg8[%add3A_32, %dma_start3A_35] : memref<10048x128xf32, #tpu.memory_space<vmem_shared>> -> memref<80x128xf32, #tpu.memory_space<vmem_shared>>
          %dma_start3A_37 = arith.constant 0 : i32
          %dma_start3A_38 = tpu.memref_slice %arg8[%add3A_32, %dma_start3A_37] : memref<10048x128xf32, #tpu.memory_space<vmem_shared>> -> memref<80x128xf32, #tpu.memory_space<vmem_shared>>
          %dma_start3A_39 = arith.constant 0 : i32
          %dma_start3A_40 = arith.constant 0 : i32
          %dma_start3A_41 = tpu.memref_slice %arg7[%dma_start3A_39, %dma_start3A_40] : memref<200x128xf32, #tpu.memory_space<vmem>> -> memref<80x128xf32, #tpu.memory_space<vmem>>
          tpu.enqueue_dma source(%dma_start3A_41 : memref<80x128xf32, #tpu.memory_space<vmem>>) target(%dma_start3A_38 : memref<80x128xf32, #tpu.memory_space<vmem_shared>>) target_semaphore(%run_scoped3A : memref<!tpu.dma_semaphore, #tpu.memory_space<semaphore_mem>>)
          %dma_wait3A = arith.constant 0 : i32
          %dma_wait3A_42 = arith.constant 0 : i32
          %dma_wait3A_43 = tpu.memref_slice %arg7[%dma_wait3A, %dma_wait3A_42] : memref<200x128xf32, #tpu.memory_space<vmem>> -> memref<80x128xf32, #tpu.memory_space<vmem>>
          %dma_wait3A_44 = arith.constant 0 : i32
          %dma_wait3A_45 = tpu.memref_slice %arg8[%add3A_32, %dma_wait3A_44] : memref<10048x128xf32, #tpu.memory_space<vmem_shared>> -> memref<80x128xf32, #tpu.memory_space<vmem_shared>>
          %dma_wait3A_46 = arith.constant 0 : i32
          %dma_wait3A_47 = tpu.memref_slice %arg8[%add3A_32, %dma_wait3A_46] : memref<10048x128xf32, #tpu.memory_space<vmem_shared>> -> memref<80x128xf32, #tpu.memory_space<vmem_shared>>
          %dma_wait3A_48 = arith.constant 0 : i32
          %dma_wait3A_49 = arith.constant 0 : i32
          %dma_wait3A_50 = tpu.memref_slice %arg7[%dma_wait3A_48, %dma_wait3A_49] : memref<200x128xf32, #tpu.memory_space<vmem>> -> memref<80x128xf32, #tpu.memory_space<vmem>>
          tpu.wait_dma2 semaphore(%run_scoped3A : memref<!tpu.dma_semaphore, #tpu.memory_space<semaphore_mem>>) src(%dma_wait3A_50 : memref<80x128xf32, #tpu.memory_space<vmem>>) dst(%dma_wait3A_47 : memref<80x128xf32, #tpu.memory_space<vmem_shared>>)
          tpu.yield
        }) : () -> ()
      }
      %scan3A_26 = arith.constant 5 : i32
    } else {
    }
    %barrier3A = arith.constant 0 : index
    tpu.barrier barrier_id(%barrier3A)
    %mul3A = arith.constant 40000 : i32
    %mul3A_6 = arith.muli %arg1, %mul3A : i32
    %scan3A = arith.constant 0 : i32
    %scan3A_7 = arith.constant 100 : i32
    %scan3A_8 = arith.addi %scan3A, %scan3A_7 : i32
    %scan3A_9 = arith.constant 1 : i32
    scf.for %scan3A_22 = %scan3A to %scan3A_8 step %scan3A_9  : i32 {
      %mul3A_23 = arith.constant 400 : i32
      %mul3A_24 = arith.muli %scan3A_22, %mul3A_23 : i32
      %add3A = arith.constant 0 : i32
      %add3A_25 = arith.addi %add3A, %mul3A_24 : i32
      %add3A_26 = arith.addi %mul3A_6, %add3A_25 : i32
      "tpu.region"() ({
        %run_scoped3A = tpu.sem_alloc : memref<!tpu.dma_semaphore, #tpu.memory_space<semaphore_mem>>
        %dma_start3A = tpu.memref_slice %arg3[%add3A_26] : memref<640000xi32, #tpu.memory_space<hbm>> -> memref<400xi32, #tpu.memory_space<hbm>>
        %dma_start3A_27 = tpu.memref_slice %arg3[%add3A_26] : memref<640000xi32, #tpu.memory_space<hbm>> -> memref<400xi32, #tpu.memory_space<hbm>>
        tpu.enqueue_dma source(%dma_start3A_27 : memref<400xi32, #tpu.memory_space<hbm>>) target(%arg6 : memref<400xi32, #tpu.memory_space<vmem>>) target_semaphore(%run_scoped3A : memref<!tpu.dma_semaphore, #tpu.memory_space<semaphore_mem>>)
        %dma_wait3A = tpu.memref_slice %arg3[%add3A_26] : memref<640000xi32, #tpu.memory_space<hbm>> -> memref<400xi32, #tpu.memory_space<hbm>>
        %dma_wait3A_28 = tpu.memref_slice %arg3[%add3A_26] : memref<640000xi32, #tpu.memory_space<hbm>> -> memref<400xi32, #tpu.memory_space<hbm>>
        tpu.wait_dma2 semaphore(%run_scoped3A : memref<!tpu.dma_semaphore, #tpu.memory_space<semaphore_mem>>) src(%dma_wait3A_28 : memref<400xi32, #tpu.memory_space<hbm>>) dst(%arg6 : memref<400xi32, #tpu.memory_space<vmem>>)
        tpu.yield
      }) : () -> ()
      "tpu.region"() ({
        %run_scoped3A = tpu.sem_alloc : memref<!tpu.dma_semaphore, #tpu.memory_space<semaphore_mem>>
        %dma_start3A = arith.constant 0 : i32
        %dma_start3A_27 = tpu.memref_slice %arg6[%dma_start3A] : memref<400xi32, #tpu.memory_space<vmem>> -> memref<200xi32, #tpu.memory_space<vmem>>
        %dma_start3A_28 = arith.constant 0 : i32
        %dma_start3A_29 = arith.constant 0 : i32
        %dma_start3A_30 = tpu.memref_slice %arg2[%arg0, %dma_start3A_28, %dma_start3A_29] : memref<2x10000x128xf32, #tpu.memory_space<hbm>> -> memref<1x10000x128xf32, #tpu.memory_space<hbm>>
        %dma_start3A_31 = tpu.memref_squeeze %dma_start3A_30 : memref<1x10000x128xf32, #tpu.memory_space<hbm>> -> memref<10000x128xf32, #tpu.memory_space<hbm>>
        %dma_start3A_32 = arith.constant 0 : i32
        %dma_start3A_33 = arith.constant 0 : i32
        %dma_start3A_34 = tpu.memref_slice %dma_start3A_31[%dma_start3A_32, %dma_start3A_33] : memref<10000x128xf32, #tpu.memory_space<hbm>> -> memref<10000x128xf32, #tpu.memory_space<hbm>>
        tpu.enqueue_indirect_dma source(%dma_start3A_34 : memref<10000x128xf32, #tpu.memory_space<hbm>>) target(%arg7 : memref<200x128xf32, #tpu.memory_space<vmem>>) offsets(%dma_start3A_27 : memref<200xi32, #tpu.memory_space<vmem>>) semaphore(%run_scoped3A : memref<!tpu.dma_semaphore, #tpu.memory_space<semaphore_mem>>)
        %dma_wait3A = arith.constant 0 : i32
        %dma_wait3A_35 = tpu.memref_slice %arg6[%dma_wait3A] : memref<400xi32, #tpu.memory_space<vmem>> -> memref<200xi32, #tpu.memory_space<vmem>>
        %dma_wait3A_36 = arith.constant 0 : i32
        %dma_wait3A_37 = arith.constant 0 : i32
        %dma_wait3A_38 = tpu.memref_slice %arg2[%arg0, %dma_wait3A_36, %dma_wait3A_37] : memref<2x10000x128xf32, #tpu.memory_space<hbm>> -> memref<1x10000x128xf32, #tpu.memory_space<hbm>>
        %dma_wait3A_39 = tpu.memref_squeeze %dma_wait3A_38 : memref<1x10000x128xf32, #tpu.memory_space<hbm>> -> memref<10000x128xf32, #tpu.memory_space<hbm>>
        %dma_wait3A_40 = arith.constant 0 : i32
        %dma_wait3A_41 = arith.constant 0 : i32
        %dma_wait3A_42 = tpu.memref_slice %dma_wait3A_39[%dma_wait3A_40, %dma_wait3A_41] : memref<10000x128xf32, #tpu.memory_space<hbm>> -> memref<10000x128xf32, #tpu.memory_space<hbm>>
        tpu.wait_indirect_dma semaphore(%run_scoped3A : memref<!tpu.dma_semaphore, #tpu.memory_space<semaphore_mem>>) src(%dma_wait3A_42 : memref<10000x128xf32, #tpu.memory_space<hbm>>) dst(%arg7 : memref<200x128xf32, #tpu.memory_space<vmem>>)
        tpu.yield
      }) : () -> ()
      "tpu.region"() ({
        %run_scoped3A = tpu.sem_alloc : memref<!tpu.dma_semaphore, #tpu.memory_space<semaphore_mem>>
        %dma_start3A = arith.constant 200 : i32
        %dma_start3A_27 = tpu.memref_slice %arg6[%dma_start3A] : memref<400xi32, #tpu.memory_space<vmem>> -> memref<200xi32, #tpu.memory_space<vmem>>
        %dma_start3A_28 = arith.constant 0 : i32
        %dma_start3A_29 = arith.constant 0 : i32
        %dma_start3A_30 = tpu.memref_slice %arg8[%dma_start3A_28, %dma_start3A_29] : memref<10048x128xf32, #tpu.memory_space<vmem_shared>> -> memref<10048x128xf32, #tpu.memory_space<vmem_shared>>
        tpu.enqueue_indirect_dma source(%arg7 : memref<200x128xf32, #tpu.memory_space<vmem>>) target(%dma_start3A_30 : memref<10048x128xf32, #tpu.memory_space<vmem_shared>>) offsets(%dma_start3A_27 : memref<200xi32, #tpu.memory_space<vmem>>) semaphore(%run_scoped3A : memref<!tpu.dma_semaphore, #tpu.memory_space<semaphore_mem>>) {add = true}
        %dma_wait3A = arith.constant 200 : i32
        %dma_wait3A_31 = tpu.memref_slice %arg6[%dma_wait3A] : memref<400xi32, #tpu.memory_space<vmem>> -> memref<200xi32, #tpu.memory_space<vmem>>
        %dma_wait3A_32 = arith.constant 0 : i32
        %dma_wait3A_33 = arith.constant 0 : i32
        %dma_wait3A_34 = tpu.memref_slice %arg8[%dma_wait3A_32, %dma_wait3A_33] : memref<10048x128xf32, #tpu.memory_space<vmem_shared>> -> memref<10048x128xf32, #tpu.memory_space<vmem_shared>>
        tpu.wait_indirect_dma semaphore(%run_scoped3A : memref<!tpu.dma_semaphore, #tpu.memory_space<semaphore_mem>>) src(%arg7 : memref<200x128xf32, #tpu.memory_space<vmem>>) dst(%dma_wait3A_34 : memref<10048x128xf32, #tpu.memory_space<vmem_shared>>)
        tpu.yield
      }) : () -> ()
    }
    %scan3A_10 = arith.constant 100 : i32
    %barrier3A_11 = arith.constant 0 : index
    tpu.barrier barrier_id(%barrier3A_11)
    %lt3A_12 = arith.constant 15 : i32
    %lt3A_13 = arith.cmpi slt, %arg1, %lt3A_12 : i32
    %convert_element_type3A_14 = arith.extui %lt3A_13 : i1 to i32
    %cond3A_15 = arith.constant 0 : i32
    %cond3A_16 = arith.cmpi ne, %convert_element_type3A_14, %cond3A_15 : i32
    scf.if %cond3A_16 {
      %scan3A_22 = arith.constant 0 : i32
      %scan3A_23 = arith.constant 8 : i32
      %scan3A_24 = arith.addi %scan3A_22, %scan3A_23 : i32
      %scan3A_25 = arith.constant 1 : i32
      scf.for %scan3A_27 = %scan3A_22 to %scan3A_24 step %scan3A_25  : i32 {
        %mul3A_28 = arith.constant 80 : i32
        %mul3A_29 = arith.muli %scan3A_27, %mul3A_28 : i32
        %add3A = arith.constant 0 : i32
        %add3A_30 = arith.addi %add3A, %mul3A_29 : i32
        %mul3A_31 = arith.constant 640 : i32
        %mul3A_32 = arith.muli %arg1, %mul3A_31 : i32
        %add3A_33 = arith.addi %mul3A_32, %add3A_30 : i32
        "tpu.region"() ({
          %run_scoped3A = tpu.sem_alloc : memref<!tpu.dma_semaphore, #tpu.memory_space<semaphore_mem>>
          %dma_start3A = arith.constant 0 : i32
          %dma_start3A_34 = arith.constant 0 : i32
          %dma_start3A_35 = tpu.memref_slice %arg7[%dma_start3A, %dma_start3A_34] : memref<200x128xf32, #tpu.memory_space<vmem>> -> memref<80x128xf32, #tpu.memory_space<vmem>>
          %dma_start3A_36 = arith.constant 0 : i32
          %dma_start3A_37 = tpu.memref_slice %arg8[%add3A_33, %dma_start3A_36] : memref<10048x128xf32, #tpu.memory_space<vmem_shared>> -> memref<80x128xf32, #tpu.memory_space<vmem_shared>>
          %dma_start3A_38 = arith.constant 0 : i32
          %dma_start3A_39 = arith.constant 0 : i32
          %dma_start3A_40 = tpu.memref_slice %arg7[%dma_start3A_38, %dma_start3A_39] : memref<200x128xf32, #tpu.memory_space<vmem>> -> memref<80x128xf32, #tpu.memory_space<vmem>>
          %dma_start3A_41 = arith.constant 0 : i32
          %dma_start3A_42 = tpu.memref_slice %arg8[%add3A_33, %dma_start3A_41] : memref<10048x128xf32, #tpu.memory_space<vmem_shared>> -> memref<80x128xf32, #tpu.memory_space<vmem_shared>>
          tpu.enqueue_dma source(%dma_start3A_42 : memref<80x128xf32, #tpu.memory_space<vmem_shared>>) target(%dma_start3A_40 : memref<80x128xf32, #tpu.memory_space<vmem>>) target_semaphore(%run_scoped3A : memref<!tpu.dma_semaphore, #tpu.memory_space<semaphore_mem>>)
          %dma_wait3A = arith.constant 0 : i32
          %dma_wait3A_43 = arith.constant 0 : i32
          %dma_wait3A_44 = tpu.memref_slice %arg7[%dma_wait3A, %dma_wait3A_43] : memref<200x128xf32, #tpu.memory_space<vmem>> -> memref<80x128xf32, #tpu.memory_space<vmem>>
          %dma_wait3A_45 = arith.constant 0 : i32
          %dma_wait3A_46 = tpu.memref_slice %arg8[%add3A_33, %dma_wait3A_45] : memref<10048x128xf32, #tpu.memory_space<vmem_shared>> -> memref<80x128xf32, #tpu.memory_space<vmem_shared>>
          %dma_wait3A_47 = arith.constant 0 : i32
          %dma_wait3A_48 = arith.constant 0 : i32
          %dma_wait3A_49 = tpu.memref_slice %arg7[%dma_wait3A_47, %dma_wait3A_48] : memref<200x128xf32, #tpu.memory_space<vmem>> -> memref<80x128xf32, #tpu.memory_space<vmem>>
          %dma_wait3A_50 = arith.constant 0 : i32
          %dma_wait3A_51 = tpu.memref_slice %arg8[%add3A_33, %dma_wait3A_50] : memref<10048x128xf32, #tpu.memory_space<vmem_shared>> -> memref<80x128xf32, #tpu.memory_space<vmem_shared>>
          tpu.wait_dma2 semaphore(%run_scoped3A : memref<!tpu.dma_semaphore, #tpu.memory_space<semaphore_mem>>) src(%dma_wait3A_51 : memref<80x128xf32, #tpu.memory_space<vmem_shared>>) dst(%dma_wait3A_49 : memref<80x128xf32, #tpu.memory_space<vmem>>)
          tpu.yield
        }) : () -> ()
        "tpu.region"() ({
          %run_scoped3A = tpu.sem_alloc : memref<!tpu.dma_semaphore, #tpu.memory_space<semaphore_mem>>
          %dma_start3A = arith.constant 0 : i32
          %dma_start3A_34 = arith.constant 0 : i32
          %dma_start3A_35 = tpu.memref_slice %arg7[%dma_start3A, %dma_start3A_34] : memref<200x128xf32, #tpu.memory_space<vmem>> -> memref<80x128xf32, #tpu.memory_space<vmem>>
          %dma_start3A_36 = arith.constant 0 : i32
          %dma_start3A_37 = tpu.memref_slice %arg5[%arg0, %add3A_33, %dma_start3A_36] : memref<2x10000x128xf32, #tpu.memory_space<hbm>> -> memref<1x80x128xf32, #tpu.memory_space<hbm>>
          %dma_start3A_38 = tpu.memref_squeeze %dma_start3A_37 : memref<1x80x128xf32, #tpu.memory_space<hbm>> -> memref<80x128xf32, #tpu.memory_space<hbm>>
          %dma_start3A_39 = arith.constant 0 : i32
          %dma_start3A_40 = tpu.memref_slice %arg5[%arg0, %add3A_33, %dma_start3A_39] : memref<2x10000x128xf32, #tpu.memory_space<hbm>> -> memref<1x80x128xf32, #tpu.memory_space<hbm>>
          %dma_start3A_41 = tpu.memref_squeeze %dma_start3A_40 : memref<1x80x128xf32, #tpu.memory_space<hbm>> -> memref<80x128xf32, #tpu.memory_space<hbm>>
          %dma_start3A_42 = arith.constant 0 : i32
          %dma_start3A_43 = arith.constant 0 : i32
          %dma_start3A_44 = tpu.memref_slice %arg7[%dma_start3A_42, %dma_start3A_43] : memref<200x128xf32, #tpu.memory_space<vmem>> -> memref<80x128xf32, #tpu.memory_space<vmem>>
          tpu.enqueue_dma source(%dma_start3A_44 : memref<80x128xf32, #tpu.memory_space<vmem>>) target(%dma_start3A_41 : memref<80x128xf32, #tpu.memory_space<hbm>>) target_semaphore(%run_scoped3A : memref<!tpu.dma_semaphore, #tpu.memory_space<semaphore_mem>>)
          %dma_wait3A = arith.constant 0 : i32
          %dma_wait3A_45 = arith.constant 0 : i32
          %dma_wait3A_46 = tpu.memref_slice %arg7[%dma_wait3A, %dma_wait3A_45] : memref<200x128xf32, #tpu.memory_space<vmem>> -> memref<80x128xf32, #tpu.memory_space<vmem>>
          %dma_wait3A_47 = arith.constant 0 : i32
          %dma_wait3A_48 = tpu.memref_slice %arg5[%arg0, %add3A_33, %dma_wait3A_47] : memref<2x10000x128xf32, #tpu.memory_space<hbm>> -> memref<1x80x128xf32, #tpu.memory_space<hbm>>
          %dma_wait3A_49 = tpu.memref_squeeze %dma_wait3A_48 : memref<1x80x128xf32, #tpu.memory_space<hbm>> -> memref<80x128xf32, #tpu.memory_space<hbm>>
          %dma_wait3A_50 = arith.constant 0 : i32
          %dma_wait3A_51 = tpu.memref_slice %arg5[%arg0, %add3A_33, %dma_wait3A_50] : memref<2x10000x128xf32, #tpu.memory_space<hbm>> -> memref<1x80x128xf32, #tpu.memory_space<hbm>>
          %dma_wait3A_52 = tpu.memref_squeeze %dma_wait3A_51 : memref<1x80x128xf32, #tpu.memory_space<hbm>> -> memref<80x128xf32, #tpu.memory_space<hbm>>
          %dma_wait3A_53 = arith.constant 0 : i32
          %dma_wait3A_54 = arith.constant 0 : i32
          %dma_wait3A_55 = tpu.memref_slice %arg7[%dma_wait3A_53, %dma_wait3A_54] : memref<200x128xf32, #tpu.memory_space<vmem>> -> memref<80x128xf32, #tpu.memory_space<vmem>>
          tpu.wait_dma2 semaphore(%run_scoped3A : memref<!tpu.dma_semaphore, #tpu.memory_space<semaphore_mem>>) src(%dma_wait3A_55 : memref<80x128xf32, #tpu.memory_space<vmem>>) dst(%dma_wait3A_52 : memref<80x128xf32, #tpu.memory_space<hbm>>)
          tpu.yield
        }) : () -> ()
      }
      %scan3A_26 = arith.constant 8 : i32
    } else {
    }
    %eq3A_17 = arith.constant 15 : i32
    %eq3A_18 = arith.cmpi eq, %arg1, %eq3A_17 : i32
    %convert_element_type3A_19 = arith.extui %eq3A_18 : i1 to i32
    %cond3A_20 = arith.constant 0 : i32
    %cond3A_21 = arith.cmpi ne, %convert_element_type3A_19, %cond3A_20 : i32
    scf.if %cond3A_21 {
      %scan3A_22 = arith.constant 0 : i32
      %scan3A_23 = arith.constant 5 : i32
      %scan3A_24 = arith.addi %scan3A_22, %scan3A_23 : i32
      %scan3A_25 = arith.constant 1 : i32
      scf.for %scan3A_27 = %scan3A_22 to %scan3A_24 step %scan3A_25  : i32 {
        %mul3A_28 = arith.constant 80 : i32
        %mul3A_29 = arith.muli %scan3A_27, %mul3A_28 : i32
        %add3A = arith.constant 0 : i32
        %add3A_30 = arith.addi %add3A, %mul3A_29 : i32
        %add3A_31 = arith.constant 9600 : i32
        %add3A_32 = arith.addi %add3A_31, %add3A_30 : i32
        "tpu.region"() ({
          %run_scoped3A = tpu.sem_alloc : memref<!tpu.dma_semaphore, #tpu.memory_space<semaphore_mem>>
          %dma_start3A = arith.constant 0 : i32
          %dma_start3A_33 = arith.constant 0 : i32
          %dma_start3A_34 = tpu.memref_slice %arg7[%dma_start3A, %dma_start3A_33] : memref<200x128xf32, #tpu.memory_space<vmem>> -> memref<80x128xf32, #tpu.memory_space<vmem>>
          %dma_start3A_35 = arith.constant 0 : i32
          %dma_start3A_36 = tpu.memref_slice %arg8[%add3A_32, %dma_start3A_35] : memref<10048x128xf32, #tpu.memory_space<vmem_shared>> -> memref<80x128xf32, #tpu.memory_space<vmem_shared>>
          %dma_start3A_37 = arith.constant 0 : i32
          %dma_start3A_38 = arith.constant 0 : i32
          %dma_start3A_39 = tpu.memref_slice %arg7[%dma_start3A_37, %dma_start3A_38] : memref<200x128xf32, #tpu.memory_space<vmem>> -> memref<80x128xf32, #tpu.memory_space<vmem>>
          %dma_start3A_40 = arith.constant 0 : i32
          %dma_start3A_41 = tpu.memref_slice %arg8[%add3A_32, %dma_start3A_40] : memref<10048x128xf32, #tpu.memory_space<vmem_shared>> -> memref<80x128xf32, #tpu.memory_space<vmem_shared>>
          tpu.enqueue_dma source(%dma_start3A_41 : memref<80x128xf32, #tpu.memory_space<vmem_shared>>) target(%dma_start3A_39 : memref<80x128xf32, #tpu.memory_space<vmem>>) target_semaphore(%run_scoped3A : memref<!tpu.dma_semaphore, #tpu.memory_space<semaphore_mem>>)
          %dma_wait3A = arith.constant 0 : i32
          %dma_wait3A_42 = arith.constant 0 : i32
          %dma_wait3A_43 = tpu.memref_slice %arg7[%dma_wait3A, %dma_wait3A_42] : memref<200x128xf32, #tpu.memory_space<vmem>> -> memref<80x128xf32, #tpu.memory_space<vmem>>
          %dma_wait3A_44 = arith.constant 0 : i32
          %dma_wait3A_45 = tpu.memref_slice %arg8[%add3A_32, %dma_wait3A_44] : memref<10048x128xf32, #tpu.memory_space<vmem_shared>> -> memref<80x128xf32, #tpu.memory_space<vmem_shared>>
          %dma_wait3A_46 = arith.constant 0 : i32
          %dma_wait3A_47 = arith.constant 0 : i32
          %dma_wait3A_48 = tpu.memref_slice %arg7[%dma_wait3A_46, %dma_wait3A_47] : memref<200x128xf32, #tpu.memory_space<vmem>> -> memref<80x128xf32, #tpu.memory_space<vmem>>
          %dma_wait3A_49 = arith.constant 0 : i32
          %dma_wait3A_50 = tpu.memref_slice %arg8[%add3A_32, %dma_wait3A_49] : memref<10048x128xf32, #tpu.memory_space<vmem_shared>> -> memref<80x128xf32, #tpu.memory_space<vmem_shared>>
          tpu.wait_dma2 semaphore(%run_scoped3A : memref<!tpu.dma_semaphore, #tpu.memory_space<semaphore_mem>>) src(%dma_wait3A_50 : memref<80x128xf32, #tpu.memory_space<vmem_shared>>) dst(%dma_wait3A_48 : memref<80x128xf32, #tpu.memory_space<vmem>>)
          tpu.yield
        }) : () -> ()
        "tpu.region"() ({
          %run_scoped3A = tpu.sem_alloc : memref<!tpu.dma_semaphore, #tpu.memory_space<semaphore_mem>>
          %dma_start3A = arith.constant 0 : i32
          %dma_start3A_33 = arith.constant 0 : i32
          %dma_start3A_34 = tpu.memref_slice %arg7[%dma_start3A, %dma_start3A_33] : memref<200x128xf32, #tpu.memory_space<vmem>> -> memref<80x128xf32, #tpu.memory_space<vmem>>
          %dma_start3A_35 = arith.constant 0 : i32
          %dma_start3A_36 = tpu.memref_slice %arg5[%arg0, %add3A_32, %dma_start3A_35] : memref<2x10000x128xf32, #tpu.memory_space<hbm>> -> memref<1x80x128xf32, #tpu.memory_space<hbm>>
          %dma_start3A_37 = tpu.memref_squeeze %dma_start3A_36 : memref<1x80x128xf32, #tpu.memory_space<hbm>> -> memref<80x128xf32, #tpu.memory_space<hbm>>
          %dma_start3A_38 = arith.constant 0 : i32
          %dma_start3A_39 = tpu.memref_slice %arg5[%arg0, %add3A_32, %dma_start3A_38] : memref<2x10000x128xf32, #tpu.memory_space<hbm>> -> memref<1x80x128xf32, #tpu.memory_space<hbm>>
          %dma_start3A_40 = tpu.memref_squeeze %dma_start3A_39 : memref<1x80x128xf32, #tpu.memory_space<hbm>> -> memref<80x128xf32, #tpu.memory_space<hbm>>
          %dma_start3A_41 = arith.constant 0 : i32
          %dma_start3A_42 = arith.constant 0 : i32
          %dma_start3A_43 = tpu.memref_slice %arg7[%dma_start3A_41, %dma_start3A_42] : memref<200x128xf32, #tpu.memory_space<vmem>> -> memref<80x128xf32, #tpu.memory_space<vmem>>
          tpu.enqueue_dma source(%dma_start3A_43 : memref<80x128xf32, #tpu.memory_space<vmem>>) target(%dma_start3A_40 : memref<80x128xf32, #tpu.memory_space<hbm>>) target_semaphore(%run_scoped3A : memref<!tpu.dma_semaphore, #tpu.memory_space<semaphore_mem>>)
          %dma_wait3A = arith.constant 0 : i32
          %dma_wait3A_44 = arith.constant 0 : i32
          %dma_wait3A_45 = tpu.memref_slice %arg7[%dma_wait3A, %dma_wait3A_44] : memref<200x128xf32, #tpu.memory_space<vmem>> -> memref<80x128xf32, #tpu.memory_space<vmem>>
          %dma_wait3A_46 = arith.constant 0 : i32
          %dma_wait3A_47 = tpu.memref_slice %arg5[%arg0, %add3A_32, %dma_wait3A_46] : memref<2x10000x128xf32, #tpu.memory_space<hbm>> -> memref<1x80x128xf32, #tpu.memory_space<hbm>>
          %dma_wait3A_48 = tpu.memref_squeeze %dma_wait3A_47 : memref<1x80x128xf32, #tpu.memory_space<hbm>> -> memref<80x128xf32, #tpu.memory_space<hbm>>
          %dma_wait3A_49 = arith.constant 0 : i32
          %dma_wait3A_50 = tpu.memref_slice %arg5[%arg0, %add3A_32, %dma_wait3A_49] : memref<2x10000x128xf32, #tpu.memory_space<hbm>> -> memref<1x80x128xf32, #tpu.memory_space<hbm>>
          %dma_wait3A_51 = tpu.memref_squeeze %dma_wait3A_50 : memref<1x80x128xf32, #tpu.memory_space<hbm>> -> memref<80x128xf32, #tpu.memory_space<hbm>>
          %dma_wait3A_52 = arith.constant 0 : i32
          %dma_wait3A_53 = arith.constant 0 : i32
          %dma_wait3A_54 = tpu.memref_slice %arg7[%dma_wait3A_52, %dma_wait3A_53] : memref<200x128xf32, #tpu.memory_space<vmem>> -> memref<80x128xf32, #tpu.memory_space<vmem>>
          tpu.wait_dma2 semaphore(%run_scoped3A : memref<!tpu.dma_semaphore, #tpu.memory_space<semaphore_mem>>) src(%dma_wait3A_54 : memref<80x128xf32, #tpu.memory_space<vmem>>) dst(%dma_wait3A_51 : memref<80x128xf32, #tpu.memory_space<hbm>>)
          tpu.yield
        }) : () -> ()
      }
      %scan3A_26 = arith.constant 5 : i32
    } else {
    }
    return
  }
}

module attributes {stable_mosaic.version = 14 : i64} {
  func.func @body(%arg0: i32, %arg1: memref<4x2000x1xf32, #tpu.memory_space<vmem>>, %arg2: memref<2000x128xf32, #tpu.memory_space<vmem>>, %arg3: memref<2000x1xf32, #tpu.memory_space<vmem>>, %arg4: memref<2000x1xf32, #tpu.memory_space<vmem>>, %arg5: memref<2000x128xf32, #tpu.memory_space<vmem>>) attributes {dimension_semantics = [#tpu.dimension_semantics<arbitrary>], iteration_bounds = array<i64: 5>, scalar_prefetch = 0 : i64, scratch_operands = 0 : i64, tpu.core_type = #tpu.core_type<tc>, window_params = [{transform_indices = @transform_0, window_bounds = array<i64: 4, 2000, 1>}, {transform_indices = @transform_1, window_bounds = array<i64: 2000, 128>}, {transform_indices = @transform_2, window_bounds = array<i64: 2000, 1>}, {transform_indices = @transform_3, window_bounds = array<i64: 2000, 1>}, {transform_indices = @transform_4, window_bounds = array<i64: 2000, 128>}]} {
    %get3A = arith.constant 0 : index
    %get3A_0 = arith.constant 0 : index
    %get3A_1 = arith.constant 0 : index
    %get3A_2 = vector.load %arg1[%get3A, %get3A_0, %get3A_1] : memref<4x2000x1xf32, #tpu.memory_space<vmem>>, vector<1x2000x1xf32>
    %get3A_3 = vector.shape_cast %get3A_2 : vector<1x2000x1xf32> to vector<2000x1xf32>
    %get3A_4 = arith.constant 2 : index
    %get3A_5 = arith.constant 0 : index
    %get3A_6 = arith.constant 0 : index
    %get3A_7 = vector.load %arg1[%get3A_4, %get3A_5, %get3A_6] : memref<4x2000x1xf32, #tpu.memory_space<vmem>>, vector<1x2000x1xf32>
    %get3A_8 = vector.shape_cast %get3A_7 : vector<1x2000x1xf32> to vector<2000x1xf32>
    %add3A = arith.addf %get3A_3, %get3A_8 : vector<2000x1xf32>
    %get3A_9 = arith.constant 1 : index
    %get3A_10 = arith.constant 0 : index
    %get3A_11 = arith.constant 0 : index
    %get3A_12 = vector.load %arg1[%get3A_9, %get3A_10, %get3A_11] : memref<4x2000x1xf32, #tpu.memory_space<vmem>>, vector<1x2000x1xf32>
    %get3A_13 = vector.shape_cast %get3A_12 : vector<1x2000x1xf32> to vector<2000x1xf32>
    %get3A_14 = arith.constant 3 : index
    %get3A_15 = arith.constant 0 : index
    %get3A_16 = arith.constant 0 : index
    %get3A_17 = vector.load %arg1[%get3A_14, %get3A_15, %get3A_16] : memref<4x2000x1xf32, #tpu.memory_space<vmem>>, vector<1x2000x1xf32>
    %get3A_18 = vector.shape_cast %get3A_17 : vector<1x2000x1xf32> to vector<2000x1xf32>
    %add3A_19 = arith.addf %get3A_13, %get3A_18 : vector<2000x1xf32>
    %max3A = arith.constant 1.000000e+00 : f32
    %max3A_20 = vector.broadcast %max3A : f32 to vector<2000x1xf32>
    %max3A_21 = arith.maximumf %add3A, %max3A_20 : vector<2000x1xf32>
    %rsqrt3A = math.rsqrt %max3A_21 : vector<2000x1xf32>
    %max3A_22 = arith.constant 1.000000e+00 : f32
    %max3A_23 = vector.broadcast %max3A_22 : f32 to vector<2000x1xf32>
    %max3A_24 = arith.maximumf %add3A_19, %max3A_23 : vector<2000x1xf32>
    %rsqrt3A_25 = math.rsqrt %max3A_24 : vector<2000x1xf32>
    %swap3A = arith.constant 0 : index
    %swap3A_26 = arith.constant 0 : index
    %swap3A_27 = vector.load %arg3[%swap3A, %swap3A_26] : memref<2000x1xf32, #tpu.memory_space<vmem>>, vector<2000x1xf32>
    tpu.vector_store %arg3[%swap3A, %swap3A_26], %rsqrt3A {strides = array<i32>} : memref<2000x1xf32, #tpu.memory_space<vmem>>, vector<2000x1xf32>,
    %swap3A_28 = arith.constant 0 : index
    %swap3A_29 = arith.constant 0 : index
    %swap3A_30 = vector.load %arg4[%swap3A_28, %swap3A_29] : memref<2000x1xf32, #tpu.memory_space<vmem>>, vector<2000x1xf32>
    tpu.vector_store %arg4[%swap3A_28, %swap3A_29], %rsqrt3A_25 {strides = array<i32>} : memref<2000x1xf32, #tpu.memory_space<vmem>>, vector<2000x1xf32>,
    %get3A_31 = arith.constant 0 : index
    %get3A_32 = arith.constant 0 : index
    %get3A_33 = vector.load %arg2[%get3A_31, %get3A_32] : memref<2000x128xf32, #tpu.memory_space<vmem>>, vector<2000x128xf32>
    %mul3A = vector.broadcast %rsqrt3A : vector<2000x1xf32> to vector<2000x128xf32>
    %mul3A_34 = arith.mulf %get3A_33, %mul3A : vector<2000x128xf32>
    %swap3A_35 = arith.constant 0 : index
    %swap3A_36 = arith.constant 0 : index
    %swap3A_37 = vector.load %arg5[%swap3A_35, %swap3A_36] : memref<2000x128xf32, #tpu.memory_space<vmem>>, vector<2000x128xf32>
    tpu.vector_store %arg5[%swap3A_35, %swap3A_36], %mul3A_34 {strides = array<i32>} : memref<2000x128xf32, #tpu.memory_space<vmem>>, vector<2000x128xf32>,
    return
  }
  func.func @transform_0(%arg0: i32) -> (i32, i32, i32) {
    %c0_i32 = arith.constant 0 : i32
    %c0_i32_0 = arith.constant 0 : i32
    %c0_i32_1 = arith.constant 0 : i32
    return %c0_i32, %arg0, %c0_i32_0 : i32, i32, i32
  }
  func.func @transform_1(%arg0: i32) -> (i32, i32) {
    %c0_i32 = arith.constant 0 : i32
    %c0_i32_0 = arith.constant 0 : i32
    return %arg0, %c0_i32 : i32, i32
  }
  func.func @transform_2(%arg0: i32) -> (i32, i32) {
    %c0_i32 = arith.constant 0 : i32
    %c0_i32_0 = arith.constant 0 : i32
    return %arg0, %c0_i32 : i32, i32
  }
  func.func @transform_3(%arg0: i32) -> (i32, i32) {
    %c0_i32 = arith.constant 0 : i32
    %c0_i32_0 = arith.constant 0 : i32
    return %arg0, %c0_i32 : i32, i32
  }
  func.func @transform_4(%arg0: i32) -> (i32, i32) {
    %c0_i32 = arith.constant 0 : i32
    %c0_i32_0 = arith.constant 0 : i32
    return %arg0, %c0_i32 : i32, i32
  }
}

module attributes {stable_mosaic.version = 14 : i64} {
  func.func @body(%arg0: i32, %arg1: memref<2x2000x128xf32, #tpu.memory_space<vmem>>, %arg2: memref<2000x1xf32, #tpu.memory_space<vmem>>, %arg3: memref<2000x1xf32, #tpu.memory_space<vmem>>, %arg4: memref<128x256xf32, #tpu.memory_space<vmem>>, %arg5: memref<256xf32, #tpu.memory_space<vmem>>, %arg6: memref<2x2000x128xf32, #tpu.memory_space<vmem>>) attributes {dimension_semantics = [#tpu.dimension_semantics<arbitrary>], iteration_bounds = array<i64: 5>, scalar_prefetch = 0 : i64, scratch_operands = 0 : i64, tpu.core_type = #tpu.core_type<tc>, window_params = [{transform_indices = @transform_0, window_bounds = array<i64: 2, 2000, 128>}, {transform_indices = @transform_1, window_bounds = array<i64: 2000, 1>}, {transform_indices = @transform_2, window_bounds = array<i64: 2000, 1>}, {pipeline_mode = #tpu.pipeline_mode<synchronous>, transform_indices = @transform_3, window_bounds = array<i64: 128, 256>}, {pipeline_mode = #tpu.pipeline_mode<synchronous>, transform_indices = @transform_4, window_bounds = array<i64: 256>}, {transform_indices = @transform_5, window_bounds = array<i64: 2, 2000, 128>}]} {
    %get3A = arith.constant 0 : index
    %get3A_0 = arith.constant 0 : index
    %get3A_1 = arith.constant 0 : index
    %get3A_2 = vector.load %arg1[%get3A, %get3A_0, %get3A_1] : memref<2x2000x128xf32, #tpu.memory_space<vmem>>, vector<1x2000x128xf32>
    %get3A_3 = vector.shape_cast %get3A_2 : vector<1x2000x128xf32> to vector<2000x128xf32>
    %get3A_4 = arith.constant 1 : index
    %get3A_5 = arith.constant 0 : index
    %get3A_6 = arith.constant 0 : index
    %get3A_7 = vector.load %arg1[%get3A_4, %get3A_5, %get3A_6] : memref<2x2000x128xf32, #tpu.memory_space<vmem>>, vector<1x2000x128xf32>
    %get3A_8 = vector.shape_cast %get3A_7 : vector<1x2000x128xf32> to vector<2000x128xf32>
    %add3A = arith.addf %get3A_3, %get3A_8 : vector<2000x128xf32>
    %get3A_9 = arith.constant 0 : index
    %get3A_10 = arith.constant 0 : index
    %get3A_11 = vector.load %arg2[%get3A_9, %get3A_10] : memref<2000x1xf32, #tpu.memory_space<vmem>>, vector<2000x1xf32>
    %mul3A = vector.broadcast %get3A_11 : vector<2000x1xf32> to vector<2000x128xf32>
    %mul3A_12 = arith.mulf %add3A, %mul3A : vector<2000x128xf32>
    %get3A_13 = arith.constant 0 : index
    %get3A_14 = arith.constant 0 : index
    %get3A_15 = vector.load %arg4[%get3A_13, %get3A_14] : memref<128x256xf32, #tpu.memory_space<vmem>>, vector<128x256xf32>
    %dot_general3A = arith.constant dense<0.000000e+00> : vector<2000x256xf32>
    %dot_general3A_16 = tpu.matmul %mul3A_12, %get3A_15, %dot_general3A {dimension_numbers = #tpu.dot_dimension_numbers<[1], [0], [0], [1], [0, 0, 1, 1], [], []>, transpose_lhs_hint = false} : vector<2000x128xf32>, vector<128x256xf32>, vector<2000x256xf32> -> vector<2000x256xf32>
    %get3A_17 = arith.constant 0 : index
    %get3A_18 = vector.load %arg5[%get3A_17] : memref<256xf32, #tpu.memory_space<vmem>>, vector<256xf32>
    %broadcast_in_dim3A = vector.shape_cast %get3A_18 : vector<256xf32> to vector<1x256xf32>
    %add3A_19 = vector.broadcast %broadcast_in_dim3A : vector<1x256xf32> to vector<2000x256xf32>
    %add3A_20 = arith.addf %dot_general3A_16, %add3A_19 : vector<2000x256xf32>
    %max3A = arith.constant 0.000000e+00 : f32
    %max3A_21 = vector.broadcast %max3A : f32 to vector<2000x256xf32>
    %max3A_22 = arith.maximumf %add3A_20, %max3A_21 : vector<2000x256xf32>
    %get3A_23 = arith.constant 0 : index
    %get3A_24 = arith.constant 0 : index
    %get3A_25 = vector.load %arg3[%get3A_23, %get3A_24] : memref<2000x1xf32, #tpu.memory_space<vmem>>, vector<2000x1xf32>
    %mul3A_26 = vector.broadcast %get3A_25 : vector<2000x1xf32> to vector<2000x256xf32>
    %mul3A_27 = arith.mulf %max3A_22, %mul3A_26 : vector<2000x256xf32>
    %slice3A = vector.extract_strided_slice %mul3A_27 {offsets = [0, 0], sizes = [2000, 128], strides = [1, 1]} : vector<2000x256xf32> to vector<2000x128xf32>
    %swap3A = arith.constant 0 : index
    %swap3A_28 = arith.constant 0 : index
    %swap3A_29 = arith.constant 0 : index
    %swap3A_30 = vector.load %arg6[%swap3A, %swap3A_28, %swap3A_29] : memref<2x2000x128xf32, #tpu.memory_space<vmem>>, vector<1x2000x128xf32>
    %swap3A_31 = vector.shape_cast %swap3A_30 : vector<1x2000x128xf32> to vector<2000x128xf32>
    %swap3A_32 = vector.shape_cast %slice3A : vector<2000x128xf32> to vector<1x2000x128xf32>
    tpu.vector_store %arg6[%swap3A, %swap3A_28, %swap3A_29], %swap3A_32 {strides = array<i32>} : memref<2x2000x128xf32, #tpu.memory_space<vmem>>, vector<1x2000x128xf32>,
    %slice3A_33 = vector.extract_strided_slice %mul3A_27 {offsets = [0, 128], sizes = [2000, 128], strides = [1, 1]} : vector<2000x256xf32> to vector<2000x128xf32>
    %swap3A_34 = arith.constant 1 : index
    %swap3A_35 = arith.constant 0 : index
    %swap3A_36 = arith.constant 0 : index
    %swap3A_37 = vector.load %arg6[%swap3A_34, %swap3A_35, %swap3A_36] : memref<2x2000x128xf32, #tpu.memory_space<vmem>>, vector<1x2000x128xf32>
    %swap3A_38 = vector.shape_cast %swap3A_37 : vector<1x2000x128xf32> to vector<2000x128xf32>
    %swap3A_39 = vector.shape_cast %slice3A_33 : vector<2000x128xf32> to vector<1x2000x128xf32>
    tpu.vector_store %arg6[%swap3A_34, %swap3A_35, %swap3A_36], %swap3A_39 {strides = array<i32>} : memref<2x2000x128xf32, #tpu.memory_space<vmem>>, vector<1x2000x128xf32>,
    return
  }
  func.func @transform_0(%arg0: i32) -> (i32, i32, i32) {
    %c0_i32 = arith.constant 0 : i32
    %c0_i32_0 = arith.constant 0 : i32
    %c0_i32_1 = arith.constant 0 : i32
    return %c0_i32, %arg0, %c0_i32_0 : i32, i32, i32
  }
  func.func @transform_1(%arg0: i32) -> (i32, i32) {
    %c0_i32 = arith.constant 0 : i32
    %c0_i32_0 = arith.constant 0 : i32
    return %arg0, %c0_i32 : i32, i32
  }
  func.func @transform_2(%arg0: i32) -> (i32, i32) {
    %c0_i32 = arith.constant 0 : i32
    %c0_i32_0 = arith.constant 0 : i32
    return %arg0, %c0_i32 : i32, i32
  }
  func.func @transform_3(%arg0: i32) -> (i32, i32) {
    %c0_i32 = arith.constant 0 : i32
    %c0_i32_0 = arith.constant 0 : i32
    %c0_i32_1 = arith.constant 0 : i32
    return %c0_i32, %c0_i32_0 : i32, i32
  }
  func.func @transform_4(%arg0: i32) -> i32 {
    %c0_i32 = arith.constant 0 : i32
    %c0_i32_0 = arith.constant 0 : i32
    return %c0_i32 : i32
  }
  func.func @transform_5(%arg0: i32) -> (i32, i32, i32) {
    %c0_i32 = arith.constant 0 : i32
    %c0_i32_0 = arith.constant 0 : i32
    %c0_i32_1 = arith.constant 0 : i32
    return %c0_i32, %arg0, %c0_i32_0 : i32, i32, i32
  }
}

module attributes {stable_mosaic.version = 14 : i64} {
  func.func @body(%arg0: i32, %arg1: memref<2x2000x128xf32, #tpu.memory_space<vmem>>, %arg2: memref<2000x1xf32, #tpu.memory_space<vmem>>, %arg3: memref<256x256xf32, #tpu.memory_space<vmem>>, %arg4: memref<256xf32, #tpu.memory_space<vmem>>, %arg5: memref<256x256xf32, #tpu.memory_space<vmem>>, %arg6: memref<256xf32, #tpu.memory_space<vmem>>, %arg7: memref<256xf32, #tpu.memory_space<vmem>>, %arg8: memref<256xf32, #tpu.memory_space<vmem>>, %arg9: memref<256x64xf32, #tpu.memory_space<vmem>>, %arg10: memref<64xf32, #tpu.memory_space<vmem>>, %arg11: memref<64xf32, #tpu.memory_space<vmem>>, %arg12: memref<64xf32, #tpu.memory_space<vmem>>, %arg13: memref<64x256xf32, #tpu.memory_space<vmem>>, %arg14: memref<256xf32, #tpu.memory_space<vmem>>, %arg15: memref<256xf32, #tpu.memory_space<vmem>>, %arg16: memref<256xf32, #tpu.memory_space<vmem>>, %arg17: memref<256x256xf32, #tpu.memory_space<vmem>>, %arg18: memref<256xf32, #tpu.memory_space<vmem>>, %arg19: memref<256xf32, #tpu.memory_space<vmem>>, %arg20: memref<256xf32, #tpu.memory_space<vmem>>, %arg21: memref<256x256xf32, #tpu.memory_space<vmem>>, %arg22: memref<256xf32, #tpu.memory_space<vmem>>, %arg23: memref<256xf32, #tpu.memory_space<vmem>>, %arg24: memref<256xf32, #tpu.memory_space<vmem>>, %arg25: memref<256x128xf32, #tpu.memory_space<vmem>>, %arg26: memref<128xf32, #tpu.memory_space<vmem>>, %arg27: memref<2000x128xf32, #tpu.memory_space<vmem>>) attributes {dimension_semantics = [#tpu.dimension_semantics<arbitrary>], iteration_bounds = array<i64: 5>, scalar_prefetch = 0 : i64, scratch_operands = 0 : i64, tpu.core_type = #tpu.core_type<tc>, window_params = [{transform_indices = @transform_0, window_bounds = array<i64: 2, 2000, 128>}, {transform_indices = @transform_1, window_bounds = array<i64: 2000, 1>}, {pipeline_mode = #tpu.pipeline_mode<synchronous>, transform_indices = @transform_2, window_bounds = array<i64: 256, 256>}, {pipeline_mode = #tpu.pipeline_mode<synchronous>, transform_indices = @transform_3, window_bounds = array<i64: 256>}, {pipeline_mode = #tpu.pipeline_mode<synchronous>, transform_indices = @transform_4, window_bounds = array<i64: 256, 256>}, {pipeline_mode = #tpu.pipeline_mode<synchronous>, transform_indices = @transform_5, window_bounds = array<i64: 256>}, {pipeline_mode = #tpu.pipeline_mode<synchronous>, transform_indices = @transform_6, window_bounds = array<i64: 256>}, {pipeline_mode = #tpu.pipeline_mode<synchronous>, transform_indices = @transform_7, window_bounds = array<i64: 256>}, {pipeline_mode = #tpu.pipeline_mode<synchronous>, transform_indices = @transform_8, window_bounds = array<i64: 256, 64>}, {pipeline_mode = #tpu.pipeline_mode<synchronous>, transform_indices = @transform_9, window_bounds = array<i64: 64>}, {pipeline_mode = #tpu.pipeline_mode<synchronous>, transform_indices = @transform_10, window_bounds = array<i64: 64>}, {pipeline_mode = #tpu.pipeline_mode<synchronous>, transform_indices = @transform_11, window_bounds = array<i64: 64>}, {pipeline_mode = #tpu.pipeline_mode<synchronous>, transform_indices = @transform_12, window_bounds = array<i64: 64, 256>}, {pipeline_mode = #tpu.pipeline_mode<synchronous>, transform_indices = @transform_13, window_bounds = array<i64: 256>}, {pipeline_mode = #tpu.pipeline_mode<synchronous>, transform_indices = @transform_14, window_bounds = array<i64: 256>}, {pipeline_mode = #tpu.pipeline_mode<synchronous>, transform_indices = @transform_15, window_bounds = array<i64: 256>}, {pipeline_mode = #tpu.pipeline_mode<synchronous>, transform_indices = @transform_16, window_bounds = array<i64: 256, 256>}, {pipeline_mode = #tpu.pipeline_mode<synchronous>, transform_indices = @transform_17, window_bounds = array<i64: 256>}, {pipeline_mode = #tpu.pipeline_mode<synchronous>, transform_indices = @transform_18, window_bounds = array<i64: 256>}, {pipeline_mode = #tpu.pipeline_mode<synchronous>, transform_indices = @transform_19, window_bounds = array<i64: 256>}, {pipeline_mode = #tpu.pipeline_mode<synchronous>, transform_indices = @transform_20, window_bounds = array<i64: 256, 256>}, {pipeline_mode = #tpu.pipeline_mode<synchronous>, transform_indices = @transform_21, window_bounds = array<i64: 256>}, {pipeline_mode = #tpu.pipeline_mode<synchronous>, transform_indices = @transform_22, window_bounds = array<i64: 256>}, {pipeline_mode = #tpu.pipeline_mode<synchronous>, transform_indices = @transform_23, window_bounds = array<i64: 256>}, {pipeline_mode = #tpu.pipeline_mode<synchronous>, transform_indices = @transform_24, window_bounds = array<i64: 256, 128>}, {pipeline_mode = #tpu.pipeline_mode<synchronous>, transform_indices = @transform_25, window_bounds = array<i64: 128>}, {transform_indices = @transform_26, window_bounds = array<i64: 2000, 128>}]} {
    %get3A = arith.constant 0 : index
    %get3A_0 = arith.constant 0 : index
    %get3A_1 = arith.constant 0 : index
    %get3A_2 = vector.load %arg1[%get3A, %get3A_0, %get3A_1] : memref<2x2000x128xf32, #tpu.memory_space<vmem>>, vector<1x2000x128xf32>
    %get3A_3 = vector.shape_cast %get3A_2 : vector<1x2000x128xf32> to vector<2000x128xf32>
    %get3A_4 = arith.constant 1 : index
    %get3A_5 = arith.constant 0 : index
    %get3A_6 = arith.constant 0 : index
    %get3A_7 = vector.load %arg1[%get3A_4, %get3A_5, %get3A_6] : memref<2x2000x128xf32, #tpu.memory_space<vmem>>, vector<1x2000x128xf32>
    %get3A_8 = vector.shape_cast %get3A_7 : vector<1x2000x128xf32> to vector<2000x128xf32>
    %concatenate3A = tpu.concatenate %get3A_3, %get3A_8 in 1 : vector<2000x128xf32>, vector<2000x128xf32> -> vector<2000x256xf32>
    %get3A_9 = arith.constant 0 : index
    %get3A_10 = arith.constant 0 : index
    %get3A_11 = vector.load %arg2[%get3A_9, %get3A_10] : memref<2000x1xf32, #tpu.memory_space<vmem>>, vector<2000x1xf32>
    %mul3A = vector.broadcast %get3A_11 : vector<2000x1xf32> to vector<2000x256xf32>
    %mul3A_12 = arith.mulf %concatenate3A, %mul3A : vector<2000x256xf32>
    %get3A_13 = arith.constant 0 : index
    %get3A_14 = arith.constant 0 : index
    %get3A_15 = vector.load %arg3[%get3A_13, %get3A_14] : memref<256x256xf32, #tpu.memory_space<vmem>>, vector<256x256xf32>
    %dot_general3A = arith.constant dense<0.000000e+00> : vector<2000x256xf32>
    %dot_general3A_16 = tpu.matmul %mul3A_12, %get3A_15, %dot_general3A {dimension_numbers = #tpu.dot_dimension_numbers<[1], [0], [0], [1], [0, 0, 1, 1], [], []>, transpose_lhs_hint = false} : vector<2000x256xf32>, vector<256x256xf32>, vector<2000x256xf32> -> vector<2000x256xf32>
    %get3A_17 = arith.constant 0 : index
    %get3A_18 = vector.load %arg4[%get3A_17] : memref<256xf32, #tpu.memory_space<vmem>>, vector<256xf32>
    %broadcast_in_dim3A = vector.shape_cast %get3A_18 : vector<256xf32> to vector<1x256xf32>
    %add3A = vector.broadcast %broadcast_in_dim3A : vector<1x256xf32> to vector<2000x256xf32>
    %add3A_19 = arith.addf %dot_general3A_16, %add3A : vector<2000x256xf32>
    %max3A = arith.constant 0.000000e+00 : f32
    %max3A_20 = vector.broadcast %max3A : f32 to vector<2000x256xf32>
    %max3A_21 = arith.maximumf %add3A_19, %max3A_20 : vector<2000x256xf32>
    %get3A_22 = arith.constant 0 : index
    %get3A_23 = arith.constant 0 : index
    %get3A_24 = vector.load %arg5[%get3A_22, %get3A_23] : memref<256x256xf32, #tpu.memory_space<vmem>>, vector<256x256xf32>
    %dot_general3A_25 = arith.constant dense<0.000000e+00> : vector<2000x256xf32>
    %dot_general3A_26 = tpu.matmul %max3A_21, %get3A_24, %dot_general3A_25 {dimension_numbers = #tpu.dot_dimension_numbers<[1], [0], [0], [1], [0, 0, 1, 1], [], []>, transpose_lhs_hint = false} : vector<2000x256xf32>, vector<256x256xf32>, vector<2000x256xf32> -> vector<2000x256xf32>
    %get3A_27 = arith.constant 0 : index
    %get3A_28 = vector.load %arg6[%get3A_27] : memref<256xf32, #tpu.memory_space<vmem>>, vector<256xf32>
    %broadcast_in_dim3A_29 = vector.shape_cast %get3A_28 : vector<256xf32> to vector<1x256xf32>
    %add3A_30 = vector.broadcast %broadcast_in_dim3A_29 : vector<1x256xf32> to vector<2000x256xf32>
    %add3A_31 = arith.addf %dot_general3A_26, %add3A_30 : vector<2000x256xf32>
    %max3A_32 = arith.constant 0.000000e+00 : f32
    %max3A_33 = vector.broadcast %max3A_32 : f32 to vector<2000x256xf32>
    %max3A_34 = arith.maximumf %add3A_31, %max3A_33 : vector<2000x256xf32>
    %get3A_35 = arith.constant 0 : index
    %get3A_36 = vector.load %arg7[%get3A_35] : memref<256xf32, #tpu.memory_space<vmem>>, vector<256xf32>
    %get3A_37 = arith.constant 0 : index
    %get3A_38 = vector.load %arg8[%get3A_37] : memref<256xf32, #tpu.memory_space<vmem>>, vector<256xf32>
    %reduce_sum3A = arith.constant dense<0.000000e+00> : vector<2000xf32>
    %reduce_sum3A_39 = vector.multi_reduction <add>, %max3A_34, %reduce_sum3A [1] : vector<2000x256xf32> to vector<2000xf32>
    %broadcast_in_dim3A_40 = vector.shape_cast %reduce_sum3A_39 : vector<2000xf32> to vector<2000x1xf32>
    %div3A = arith.constant 2.560000e+02 : f32
    %div3A_41 = vector.broadcast %div3A : f32 to vector<2000x1xf32>
    %div3A_42 = arith.divf %broadcast_in_dim3A_40, %div3A_41 : vector<2000x1xf32>
    %jit3A = arith.constant 0 : i32
    %reduce_sum3A_43 = arith.constant dense<0.000000e+00> : vector<2000xf32>
    %reduce_sum3A_44 = vector.multi_reduction <add>, %max3A_34, %reduce_sum3A_43 [1] : vector<2000x256xf32> to vector<2000xf32>
    %broadcast_in_dim3A_45 = vector.shape_cast %reduce_sum3A_44 : vector<2000xf32> to vector<2000x1xf32>
    %div3A_46 = arith.constant 2.560000e+02 : f32
    %div3A_47 = vector.broadcast %div3A_46 : f32 to vector<2000x1xf32>
    %div3A_48 = arith.divf %broadcast_in_dim3A_45, %div3A_47 : vector<2000x1xf32>
    %sub3A = vector.broadcast %div3A_48 : vector<2000x1xf32> to vector<2000x256xf32>
    %sub3A_49 = arith.subf %max3A_34, %sub3A : vector<2000x256xf32>
    %square3A = arith.mulf %sub3A_49, %sub3A_49 : vector<2000x256xf32>
    %convert_element_type3A = arith.sitofp %jit3A : i32 to f32
    %sub3A_50 = arith.constant 2.560000e+02 : f32
    %sub3A_51 = arith.subf %sub3A_50, %convert_element_type3A : f32
    %reduce_sum3A_52 = arith.constant dense<0.000000e+00> : vector<2000xf32>
    %reduce_sum3A_53 = vector.multi_reduction <add>, %square3A, %reduce_sum3A_52 [1] : vector<2000x256xf32> to vector<2000xf32>
    %broadcast_in_dim3A_54 = vector.shape_cast %reduce_sum3A_53 : vector<2000xf32> to vector<2000x1xf32>
    %div3A_55 = vector.broadcast %sub3A_51 : f32 to vector<2000x1xf32>
    %div3A_56 = arith.divf %broadcast_in_dim3A_54, %div3A_55 : vector<2000x1xf32>
    %gt3A = arith.constant 0.000000e+00 : f32
    %gt3A_57 = arith.cmpf ogt, %sub3A_51, %gt3A : f32
    %jit3A_58 = arith.constant 0x7FC00000 : f32
    %broadcast_in_dim3A_59 = vector.broadcast %jit3A_58 : f32 to vector<2000x1xf32>
    %select_n3A = arith.select %gt3A_57, %div3A_56, %broadcast_in_dim3A_59 : vector<2000x1xf32>
    %sub3A_60 = vector.broadcast %div3A_42 : vector<2000x1xf32> to vector<2000x256xf32>
    %sub3A_61 = arith.subf %max3A_34, %sub3A_60 : vector<2000x256xf32>
    %add3A_62 = arith.constant 9.99999974E-6 : f32
    %add3A_63 = vector.broadcast %add3A_62 : f32 to vector<2000x1xf32>
    %add3A_64 = arith.addf %select_n3A, %add3A_63 : vector<2000x1xf32>
    %sqrt3A = math.sqrt %add3A_64 : vector<2000x1xf32>
    %div3A_65 = vector.broadcast %sqrt3A : vector<2000x1xf32> to vector<2000x256xf32>
    %div3A_66 = arith.divf %sub3A_61, %div3A_65 : vector<2000x256xf32>
    %broadcast_in_dim3A_67 = vector.shape_cast %get3A_36 : vector<256xf32> to vector<1x256xf32>
    %mul3A_68 = vector.broadcast %broadcast_in_dim3A_67 : vector<1x256xf32> to vector<2000x256xf32>
    %mul3A_69 = arith.mulf %div3A_66, %mul3A_68 : vector<2000x256xf32>
    %broadcast_in_dim3A_70 = vector.shape_cast %get3A_38 : vector<256xf32> to vector<1x256xf32>
    %add3A_71 = vector.broadcast %broadcast_in_dim3A_70 : vector<1x256xf32> to vector<2000x256xf32>
    %add3A_72 = arith.addf %mul3A_69, %add3A_71 : vector<2000x256xf32>
    %get3A_73 = arith.constant 0 : index
    %get3A_74 = arith.constant 0 : index
    %get3A_75 = vector.load %arg9[%get3A_73, %get3A_74] : memref<256x64xf32, #tpu.memory_space<vmem>>, vector<256x64xf32>
    %dot_general3A_76 = arith.constant dense<0.000000e+00> : vector<2000x64xf32>
    %dot_general3A_77 = tpu.matmul %add3A_72, %get3A_75, %dot_general3A_76 {dimension_numbers = #tpu.dot_dimension_numbers<[1], [0], [0], [1], [0, 0, 1, 1], [], []>, transpose_lhs_hint = false} : vector<2000x256xf32>, vector<256x64xf32>, vector<2000x64xf32> -> vector<2000x64xf32>
    %get3A_78 = arith.constant 0 : index
    %get3A_79 = vector.load %arg10[%get3A_78] : memref<64xf32, #tpu.memory_space<vmem>>, vector<64xf32>
    %broadcast_in_dim3A_80 = vector.shape_cast %get3A_79 : vector<64xf32> to vector<1x64xf32>
    %add3A_81 = vector.broadcast %broadcast_in_dim3A_80 : vector<1x64xf32> to vector<2000x64xf32>
    %add3A_82 = arith.addf %dot_general3A_77, %add3A_81 : vector<2000x64xf32>
    %max3A_83 = arith.constant 0.000000e+00 : f32
    %max3A_84 = vector.broadcast %max3A_83 : f32 to vector<2000x64xf32>
    %max3A_85 = arith.maximumf %add3A_82, %max3A_84 : vector<2000x64xf32>
    %get3A_86 = arith.constant 0 : index
    %get3A_87 = vector.load %arg11[%get3A_86] : memref<64xf32, #tpu.memory_space<vmem>>, vector<64xf32>
    %get3A_88 = arith.constant 0 : index
    %get3A_89 = vector.load %arg12[%get3A_88] : memref<64xf32, #tpu.memory_space<vmem>>, vector<64xf32>
    %reduce_sum3A_90 = arith.constant dense<0.000000e+00> : vector<2000xf32>
    %reduce_sum3A_91 = vector.multi_reduction <add>, %max3A_85, %reduce_sum3A_90 [1] : vector<2000x64xf32> to vector<2000xf32>
    %broadcast_in_dim3A_92 = vector.shape_cast %reduce_sum3A_91 : vector<2000xf32> to vector<2000x1xf32>
    %div3A_93 = arith.constant 6.400000e+01 : f32
    %div3A_94 = vector.broadcast %div3A_93 : f32 to vector<2000x1xf32>
    %div3A_95 = arith.divf %broadcast_in_dim3A_92, %div3A_94 : vector<2000x1xf32>
    %jit3A_96 = arith.constant 0 : i32
    %reduce_sum3A_97 = arith.constant dense<0.000000e+00> : vector<2000xf32>
    %reduce_sum3A_98 = vector.multi_reduction <add>, %max3A_85, %reduce_sum3A_97 [1] : vector<2000x64xf32> to vector<2000xf32>
    %broadcast_in_dim3A_99 = vector.shape_cast %reduce_sum3A_98 : vector<2000xf32> to vector<2000x1xf32>
    %div3A_100 = arith.constant 6.400000e+01 : f32
    %div3A_101 = vector.broadcast %div3A_100 : f32 to vector<2000x1xf32>
    %div3A_102 = arith.divf %broadcast_in_dim3A_99, %div3A_101 : vector<2000x1xf32>
    %sub3A_103 = vector.broadcast %div3A_102 : vector<2000x1xf32> to vector<2000x64xf32>
    %sub3A_104 = arith.subf %max3A_85, %sub3A_103 : vector<2000x64xf32>
    %square3A_105 = arith.mulf %sub3A_104, %sub3A_104 : vector<2000x64xf32>
    %convert_element_type3A_106 = arith.sitofp %jit3A_96 : i32 to f32
    %sub3A_107 = arith.constant 6.400000e+01 : f32
    %sub3A_108 = arith.subf %sub3A_107, %convert_element_type3A_106 : f32
    %reduce_sum3A_109 = arith.constant dense<0.000000e+00> : vector<2000xf32>
    %reduce_sum3A_110 = vector.multi_reduction <add>, %square3A_105, %reduce_sum3A_109 [1] : vector<2000x64xf32> to vector<2000xf32>
    %broadcast_in_dim3A_111 = vector.shape_cast %reduce_sum3A_110 : vector<2000xf32> to vector<2000x1xf32>
    %div3A_112 = vector.broadcast %sub3A_108 : f32 to vector<2000x1xf32>
    %div3A_113 = arith.divf %broadcast_in_dim3A_111, %div3A_112 : vector<2000x1xf32>
    %gt3A_114 = arith.constant 0.000000e+00 : f32
    %gt3A_115 = arith.cmpf ogt, %sub3A_108, %gt3A_114 : f32
    %jit3A_116 = arith.constant 0x7FC00000 : f32
    %broadcast_in_dim3A_117 = vector.broadcast %jit3A_116 : f32 to vector<2000x1xf32>
    %select_n3A_118 = arith.select %gt3A_115, %div3A_113, %broadcast_in_dim3A_117 : vector<2000x1xf32>
    %sub3A_119 = vector.broadcast %div3A_95 : vector<2000x1xf32> to vector<2000x64xf32>
    %sub3A_120 = arith.subf %max3A_85, %sub3A_119 : vector<2000x64xf32>
    %add3A_121 = arith.constant 9.99999974E-6 : f32
    %add3A_122 = vector.broadcast %add3A_121 : f32 to vector<2000x1xf32>
    %add3A_123 = arith.addf %select_n3A_118, %add3A_122 : vector<2000x1xf32>
    %sqrt3A_124 = math.sqrt %add3A_123 : vector<2000x1xf32>
    %div3A_125 = vector.broadcast %sqrt3A_124 : vector<2000x1xf32> to vector<2000x64xf32>
    %div3A_126 = arith.divf %sub3A_120, %div3A_125 : vector<2000x64xf32>
    %broadcast_in_dim3A_127 = vector.shape_cast %get3A_87 : vector<64xf32> to vector<1x64xf32>
    %mul3A_128 = vector.broadcast %broadcast_in_dim3A_127 : vector<1x64xf32> to vector<2000x64xf32>
    %mul3A_129 = arith.mulf %div3A_126, %mul3A_128 : vector<2000x64xf32>
    %broadcast_in_dim3A_130 = vector.shape_cast %get3A_89 : vector<64xf32> to vector<1x64xf32>
    %add3A_131 = vector.broadcast %broadcast_in_dim3A_130 : vector<1x64xf32> to vector<2000x64xf32>
    %add3A_132 = arith.addf %mul3A_129, %add3A_131 : vector<2000x64xf32>
    %get3A_133 = arith.constant 0 : index
    %get3A_134 = arith.constant 0 : index
    %get3A_135 = vector.load %arg13[%get3A_133, %get3A_134] : memref<64x256xf32, #tpu.memory_space<vmem>>, vector<64x256xf32>
    %dot_general3A_136 = arith.constant dense<0.000000e+00> : vector<2000x256xf32>
    %dot_general3A_137 = tpu.matmul %add3A_132, %get3A_135, %dot_general3A_136 {dimension_numbers = #tpu.dot_dimension_numbers<[1], [0], [0], [1], [0, 0, 1, 1], [], []>, transpose_lhs_hint = false} : vector<2000x64xf32>, vector<64x256xf32>, vector<2000x256xf32> -> vector<2000x256xf32>
    %get3A_138 = arith.constant 0 : index
    %get3A_139 = vector.load %arg14[%get3A_138] : memref<256xf32, #tpu.memory_space<vmem>>, vector<256xf32>
    %broadcast_in_dim3A_140 = vector.shape_cast %get3A_139 : vector<256xf32> to vector<1x256xf32>
    %add3A_141 = vector.broadcast %broadcast_in_dim3A_140 : vector<1x256xf32> to vector<2000x256xf32>
    %add3A_142 = arith.addf %dot_general3A_137, %add3A_141 : vector<2000x256xf32>
    %max3A_143 = arith.constant 0.000000e+00 : f32
    %max3A_144 = vector.broadcast %max3A_143 : f32 to vector<2000x256xf32>
    %max3A_145 = arith.maximumf %add3A_142, %max3A_144 : vector<2000x256xf32>
    %get3A_146 = arith.constant 0 : index
    %get3A_147 = vector.load %arg15[%get3A_146] : memref<256xf32, #tpu.memory_space<vmem>>, vector<256xf32>
    %get3A_148 = arith.constant 0 : index
    %get3A_149 = vector.load %arg16[%get3A_148] : memref<256xf32, #tpu.memory_space<vmem>>, vector<256xf32>
    %reduce_sum3A_150 = arith.constant dense<0.000000e+00> : vector<2000xf32>
    %reduce_sum3A_151 = vector.multi_reduction <add>, %max3A_145, %reduce_sum3A_150 [1] : vector<2000x256xf32> to vector<2000xf32>
    %broadcast_in_dim3A_152 = vector.shape_cast %reduce_sum3A_151 : vector<2000xf32> to vector<2000x1xf32>
    %div3A_153 = arith.constant 2.560000e+02 : f32
    %div3A_154 = vector.broadcast %div3A_153 : f32 to vector<2000x1xf32>
    %div3A_155 = arith.divf %broadcast_in_dim3A_152, %div3A_154 : vector<2000x1xf32>
    %jit3A_156 = arith.constant 0 : i32
    %reduce_sum3A_157 = arith.constant dense<0.000000e+00> : vector<2000xf32>
    %reduce_sum3A_158 = vector.multi_reduction <add>, %max3A_145, %reduce_sum3A_157 [1] : vector<2000x256xf32> to vector<2000xf32>
    %broadcast_in_dim3A_159 = vector.shape_cast %reduce_sum3A_158 : vector<2000xf32> to vector<2000x1xf32>
    %div3A_160 = arith.constant 2.560000e+02 : f32
    %div3A_161 = vector.broadcast %div3A_160 : f32 to vector<2000x1xf32>
    %div3A_162 = arith.divf %broadcast_in_dim3A_159, %div3A_161 : vector<2000x1xf32>
    %sub3A_163 = vector.broadcast %div3A_162 : vector<2000x1xf32> to vector<2000x256xf32>
    %sub3A_164 = arith.subf %max3A_145, %sub3A_163 : vector<2000x256xf32>
    %square3A_165 = arith.mulf %sub3A_164, %sub3A_164 : vector<2000x256xf32>
    %convert_element_type3A_166 = arith.sitofp %jit3A_156 : i32 to f32
    %sub3A_167 = arith.constant 2.560000e+02 : f32
    %sub3A_168 = arith.subf %sub3A_167, %convert_element_type3A_166 : f32
    %reduce_sum3A_169 = arith.constant dense<0.000000e+00> : vector<2000xf32>
    %reduce_sum3A_170 = vector.multi_reduction <add>, %square3A_165, %reduce_sum3A_169 [1] : vector<2000x256xf32> to vector<2000xf32>
    %broadcast_in_dim3A_171 = vector.shape_cast %reduce_sum3A_170 : vector<2000xf32> to vector<2000x1xf32>
    %div3A_172 = vector.broadcast %sub3A_168 : f32 to vector<2000x1xf32>
    %div3A_173 = arith.divf %broadcast_in_dim3A_171, %div3A_172 : vector<2000x1xf32>
    %gt3A_174 = arith.constant 0.000000e+00 : f32
    %gt3A_175 = arith.cmpf ogt, %sub3A_168, %gt3A_174 : f32
    %jit3A_176 = arith.constant 0x7FC00000 : f32
    %broadcast_in_dim3A_177 = vector.broadcast %jit3A_176 : f32 to vector<2000x1xf32>
    %select_n3A_178 = arith.select %gt3A_175, %div3A_173, %broadcast_in_dim3A_177 : vector<2000x1xf32>
    %sub3A_179 = vector.broadcast %div3A_155 : vector<2000x1xf32> to vector<2000x256xf32>
    %sub3A_180 = arith.subf %max3A_145, %sub3A_179 : vector<2000x256xf32>
    %add3A_181 = arith.constant 9.99999974E-6 : f32
    %add3A_182 = vector.broadcast %add3A_181 : f32 to vector<2000x1xf32>
    %add3A_183 = arith.addf %select_n3A_178, %add3A_182 : vector<2000x1xf32>
    %sqrt3A_184 = math.sqrt %add3A_183 : vector<2000x1xf32>
    %div3A_185 = vector.broadcast %sqrt3A_184 : vector<2000x1xf32> to vector<2000x256xf32>
    %div3A_186 = arith.divf %sub3A_180, %div3A_185 : vector<2000x256xf32>
    %broadcast_in_dim3A_187 = vector.shape_cast %get3A_147 : vector<256xf32> to vector<1x256xf32>
    %mul3A_188 = vector.broadcast %broadcast_in_dim3A_187 : vector<1x256xf32> to vector<2000x256xf32>
    %mul3A_189 = arith.mulf %div3A_186, %mul3A_188 : vector<2000x256xf32>
    %broadcast_in_dim3A_190 = vector.shape_cast %get3A_149 : vector<256xf32> to vector<1x256xf32>
    %add3A_191 = vector.broadcast %broadcast_in_dim3A_190 : vector<1x256xf32> to vector<2000x256xf32>
    %add3A_192 = arith.addf %mul3A_189, %add3A_191 : vector<2000x256xf32>
    %get3A_193 = arith.constant 0 : index
    %get3A_194 = arith.constant 0 : index
    %get3A_195 = vector.load %arg17[%get3A_193, %get3A_194] : memref<256x256xf32, #tpu.memory_space<vmem>>, vector<256x256xf32>
    %dot_general3A_196 = arith.constant dense<0.000000e+00> : vector<2000x256xf32>
    %dot_general3A_197 = tpu.matmul %add3A_192, %get3A_195, %dot_general3A_196 {dimension_numbers = #tpu.dot_dimension_numbers<[1], [0], [0], [1], [0, 0, 1, 1], [], []>, transpose_lhs_hint = false} : vector<2000x256xf32>, vector<256x256xf32>, vector<2000x256xf32> -> vector<2000x256xf32>
    %get3A_198 = arith.constant 0 : index
    %get3A_199 = vector.load %arg18[%get3A_198] : memref<256xf32, #tpu.memory_space<vmem>>, vector<256xf32>
    %broadcast_in_dim3A_200 = vector.shape_cast %get3A_199 : vector<256xf32> to vector<1x256xf32>
    %add3A_201 = vector.broadcast %broadcast_in_dim3A_200 : vector<1x256xf32> to vector<2000x256xf32>
    %add3A_202 = arith.addf %dot_general3A_197, %add3A_201 : vector<2000x256xf32>
    %max3A_203 = arith.constant 0.000000e+00 : f32
    %max3A_204 = vector.broadcast %max3A_203 : f32 to vector<2000x256xf32>
    %max3A_205 = arith.maximumf %add3A_202, %max3A_204 : vector<2000x256xf32>
    %get3A_206 = arith.constant 0 : index
    %get3A_207 = vector.load %arg19[%get3A_206] : memref<256xf32, #tpu.memory_space<vmem>>, vector<256xf32>
    %get3A_208 = arith.constant 0 : index
    %get3A_209 = vector.load %arg20[%get3A_208] : memref<256xf32, #tpu.memory_space<vmem>>, vector<256xf32>
    %reduce_sum3A_210 = arith.constant dense<0.000000e+00> : vector<2000xf32>
    %reduce_sum3A_211 = vector.multi_reduction <add>, %max3A_205, %reduce_sum3A_210 [1] : vector<2000x256xf32> to vector<2000xf32>
    %broadcast_in_dim3A_212 = vector.shape_cast %reduce_sum3A_211 : vector<2000xf32> to vector<2000x1xf32>
    %div3A_213 = arith.constant 2.560000e+02 : f32
    %div3A_214 = vector.broadcast %div3A_213 : f32 to vector<2000x1xf32>
    %div3A_215 = arith.divf %broadcast_in_dim3A_212, %div3A_214 : vector<2000x1xf32>
    %jit3A_216 = arith.constant 0 : i32
    %reduce_sum3A_217 = arith.constant dense<0.000000e+00> : vector<2000xf32>
    %reduce_sum3A_218 = vector.multi_reduction <add>, %max3A_205, %reduce_sum3A_217 [1] : vector<2000x256xf32> to vector<2000xf32>
    %broadcast_in_dim3A_219 = vector.shape_cast %reduce_sum3A_218 : vector<2000xf32> to vector<2000x1xf32>
    %div3A_220 = arith.constant 2.560000e+02 : f32
    %div3A_221 = vector.broadcast %div3A_220 : f32 to vector<2000x1xf32>
    %div3A_222 = arith.divf %broadcast_in_dim3A_219, %div3A_221 : vector<2000x1xf32>
    %sub3A_223 = vector.broadcast %div3A_222 : vector<2000x1xf32> to vector<2000x256xf32>
    %sub3A_224 = arith.subf %max3A_205, %sub3A_223 : vector<2000x256xf32>
    %square3A_225 = arith.mulf %sub3A_224, %sub3A_224 : vector<2000x256xf32>
    %convert_element_type3A_226 = arith.sitofp %jit3A_216 : i32 to f32
    %sub3A_227 = arith.constant 2.560000e+02 : f32
    %sub3A_228 = arith.subf %sub3A_227, %convert_element_type3A_226 : f32
    %reduce_sum3A_229 = arith.constant dense<0.000000e+00> : vector<2000xf32>
    %reduce_sum3A_230 = vector.multi_reduction <add>, %square3A_225, %reduce_sum3A_229 [1] : vector<2000x256xf32> to vector<2000xf32>
    %broadcast_in_dim3A_231 = vector.shape_cast %reduce_sum3A_230 : vector<2000xf32> to vector<2000x1xf32>
    %div3A_232 = vector.broadcast %sub3A_228 : f32 to vector<2000x1xf32>
    %div3A_233 = arith.divf %broadcast_in_dim3A_231, %div3A_232 : vector<2000x1xf32>
    %gt3A_234 = arith.constant 0.000000e+00 : f32
    %gt3A_235 = arith.cmpf ogt, %sub3A_228, %gt3A_234 : f32
    %jit3A_236 = arith.constant 0x7FC00000 : f32
    %broadcast_in_dim3A_237 = vector.broadcast %jit3A_236 : f32 to vector<2000x1xf32>
    %select_n3A_238 = arith.select %gt3A_235, %div3A_233, %broadcast_in_dim3A_237 : vector<2000x1xf32>
    %sub3A_239 = vector.broadcast %div3A_215 : vector<2000x1xf32> to vector<2000x256xf32>
    %sub3A_240 = arith.subf %max3A_205, %sub3A_239 : vector<2000x256xf32>
    %add3A_241 = arith.constant 9.99999974E-6 : f32
    %add3A_242 = vector.broadcast %add3A_241 : f32 to vector<2000x1xf32>
    %add3A_243 = arith.addf %select_n3A_238, %add3A_242 : vector<2000x1xf32>
    %sqrt3A_244 = math.sqrt %add3A_243 : vector<2000x1xf32>
    %div3A_245 = vector.broadcast %sqrt3A_244 : vector<2000x1xf32> to vector<2000x256xf32>
    %div3A_246 = arith.divf %sub3A_240, %div3A_245 : vector<2000x256xf32>
    %broadcast_in_dim3A_247 = vector.shape_cast %get3A_207 : vector<256xf32> to vector<1x256xf32>
    %mul3A_248 = vector.broadcast %broadcast_in_dim3A_247 : vector<1x256xf32> to vector<2000x256xf32>
    %mul3A_249 = arith.mulf %div3A_246, %mul3A_248 : vector<2000x256xf32>
    %broadcast_in_dim3A_250 = vector.shape_cast %get3A_209 : vector<256xf32> to vector<1x256xf32>
    %add3A_251 = vector.broadcast %broadcast_in_dim3A_250 : vector<1x256xf32> to vector<2000x256xf32>
    %add3A_252 = arith.addf %mul3A_249, %add3A_251 : vector<2000x256xf32>
    %get3A_253 = arith.constant 0 : index
    %get3A_254 = arith.constant 0 : index
    %get3A_255 = vector.load %arg21[%get3A_253, %get3A_254] : memref<256x256xf32, #tpu.memory_space<vmem>>, vector<256x256xf32>
    %dot_general3A_256 = arith.constant dense<0.000000e+00> : vector<2000x256xf32>
    %dot_general3A_257 = tpu.matmul %add3A_252, %get3A_255, %dot_general3A_256 {dimension_numbers = #tpu.dot_dimension_numbers<[1], [0], [0], [1], [0, 0, 1, 1], [], []>, transpose_lhs_hint = false} : vector<2000x256xf32>, vector<256x256xf32>, vector<2000x256xf32> -> vector<2000x256xf32>
    %get3A_258 = arith.constant 0 : index
    %get3A_259 = vector.load %arg22[%get3A_258] : memref<256xf32, #tpu.memory_space<vmem>>, vector<256xf32>
    %broadcast_in_dim3A_260 = vector.shape_cast %get3A_259 : vector<256xf32> to vector<1x256xf32>
    %add3A_261 = vector.broadcast %broadcast_in_dim3A_260 : vector<1x256xf32> to vector<2000x256xf32>
    %add3A_262 = arith.addf %dot_general3A_257, %add3A_261 : vector<2000x256xf32>
    %max3A_263 = arith.constant 0.000000e+00 : f32
    %max3A_264 = vector.broadcast %max3A_263 : f32 to vector<2000x256xf32>
    %max3A_265 = arith.maximumf %add3A_262, %max3A_264 : vector<2000x256xf32>
    %get3A_266 = arith.constant 0 : index
    %get3A_267 = vector.load %arg23[%get3A_266] : memref<256xf32, #tpu.memory_space<vmem>>, vector<256xf32>
    %get3A_268 = arith.constant 0 : index
    %get3A_269 = vector.load %arg24[%get3A_268] : memref<256xf32, #tpu.memory_space<vmem>>, vector<256xf32>
    %reduce_sum3A_270 = arith.constant dense<0.000000e+00> : vector<2000xf32>
    %reduce_sum3A_271 = vector.multi_reduction <add>, %max3A_265, %reduce_sum3A_270 [1] : vector<2000x256xf32> to vector<2000xf32>
    %broadcast_in_dim3A_272 = vector.shape_cast %reduce_sum3A_271 : vector<2000xf32> to vector<2000x1xf32>
    %div3A_273 = arith.constant 2.560000e+02 : f32
    %div3A_274 = vector.broadcast %div3A_273 : f32 to vector<2000x1xf32>
    %div3A_275 = arith.divf %broadcast_in_dim3A_272, %div3A_274 : vector<2000x1xf32>
    %jit3A_276 = arith.constant 0 : i32
    %reduce_sum3A_277 = arith.constant dense<0.000000e+00> : vector<2000xf32>
    %reduce_sum3A_278 = vector.multi_reduction <add>, %max3A_265, %reduce_sum3A_277 [1] : vector<2000x256xf32> to vector<2000xf32>
    %broadcast_in_dim3A_279 = vector.shape_cast %reduce_sum3A_278 : vector<2000xf32> to vector<2000x1xf32>
    %div3A_280 = arith.constant 2.560000e+02 : f32
    %div3A_281 = vector.broadcast %div3A_280 : f32 to vector<2000x1xf32>
    %div3A_282 = arith.divf %broadcast_in_dim3A_279, %div3A_281 : vector<2000x1xf32>
    %sub3A_283 = vector.broadcast %div3A_282 : vector<2000x1xf32> to vector<2000x256xf32>
    %sub3A_284 = arith.subf %max3A_265, %sub3A_283 : vector<2000x256xf32>
    %square3A_285 = arith.mulf %sub3A_284, %sub3A_284 : vector<2000x256xf32>
    %convert_element_type3A_286 = arith.sitofp %jit3A_276 : i32 to f32
    %sub3A_287 = arith.constant 2.560000e+02 : f32
    %sub3A_288 = arith.subf %sub3A_287, %convert_element_type3A_286 : f32
    %reduce_sum3A_289 = arith.constant dense<0.000000e+00> : vector<2000xf32>
    %reduce_sum3A_290 = vector.multi_reduction <add>, %square3A_285, %reduce_sum3A_289 [1] : vector<2000x256xf32> to vector<2000xf32>
    %broadcast_in_dim3A_291 = vector.shape_cast %reduce_sum3A_290 : vector<2000xf32> to vector<2000x1xf32>
    %div3A_292 = vector.broadcast %sub3A_288 : f32 to vector<2000x1xf32>
    %div3A_293 = arith.divf %broadcast_in_dim3A_291, %div3A_292 : vector<2000x1xf32>
    %gt3A_294 = arith.constant 0.000000e+00 : f32
    %gt3A_295 = arith.cmpf ogt, %sub3A_288, %gt3A_294 : f32
    %jit3A_296 = arith.constant 0x7FC00000 : f32
    %broadcast_in_dim3A_297 = vector.broadcast %jit3A_296 : f32 to vector<2000x1xf32>
    %select_n3A_298 = arith.select %gt3A_295, %div3A_293, %broadcast_in_dim3A_297 : vector<2000x1xf32>
    %sub3A_299 = vector.broadcast %div3A_275 : vector<2000x1xf32> to vector<2000x256xf32>
    %sub3A_300 = arith.subf %max3A_265, %sub3A_299 : vector<2000x256xf32>
    %add3A_301 = arith.constant 9.99999974E-6 : f32
    %add3A_302 = vector.broadcast %add3A_301 : f32 to vector<2000x1xf32>
    %add3A_303 = arith.addf %select_n3A_298, %add3A_302 : vector<2000x1xf32>
    %sqrt3A_304 = math.sqrt %add3A_303 : vector<2000x1xf32>
    %div3A_305 = vector.broadcast %sqrt3A_304 : vector<2000x1xf32> to vector<2000x256xf32>
    %div3A_306 = arith.divf %sub3A_300, %div3A_305 : vector<2000x256xf32>
    %broadcast_in_dim3A_307 = vector.shape_cast %get3A_267 : vector<256xf32> to vector<1x256xf32>
    %mul3A_308 = vector.broadcast %broadcast_in_dim3A_307 : vector<1x256xf32> to vector<2000x256xf32>
    %mul3A_309 = arith.mulf %div3A_306, %mul3A_308 : vector<2000x256xf32>
    %broadcast_in_dim3A_310 = vector.shape_cast %get3A_269 : vector<256xf32> to vector<1x256xf32>
    %add3A_311 = vector.broadcast %broadcast_in_dim3A_310 : vector<1x256xf32> to vector<2000x256xf32>
    %add3A_312 = arith.addf %mul3A_309, %add3A_311 : vector<2000x256xf32>
    %get3A_313 = arith.constant 0 : index
    %get3A_314 = arith.constant 0 : index
    %get3A_315 = vector.load %arg25[%get3A_313, %get3A_314] : memref<256x128xf32, #tpu.memory_space<vmem>>, vector<256x128xf32>
    %dot_general3A_316 = arith.constant dense<0.000000e+00> : vector<2000x128xf32>
    %dot_general3A_317 = tpu.matmul %add3A_312, %get3A_315, %dot_general3A_316 {dimension_numbers = #tpu.dot_dimension_numbers<[1], [0], [0], [1], [0, 0, 1, 1], [], []>, transpose_lhs_hint = false} : vector<2000x256xf32>, vector<256x128xf32>, vector<2000x128xf32> -> vector<2000x128xf32>
    %get3A_318 = arith.constant 0 : index
    %get3A_319 = vector.load %arg26[%get3A_318] : memref<128xf32, #tpu.memory_space<vmem>>, vector<128xf32>
    %broadcast_in_dim3A_320 = vector.shape_cast %get3A_319 : vector<128xf32> to vector<1x128xf32>
    %add3A_321 = vector.broadcast %broadcast_in_dim3A_320 : vector<1x128xf32> to vector<2000x128xf32>
    %add3A_322 = arith.addf %dot_general3A_317, %add3A_321 : vector<2000x128xf32>
    %max3A_323 = arith.constant 0.000000e+00 : f32
    %max3A_324 = vector.broadcast %max3A_323 : f32 to vector<2000x128xf32>
    %max3A_325 = arith.maximumf %add3A_322, %max3A_324 : vector<2000x128xf32>
    %swap3A = arith.constant 0 : index
    %swap3A_326 = arith.constant 0 : index
    %swap3A_327 = vector.load %arg27[%swap3A, %swap3A_326] : memref<2000x128xf32, #tpu.memory_space<vmem>>, vector<2000x128xf32>
    tpu.vector_store %arg27[%swap3A, %swap3A_326], %max3A_325 {strides = array<i32>} : memref<2000x128xf32, #tpu.memory_space<vmem>>, vector<2000x128xf32>,
    return
  }
  func.func @transform_0(%arg0: i32) -> (i32, i32, i32) {
    %c0_i32 = arith.constant 0 : i32
    %c0_i32_0 = arith.constant 0 : i32
    %c0_i32_1 = arith.constant 0 : i32
    return %c0_i32, %arg0, %c0_i32_0 : i32, i32, i32
  }
  func.func @transform_1(%arg0: i32) -> (i32, i32) {
    %c0_i32 = arith.constant 0 : i32
    %c0_i32_0 = arith.constant 0 : i32
    return %arg0, %c0_i32 : i32, i32
  }
  func.func @transform_2(%arg0: i32) -> (i32, i32) {
    %c0_i32 = arith.constant 0 : i32
    %c0_i32_0 = arith.constant 0 : i32
    %c0_i32_1 = arith.constant 0 : i32
    return %c0_i32, %c0_i32_0 : i32, i32
  }
  func.func @transform_3(%arg0: i32) -> i32 {
    %c0_i32 = arith.constant 0 : i32
    %c0_i32_0 = arith.constant 0 : i32
    return %c0_i32 : i32
  }
  func.func @transform_4(%arg0: i32) -> (i32, i32) {
    %c0_i32 = arith.constant 0 : i32
    %c0_i32_0 = arith.constant 0 : i32
    %c0_i32_1 = arith.constant 0 : i32
    return %c0_i32, %c0_i32_0 : i32, i32
  }
  func.func @transform_5(%arg0: i32) -> i32 {
    %c0_i32 = arith.constant 0 : i32
    %c0_i32_0 = arith.constant 0 : i32
    return %c0_i32 : i32
  }
  func.func @transform_6(%arg0: i32) -> i32 {
    %c0_i32 = arith.constant 0 : i32
    %c0_i32_0 = arith.constant 0 : i32
    return %c0_i32 : i32
  }
  func.func @transform_7(%arg0: i32) -> i32 {
    %c0_i32 = arith.constant 0 : i32
    %c0_i32_0 = arith.constant 0 : i32
    return %c0_i32 : i32
  }
  func.func @transform_8(%arg0: i32) -> (i32, i32) {
    %c0_i32 = arith.constant 0 : i32
    %c0_i32_0 = arith.constant 0 : i32
    %c0_i32_1 = arith.constant 0 : i32
    return %c0_i32, %c0_i32_0 : i32, i32
  }
  func.func @transform_9(%arg0: i32) -> i32 {
    %c0_i32 = arith.constant 0 : i32
    %c0_i32_0 = arith.constant 0 : i32
    return %c0_i32 : i32
  }
  func.func @transform_10(%arg0: i32) -> i32 {
    %c0_i32 = arith.constant 0 : i32
    %c0_i32_0 = arith.constant 0 : i32
    return %c0_i32 : i32
  }
  func.func @transform_11(%arg0: i32) -> i32 {
    %c0_i32 = arith.constant 0 : i32
    %c0_i32_0 = arith.constant 0 : i32
    return %c0_i32 : i32
  }
  func.func @transform_12(%arg0: i32) -> (i32, i32) {
    %c0_i32 = arith.constant 0 : i32
    %c0_i32_0 = arith.constant 0 : i32
    %c0_i32_1 = arith.constant 0 : i32
    return %c0_i32, %c0_i32_0 : i32, i32
  }
  func.func @transform_13(%arg0: i32) -> i32 {
    %c0_i32 = arith.constant 0 : i32
    %c0_i32_0 = arith.constant 0 : i32
    return %c0_i32 : i32
  }
  func.func @transform_14(%arg0: i32) -> i32 {
    %c0_i32 = arith.constant 0 : i32
    %c0_i32_0 = arith.constant 0 : i32
    return %c0_i32 : i32
  }
  func.func @transform_15(%arg0: i32) -> i32 {
    %c0_i32 = arith.constant 0 : i32
    %c0_i32_0 = arith.constant 0 : i32
    return %c0_i32 : i32
  }
  func.func @transform_16(%arg0: i32) -> (i32, i32) {
    %c0_i32 = arith.constant 0 : i32
    %c0_i32_0 = arith.constant 0 : i32
    %c0_i32_1 = arith.constant 0 : i32
    return %c0_i32, %c0_i32_0 : i32, i32
  }
  func.func @transform_17(%arg0: i32) -> i32 {
    %c0_i32 = arith.constant 0 : i32
    %c0_i32_0 = arith.constant 0 : i32
    return %c0_i32 : i32
  }
  func.func @transform_18(%arg0: i32) -> i32 {
    %c0_i32 = arith.constant 0 : i32
    %c0_i32_0 = arith.constant 0 : i32
    return %c0_i32 : i32
  }
  func.func @transform_19(%arg0: i32) -> i32 {
    %c0_i32 = arith.constant 0 : i32
    %c0_i32_0 = arith.constant 0 : i32
    return %c0_i32 : i32
  }
  func.func @transform_20(%arg0: i32) -> (i32, i32) {
    %c0_i32 = arith.constant 0 : i32
    %c0_i32_0 = arith.constant 0 : i32
    %c0_i32_1 = arith.constant 0 : i32
    return %c0_i32, %c0_i32_0 : i32, i32
  }
  func.func @transform_21(%arg0: i32) -> i32 {
    %c0_i32 = arith.constant 0 : i32
    %c0_i32_0 = arith.constant 0 : i32
    return %c0_i32 : i32
  }
  func.func @transform_22(%arg0: i32) -> i32 {
    %c0_i32 = arith.constant 0 : i32
    %c0_i32_0 = arith.constant 0 : i32
    return %c0_i32 : i32
  }
  func.func @transform_23(%arg0: i32) -> i32 {
    %c0_i32 = arith.constant 0 : i32
    %c0_i32_0 = arith.constant 0 : i32
    return %c0_i32 : i32
  }
  func.func @transform_24(%arg0: i32) -> (i32, i32) {
    %c0_i32 = arith.constant 0 : i32
    %c0_i32_0 = arith.constant 0 : i32
    %c0_i32_1 = arith.constant 0 : i32
    return %c0_i32, %c0_i32_0 : i32, i32
  }
  func.func @transform_25(%arg0: i32) -> i32 {
    %c0_i32 = arith.constant 0 : i32
    %c0_i32_0 = arith.constant 0 : i32
    return %c0_i32 : i32
  }
  func.func @transform_26(%arg0: i32) -> (i32, i32) {
    %c0_i32 = arith.constant 0 : i32
    %c0_i32_0 = arith.constant 0 : i32
    return %arg0, %c0_i32 : i32, i32
  }
}

</mosaic_0001>

<sc_bundles>
// kernel: kernel.11.cloned.1.call-start
scs
__scs_entry_jumppad:
0x0: {  	(pc) =	sbr.rel $0x88, $3  }
0x1: {  	(tag) =	ssettag $0x0;
	lr =	simm.s32 $0x1  }
0x2: {  	[smem:$0x3F85] =	sst lr;
	_ =	strace $0xD0000000  }
0x3: {  	_ = 	snop  }
0x4: {  	_ = 	snop  }
0x5: {  	_ = 	snop  }
0x6: {  	_ = 	snop  }
0x7: {  	_ = 	snop  }
__scs_overlays_trampoline_lowered:
0x8: {  	[smem:$0x3F94] =	sst s0  }
0x9: {  	[smem:$0x3F95] =	sst s1  }
0xa: {  	[smem:$0x3F96] =	sst s2  }
0xb: {  	[smem:$0x3F97] =	sst s3  }
0xc: {  	[smem:$0x3F98] =	sst s4  }
0xd: {  	[smem:$0x3F99] =	sst s5  }
0xe: {  	[smem:$0x3F9A] =	sst s6  }
0xf: {  	[smem:$0x3F9B] =	sst s7  }
0x10: {  	[smem:$0x3F9C] =	sst s8  }
0x11: {  	[smem:$0x3F9D] =	sst s9;
	s0 =	simm.s32 @!p0 $0x0  }
0x12: {  	s1 =	sld [smem:$0x3F83];
	s0 =	simm.s32 @p0 $0x1  }
0x13: {  	[smem:$0x3F9E] =	sst s0;
	s0 =	simm.s32 @!p1 $0x0  }
0x14: {  	s2 =	sld [smem:$0x3F82];
	s0 =	simm.s32 @p1 $0x1  }
0x15: {  	[smem:$0x3F9F] =	sst s0;
	s0 =	simm.s32 @!p2 $0x0  }
0x16: {  	s3 =	sld [smem:$0x3FDB];
	s0 =	simm.s32 @p2 $0x1  }
0x17: {  	s4 =	simm.s32 $0x1BF5;
	[smem:$0x3FA1] =	sst s0  }
0x18: {  	s0 =	sld [smem:$0x3F84];
	_ =	swait.ge [sflag:s4], $0x0  }
0x19: {  	s7 =	sld [smem:$0x3F85]  }
0x1a: {  	s8 =	sadd.s32 $0xFFFFE003, lr  }
0x1b: {  	s9 =	sadd.s32 $0xFFFFFEF7, lr;
	s5 =	simm.s32 $0xFFFFFFFF;
	p2 =	slt.u32 s8, $0xFFFFF086  }
0x1c: {  	p1 =	slt.u32 s9, $0xF7A;
	s5 =	simm.s32 @!p2 $0x0  }
0x1d: {  	s5 =	simm.s32 @p1 $0x1;
	p0 =	seq.s32 s7, s2  }
0x1e: {  	s7 =	smul.u32 @!p0 $0xF7A, s2;
	p2 =	seq.s32 @!p0 s5, $0x0  }
0x1f: {  	s9 =	smul.u32 $0xF7A, s1;
	s8 =	simm.s32 @!p0 $0x1BF5;
	p2 =	por !p2, p0  }
0x20: {  	[sflag:s8] =	ssyncset.s32 @!p0 $0xFFFFF086;
	s6 =	sadd.s32 @!p0 s3, s7;
	s7 =	simm.s32 @!p0 $0x108  }
0x21: {  	s3 =	sadd.s32 s3, s9;
	s6 =	sadd.s32 @!p0 $0x88, s6;
	s7 =	simm.s32 @p2 $0x1082  }
0x22: {  	[simem:s7], [sflag:s8] =	dma.local @!p0 [hbm:s6], $0xF7A  }
0x23: {  	s9 =	sor.u32 $0xD0000000, s2;
	s6 =	simm.s32 $0x108;
	_ =	swait.ge @!p0 [sflag:s8], $0x0  }
0x24: {  	s3 =	sadd.s32 $0x88, s3;
	s6 =	simm.s32 @!p1 $0x1082;
	[sflag:s4] =	ssyncset.s32 $0xFFFFF086  }
0x25: {  	[simem:s6], [sflag:s4] =	dma.local [hbm:s3], $0xF7A  }
0x26: {  	[smem:$0x3F85] =	sst s1;
	(tag) =	ssettag s2;
	_ =	strace s9  }
0x27: {  	s1 =	sld [smem:$0x3F95]  }
0x28: {  	s2 =	sld [smem:$0x3F96]  }
0x29: {  	s4 =	sld [smem:$0x3F98]  }
0x2a: {  	p0 =	seq.s32 s5, $0x0;
	s5 =	sld [smem:$0x3F99]  }
0x2b: {  	s6 =	sld [smem:$0x3F9A]  }
0x2c: {  	s7 =	sld [smem:$0x3F9B]  }
0x2d: {  	s3 =	simm.s32 $0x108;
	s8 =	sld [smem:$0x3F9C]  }
0x2e: {  	s3 =	simm.s32 @!p0 $0x1082;
	s9 =	sld [smem:$0x3F9D]  }
0x2f: {  	lr =	sadd.s32 s0, s3;
	s0 =	sld [smem:$0x3F94]  }
0x30: {  	s3 =	sld [smem:$0x3F97]  }
0x31: {  	[smem:$0x3FA0] =	sst s10  }
0x32: {  	s10 =	sld [smem:$0x3F9E];
	_ =	sdelay $0x3  }
0x33: {  	p0 =	seq.s32 s10, $0x1;
	s10 =	sld [smem:$0x3FA0];
	_ =	sdelay $0x3  }
0x34: {  	[smem:$0x3FA0] =	sst s10  }
0x35: {  	s10 =	sld [smem:$0x3F9F];
	_ =	sdelay $0x3  }
0x36: {  	p1 =	seq.s32 s10, $0x1;
	s10 =	sld [smem:$0x3FA0];
	_ =	sdelay $0x3  }
0x37: {  	[smem:$0x3FA0] =	sst s10  }
0x38: {  	s10 =	sld [smem:$0x3FA1]  }
0x39: {  	_ = 	snop;
	(pc) =	sbr.ind lr, $3  }
0x3a: {  	_ = 	snop  }
0x3b: {  	_ = 	snop  }
0x3c: {  	p2 =	seq.s32 s10, $0x1;
	s10 =	sld [smem:$0x3FA0]  }
0x3d: {  	_ =	shalt  }
0x3e: {  	_ =	shalt  }
0x3f: {  	_ =	shalt  }
0x40: {  	_ =	shalt  }
0x41: {  	_ =	shalt  }
0x42: {  	_ =	shalt  }
0x43: {  	_ =	shalt  }
0x44: {  	_ =	shalt  }
0x45: {  	_ =	shalt  }
0x46: {  	_ =	shalt  }
0x47: {  	_ =	shalt  }
0x48: {  	_ =	shalt  }
0x49: {  	_ =	shalt  }
0x4a: {  	_ =	shalt  }
0x4b: {  	_ =	shalt  }
0x4c: {  	_ =	shalt  }
0x4d: {  	_ =	shalt  }
0x4e: {  	_ =	shalt  }
0x4f: {  	_ =	shalt  }
0x50: {  	_ =	shalt  }
0x51: {  	_ =	shalt  }
0x52: {  	_ =	shalt  }
0x53: {  	_ =	shalt  }
0x54: {  	_ =	shalt  }
0x55: {  	_ =	shalt  }
0x56: {  	_ =	shalt  }
0x57: {  	_ =	shalt  }
0x58: {  	_ =	shalt  }
0x59: {  	_ =	shalt  }
0x5a: {  	_ =	shalt  }
0x5b: {  	_ =	shalt  }
0x5c: {  	_ =	shalt  }
0x5d: {  	_ =	shalt  }
0x5e: {  	_ =	shalt  }
0x5f: {  	_ =	shalt  }
0x60: {  	_ =	shalt  }
0x61: {  	_ =	shalt  }
0x62: {  	_ =	shalt  }
0x63: {  	_ =	shalt  }
0x64: {  	_ =	shalt  }
0x65: {  	_ =	shalt  }
0x66: {  	_ =	shalt  }
0x67: {  	_ =	shalt  }
0x68: {  	_ =	shalt  }
0x69: {  	_ =	shalt  }
0x6a: {  	_ =	shalt  }
0x6b: {  	_ =	shalt  }
0x6c: {  	_ =	shalt  }
0x6d: {  	_ =	shalt  }
0x6e: {  	_ =	shalt  }
0x6f: {  	_ =	shalt  }
0x70: {  	_ =	shalt  }
0x71: {  	_ =	shalt  }
0x72: {  	_ =	shalt  }
0x73: {  	_ =	shalt  }
0x74: {  	_ =	shalt  }
0x75: {  	_ =	shalt  }
0x76: {  	_ =	shalt  }
0x77: {  	_ =	shalt  }
0x78: {  	_ =	shalt  }
0x79: {  	_ =	shalt  }
0x7a: {  	_ =	shalt  }
0x7b: {  	_ =	shalt  }
0x7c: {  	_ =	shalt  }
0x7d: {  	_ =	shalt  }
0x7e: {  	_ =	shalt  }
0x7f: {  	_ =	shalt  }
0x80: {  	_ =	shalt  }
0x81: {  	_ =	shalt  }
0x82: {  	_ =	shalt  }
0x83: {  	_ =	shalt  }
0x84: {  	_ =	shalt  }
0x85: {  	_ =	shalt  }
0x86: {  	_ =	shalt  }
0x87: {  	_ =	shalt  }
.Lfunc_end0:
.L_simem_size_0:
called_computation.1_lowered:
.L_overlay_start_0:
0x88: {  	s2 =	sld [smem:$0x3FD9]  }
0x89: {  	s3 =	sld [smem:$0x3FFE];
	_ =	sdelay $0x1  }
0x8a: {  	s1 =	srdreg.scid  }
0x8b: {  	s0 =	sand.u32 $0x1, s1  }
0x8c: {  	s17 =	sshll.u32 s0, $0xA;
	s2 =	sadd.s32 s3, s2  }
0x8d: {  	s2 =	sadd.s32 s2, s17  }
0x8e: {  	[smem:$0x3FAC] =	sst s2  }
0x8f: {  	_ = 	snop  }
0x90: {  	s2 =	sld [smem:$0x3FD0];
	(tm) =	ssettm $0x1  }
0x91: {  	s18 =	sld [smem:$0x3FFB];
	_ =	sdelay $0x3  }
0x92: {  	_ =	strace s18  }
0x93: {  	s3 =	sld [smem:$0x3FFC];
	_ =	sdelay $0x3  }
0x94: {  	_ =	strace s3  }
0x95: {  	s3 =	sld [smem:$0x3FFD];
	_ =	sdelay $0x3  }
0x96: {  	_ =	strace s3  }
0x97: {  	_ =	strace $0x8FFFFFFF  }
0x98: {  	s19 =	sld [smem:$0x3FDB];
	_ =	sdelay $0x1  }
0x99: {  	s4 =	simm.s32 $_scs_section_size  }
0x9a: {  	s5 =	simm.s32 $_size__tile_overlayer_lowered;
	s6 =	simm.s32 $_tile_overlayer_lowered  }
0x9b: {  	s22 =	simm.s32 $0x1BFF;
	s21 =	sshll.u32 s6, $0x1;
	s3 =	sadd.s32 s4, s19  }
0x9c: {  	s7 =	simm.s32 $0x0;
	s20 =	sshll.u32 s5, $0x1;
	s5 =	sadd.s32 s21, s3  }
0x9d: {  	[timem:s7], [sflag:s22] =	dma.local [hbm:s5], s20  }
0x9e: {  	_ =	swait.ge [sflag:s22], s20  }
0x9f: {  	s4 =	ssub.s32 $0x0, s20;
	[sflag:s22] =	ssyncset.done $0x0  }
0xa0: {  	[sflag:s22] =	ssyncadd.s32 s4;
	_ =	sdelay $0x1  }
0xa1: {  	s23 =	simm.s32 $0x1B8B  }
0xa2: {  	_ =	swait.ge [sflag:s23], $0x1  }
0xa3: {  	[sflag:s23] =	ssyncset.done $0x0  }
0xa4: {  	s25 =	simm.s32 $0x1B8E;
	s24 =	sld [smem:$0x3FFE];
	[sflag:s23] =	ssyncadd.s32 $0xFFFFFFFF  }
0xa5: {  	s26 =	simm.s32 $execute0_lowered;
	[smem:$0x3FD2] =	sst s25  }
0xa6: {  	s5 =	sshll.u32 s26, $0x1;
	_ =	strace $0x80000049;
	[dreg:$0x1] =	wrdreg $0xFFFFFFFF  }
0xa7: {  	s28 =	simm.s32 $_size_execute0_lowered;
	s3 =	sadd.s32 s3, s5;
	[dreg:$0x0] =	wrdreg $0x0  }
0xa8: {  	s5 =	sshll.u32 s28, $0x1;
	[dreg:$0x2] =	wrdreg s3  }
0xa9: {  	[dreg:$0x3] =	wrdreg s5  }
0xaa: {  	[dreg:$0x4] =	wrdreg $0xC0  }
0xab: {  	_ =	task [dreg:s7], $0x5FFFF  }
0xac: {  	[dreg:$0x1] =	wrdreg $0xFFFFFFFF  }
0xad: {  	[dreg:$0x0] =	wrdreg $0x60  }
0xae: {  	[dreg:$0x2] =	wrdreg s2  }
0xaf: {  	[dreg:$0x3] =	wrdreg s24  }
0xb0: {  	[dreg:$0x4] =	wrdreg $0x66000  }
0xb1: {  	[dreg:$0x5] =	wrdreg $0x9  }
0xb2: {  	_ =	task.clear_ibuf [dreg:s7], $0x6FFFF;
	_ =	strace $0x90000049  }
0xb3: {  	s29 =	simm.s32 $0x9;
	_ =	strace $0x8000004B  }
0xb4: {  	_ =	swait.ge [sflag:s29], $0x1  }
0xb5: {  	[sflag:s29] =	ssyncadd.s32 $0xFFFFFFFF  }
0xb6: {  	_ =	strace $0x9000004B  }
0xb7: {  	_ =	sfence  }
0xb8: {  	s30 =	sld [smem:$0x0];
	_ =	sdelay $0x2  }
0xb9: {  	s31 =	sshll.u32 s1, $0xD;
	s1 =	sshrl.u32 s1, $0x2  }
0xba: {  	s3 =	sand.u32 $0x4000, s31;
	s1 =	sadd.s32 s1, s30  }
0xbb: {  	s0 =	sor.u32 s3, s0;
	s1 =	sshll.u32 s1, $0x11  }
0xbc: {  	s0 =	sor.u32 s1, s0  }
0xbd: {  	s0 =	sadd.s32 $0x8F2B, s0  }
0xbe: {  	[sflag:s0] =	ssyncadd.remote.s32 $0x1  }
0xbf: {  	_ =	sfence.sel $0xFFFF  }
0xc0: {  	[dreg:$0x0] =	wrdreg $0xFFFFFFFF;
	(pc) =	sbr.abs _section_cstart, $3  }
0xc1: {  	[dreg:$0x1] =	wrdreg $0xFFFFFFFF  }
0xc2: {  	_ =	task.clear_ibuf [dreg:s7], $0x2FFFF;
	_ =	strace $0x9FFFFFFF  }
0xc3: {  	(tm) =	ssettm $0x7FFFFFFF  }
tec
execute0_lowered:
.L_overlay_start_1:
0x0: {  	(tag) =	ssettag $0x1  }
0x1: {  	s19 =	stileid.u32  }
0x2: {  	s0 =	srdreg.scid;
	s2 =	smul.u32 $0x4E20, s19  }
0x3: {  	s6 =	rddreg [dreg:$0x1];
	s4 =	smul.u32 $0x280, s19  }
0x4: {  	s1 =	sand.u32 $0x1, s0;
	s17 =	smul.u32 $0x2800, s19;
	s5 =	sadd.s32 $0x23800, s6  }
0x5: {  	s14 =	sadd.s32 $0x49F00, s6;
	s15 =	sadd.s32 $0x4A400, s6;
	s30 =	smul.u32 $0x14000, s19  }
0x6: {  	p0 =	seq.s32 s19, $0xF;
	s0 =	smul.u32 $0x4E200, s1;
	s3 =	ssub.s32 $0x2, s1  }
0x7: {  	s7 =	smul.u32 $0x138800, s1;
	s16 =	sshrl.u32 s3, $0x1;
	s10 =	sor.u32 $0x50, s4  }
0x8: {  	s18 =	sadd.s32 s5, s17;
	s11 =	sadd.s32 $0xA0, s4;
	s21 =	sadd.s32 $0xF0, s4  }
0x9: {  	s9 =	sadd.s32 $0x140, s4;
	s25 =	sadd.s32 $0x190, s4;
	s12 =	sadd.s32 $0x1E0, s4  }
0xa: {  	s13 =	sadd.s32 $0x230, s4;
	s8 =	sadd.s32 s2, s0;
	s0 =	ssub.s32 s3, s16  }
0xb: {  	[dreg:$0x4] =	wrdreg s18;
	s20 =	sshll.u32 s10, $0x4;
	s22 =	sshll.u32 s11, $0x4  }
0xc: {  	s23 =	sshll.u32 s21, $0x4;
	s24 =	sshll.u32 s9, $0x4;
	s26 =	sshll.u32 s25, $0x4  }
0xd: {  	s28 =	sshll.u32 s12, $0x4;
	s3 =	sshll.u32 s25, $0x7;
	s29 =	sshll.u32 s13, $0x4  }
0xe: {  	s4 =	sshll.u32 s12, $0x7;
	s12 =	sadd.s32 $0x49500, s6;
	s1 =	sadd.s32 s5, s20  }
0xf: {  	s2 =	sadd.s32 s5, s22;
	s17 =	sadd.s32 s5, s23;
	s18 =	sadd.s32 s5, s24  }
0x10: {  	s20 =	sadd.s32 s5, s26;
	s22 =	sadd.s32 s5, s29;
	[dreg:$0x5] =	wrdreg s1  }
0x11: {  	s8 =	sshrl.u32 s8, $0x3;
	s29 =	smul.u32 $0x50000, s19;
	[dreg:$0x6] =	wrdreg s2  }
0x12: {  	s1 =	sshll.u32 s21, $0x7;
	s2 =	sshll.u32 s9, $0x7;
	s21 =	sadd.s32 s5, s28  }
0x13: {  	s5 =	sshll.u32 s13, $0x7;
	s9 =	sadd.s32 $0x49000, s6;
	s13 =	sadd.s32 $0x49A00, s6  }
0x14: {  	s18 =	smov.u32 @p0 s12;
	s12 =	sadd.s32 s7, s3;
	s22 =	smov.u32 @p0 s15  }
0x15: {  	s25 =	sadd.s32 s8, s6;
	s6 =	sadd.s32 $0x4AA00, s6;
	s8 =	sshll.u32 s10, $0x7  }
0x16: {  	s10 =	sshll.u32 s11, $0x7;
	s16 =	sadd.s32 s7, s1;
	s17 =	smov.u32 @p0 s9  }
0x17: {  	[dreg:$0x8] =	wrdreg s18;
	s20 =	smov.u32 @p0 s13;
	s13 =	sadd.s32 s7, s4  }
0x18: {  	s21 =	smov.u32 @p0 s14;
	s9 =	sadd.s32 $0x12C000, s7;
	[dreg:$0xb] =	wrdreg s22  }
0x19: {  	s14 =	sadd.s32 $0x12E800, s7;
	s15 =	sadd.s32 s7, s5;
	s18 =	sadd.s32 s7, s8  }
0x1a: {  	s31 =	sadd.s32 $0xFE00, s25;
	[dreg:$0x7] =	wrdreg s17;
	s17 =	sadd.s32 s7, s2  }
0x1b: {  	[dreg:$0x9] =	wrdreg s20;
	s16 =	smov.u32 @p0 s9;
	s9 =	sadd.s32 $0x131000, s7  }
0x1c: {  	[dreg:$0xa] =	wrdreg s21;
	s17 =	smov.u32 @p0 s14;
	s12 =	smov.u32 @p0 s9  }
0x1d: {  	s9 =	sadd.s32 $0x133800, s7;
	s14 =	sadd.s32 $0x136000, s7;
	s28 =	sshrl.u32 s16, $0x3  }
0x1e: {  	s13 =	smov.u32 @p0 s9;
	s15 =	smov.u32 @p0 s14;
	s9 =	simm.s32 $0x0  }
0x1f: {  	s14 =	sadd.s32 s7, s30;
	s7 =	sadd.s32 s7, s10;
	s24 =	sshrl.u32 s12, $0x3  }
0x20: {  	s26 =	sshrl.u32 s17, $0x3;
	s17 =	rddreg [dreg:$0x0];
	s30 =	sshrl.u32 s29, $0x2  }
0x21: {  	[smem:$0x7FF] =	sst s9;
	s11 =	sshrl.u32 s14, $0x3;
	s14 =	sshrl.u32 s18, $0x3  }
0x22: {  	s7 =	sshrl.u32 s7, $0x3;
	s21 =	sshrl.u32 s15, $0x3;
	s22 =	sshrl.u32 s13, $0x3  }
0x23: {  	s18 =	rddreg [dreg:$0x2];
	s11 =	sadd.s32 s6, s11;
	s20 =	sadd.s32 s6, s14  }
0x24: {  	s7 =	sadd.s32 s6, s7;
	s23 =	sadd.s32 s6, s22;
	s22 =	sadd.s32 s30, s18  }
0x25: {  	s12 =	sadd.s32 s4, s18;
	s13 =	sadd.s32 s5, s18;
	[dreg:$0xc] =	wrdreg s11  }
0x26: {  	s16 =	sadd.s32 $0x12C000, s18;
	s4 =	simm.s32 $0x200;
	[dreg:$0xd] =	wrdreg s20  }
0x27: {  	s5 =	simm.s32 $0x1;
	[dreg:$0xe] =	wrdreg s7;
	s7 =	sadd.s32 s6, s21  }
0x28: {  	[dreg:$0x10] =	wrdreg s23;
	s21 =	smax.u32 s0, $0x1;
	s23 =	sadd.s32 s8, s18  }
0x29: {  	s8 =	sadd.s32 s1, s18;
	s11 =	sadd.s32 s3, s18;
	s0 =	sadd.s32 $0x12E800, s18  }
0x2a: {  	s1 =	sadd.s32 $0x131000, s18;
	[dreg:$0xf] =	wrdreg s7;
	s7 =	sadd.s32 s6, s24  }
0x2b: {  	s3 =	sadd.s32 $0x136000, s18;
	[dreg:$0x11] =	wrdreg s7;
	s7 =	sadd.s32 s6, s26  }
0x2c: {  	s24 =	sadd.s32 s10, s18;
	s6 =	sadd.s32 s6, s28;
	[dreg:$0x12] =	wrdreg s7  }
0x2d: {  	s10 =	sadd.s32 s2, s18;
	s2 =	sadd.s32 $0x133800, s18;
	[dreg:$0x13] =	wrdreg s6  }
0x2e: {  	s6 =	simm.s32 $0xC8;
	s7 =	simm.s32 $0x0;
	_ =	strace $0x8000004A  }
.LBB2_1:
0x2f: {  	s14 =	simm.s32 @!p0 $0x0  }
0x30: {  	s15 =	simm.s32 @!p0 $0x200;
	s19 =	rddreg [dreg:$0x4];
	s25 =	simm.s32 @!p0 $0x1  }
0x31: {  	[tilespmem:s15], [sflag:$0x1] =	stream.linear.gather @!p0 [hbm4b:s19+s14], $0x2800, $0x38;
	[tilespmem:$0x1A000] =	vst v63  }
0x32: {  	_ =	swait.ge @!p0 [sflag:s25], $0x2800  }
0x33: {  	[sflag:s25] =	ssyncset.done @!p0 $0x0  }
0x34: {  	[sflag:s25] =	ssyncadd.s32 @!p0 $0xFFFFD800  }
0x35: {  	[spmem:s22] =	stream.linear.scatter @!p0 [tilespmem:s15], [sflag:$0x1], $0x2800, $0x38;
	[tilespmem:$0x1A000] =	vst v63  }
0x36: {  	_ =	swait.ge @!p0 [sflag:s25], $0x2800  }
0x37: {  	[sflag:s25] =	ssyncset.done @!p0 $0x0  }
0x38: {  	s19 =	rddreg [dreg:$0x5];
	[sflag:s25] =	ssyncadd.s32 @!p0 $0xFFFFD800  }
0x39: {  	[tilespmem:s15], [sflag:$0x1] =	stream.linear.gather @!p0 [hbm4b:s19+s14], $0x2800, $0x38;
	[tilespmem:$0x1A000] =	vst v63  }
0x3a: {  	_ =	swait.ge @!p0 [sflag:s25], $0x2800  }
0x3b: {  	[sflag:s25] =	ssyncset.done @!p0 $0x0  }
0x3c: {  	[sflag:s25] =	ssyncadd.s32 @!p0 $0xFFFFD800  }
0x3d: {  	[spmem:s23] =	stream.linear.scatter @!p0 [tilespmem:s15], [sflag:$0x1], $0x2800, $0x38;
	[tilespmem:$0x1A000] =	vst v63  }
0x3e: {  	_ =	swait.ge @!p0 [sflag:s25], $0x2800  }
0x3f: {  	[sflag:s25] =	ssyncset.done @!p0 $0x0  }
0x40: {  	s19 =	rddreg [dreg:$0x6];
	[sflag:s25] =	ssyncadd.s32 @!p0 $0xFFFFD800  }
0x41: {  	[tilespmem:s15], [sflag:$0x1] =	stream.linear.gather @!p0 [hbm4b:s19+s14], $0x2800, $0x38;
	[tilespmem:$0x1A000] =	vst v63  }
0x42: {  	_ =	swait.ge @!p0 [sflag:s25], $0x2800  }
0x43: {  	[sflag:s25] =	ssyncset.done @!p0 $0x0  }
0x44: {  	[sflag:s25] =	ssyncadd.s32 @!p0 $0xFFFFD800  }
0x45: {  	[spmem:s24] =	stream.linear.scatter @!p0 [tilespmem:s15], [sflag:$0x1], $0x2800, $0x38;
	[tilespmem:$0x1A000] =	vst v63  }
0x46: {  	_ =	swait.ge @!p0 [sflag:s25], $0x2800  }
0x47: {  	[sflag:s25] =	ssyncset.done @!p0 $0x0  }
0x48: {  	s15 =	rddreg [dreg:$0x7];
	[sflag:s25] =	ssyncadd.s32 @!p0 $0xFFFFD800  }
0x49: {  	[tilespmem:s4], [sflag:$0x1] =	stream.linear.gather [hbm4b:s15+s9], $0x2800, $0x38;
	[tilespmem:$0x1A000] =	vst v63  }
0x4a: {  	_ =	swait.ge [sflag:s5], $0x2800  }
0x4b: {  	s25 =	smov.u32 s8;
	[sflag:s5] =	ssyncset.done $0x0  }
0x4c: {  	s25 =	smov.u32 @p0 s16;
	[sflag:s5] =	ssyncadd.s32 $0xFFFFD800  }
0x4d: {  	[spmem:s25] =	stream.linear.scatter [tilespmem:s4], [sflag:$0x1], $0x2800, $0x38;
	[tilespmem:$0x1A000] =	vst v63  }
0x4e: {  	_ =	swait.ge [sflag:s5], $0x2800  }
0x4f: {  	[sflag:s5] =	ssyncset.done $0x0  }
0x50: {  	s19 =	rddreg [dreg:$0x8];
	[sflag:s5] =	ssyncadd.s32 $0xFFFFD800  }
0x51: {  	[tilespmem:s4], [sflag:$0x1] =	stream.linear.gather [hbm4b:s19+s9], $0x2800, $0x38;
	[tilespmem:$0x1A000] =	vst v63  }
0x52: {  	_ =	swait.ge [sflag:s5], $0x2800  }
0x53: {  	s26 =	smov.u32 s10;
	[sflag:s5] =	ssyncset.done $0x0  }
0x54: {  	s26 =	smov.u32 @p0 s0;
	[sflag:s5] =	ssyncadd.s32 $0xFFFFD800  }
0x55: {  	[spmem:s26] =	stream.linear.scatter [tilespmem:s4], [sflag:$0x1], $0x2800, $0x38;
	[tilespmem:$0x1A000] =	vst v63  }
0x56: {  	_ =	swait.ge [sflag:s5], $0x2800  }
0x57: {  	[sflag:s5] =	ssyncset.done $0x0  }
0x58: {  	s20 =	rddreg [dreg:$0x9];
	[sflag:s5] =	ssyncadd.s32 $0xFFFFD800  }
0x59: {  	[tilespmem:s4], [sflag:$0x1] =	stream.linear.gather [hbm4b:s20+s9], $0x2800, $0x38;
	[tilespmem:$0x1A000] =	vst v63  }
0x5a: {  	_ =	swait.ge [sflag:s5], $0x2800  }
0x5b: {  	s28 =	smov.u32 s11;
	[sflag:s5] =	ssyncset.done $0x0  }
0x5c: {  	s28 =	smov.u32 @p0 s1;
	[sflag:s5] =	ssyncadd.s32 $0xFFFFD800  }
0x5d: {  	[spmem:s28] =	stream.linear.scatter [tilespmem:s4], [sflag:$0x1], $0x2800, $0x38;
	[tilespmem:$0x1A000] =	vst v63  }
0x5e: {  	_ =	swait.ge [sflag:s5], $0x2800  }
0x5f: {  	[sflag:s5] =	ssyncset.done $0x0  }
0x60: {  	s15 =	rddreg [dreg:$0xa];
	[sflag:s5] =	ssyncadd.s32 $0xFFFFD800  }
0x61: {  	[tilespmem:s4], [sflag:$0x1] =	stream.linear.gather [hbm4b:s15+s9], $0x2800, $0x38;
	[tilespmem:$0x1A000] =	vst v63  }
0x62: {  	_ =	swait.ge [sflag:s5], $0x2800  }
0x63: {  	s29 =	smov.u32 s12;
	[sflag:s5] =	ssyncset.done $0x0  }
0x64: {  	s29 =	smov.u32 @p0 s2;
	[sflag:s5] =	ssyncadd.s32 $0xFFFFD800  }
0x65: {  	[spmem:s29] =	stream.linear.scatter [tilespmem:s4], [sflag:$0x1], $0x2800, $0x38;
	[tilespmem:$0x1A000] =	vst v63  }
0x66: {  	_ =	swait.ge [sflag:s5], $0x2800  }
0x67: {  	[sflag:s5] =	ssyncset.done $0x0  }
0x68: {  	s19 =	rddreg [dreg:$0xb];
	[sflag:s5] =	ssyncadd.s32 $0xFFFFD800  }
0x69: {  	[tilespmem:s4], [sflag:$0x1] =	stream.linear.gather [hbm4b:s19+s9], $0x2800, $0x38;
	[tilespmem:$0x1A000] =	vst v63  }
0x6a: {  	_ =	swait.ge [sflag:s5], $0x2800  }
0x6b: {  	s30 =	smov.u32 s13;
	[sflag:s5] =	ssyncset.done $0x0  }
0x6c: {  	s30 =	smov.u32 @p0 s3;
	[sflag:s5] =	ssyncadd.s32 $0xFFFFD800  }
0x6d: {  	[spmem:s30] =	stream.linear.scatter [tilespmem:s4], [sflag:$0x1], $0x2800, $0x38;
	[tilespmem:$0x1A000] =	vst v63  }
0x6e: {  	_ =	swait.ge [sflag:s5], $0x2800  }
0x6f: {  	[sflag:s5] =	ssyncset.done $0x0  }
0x70: {  	[sflag:s5] =	ssyncadd.s32 $0xFFFFD800  }
0x71: {  	s20 =	sadd.s32 $0x0, s31;
	[bflag:$0x0] =	sbarrier.arrive $0xFFFF  }
0x72: {  	[tilespmem:s9], [sflag:$0x1] =	stream.linear.gather [hbm4b:s20+s9], $0x190, $0x38;
	[tilespmem:$0x1A000] =	vst v63  }
0x73: {  	_ =	swait.ge [sflag:s5], $0x190  }
0x74: {  	[sflag:s5] =	ssyncset.done $0x0  }
0x75: {  	[sflag:s5] =	ssyncadd.s32 $0xFFFFFE70  }
0x76: {  	[tilespmem:s4], [sflag:$0x1] =	stream.indirect.gather [hbm4b:s17+s6], $0x80, s9, s6, $0xb8;
	[tilespmem:$0x1A000] =	vst v63  }
0x77: {  	_ =	swait.ge [sflag:s5], $0x6400  }
0x78: {  	[sflag:s5] =	ssyncset.done $0x0  }
0x79: {  	[sflag:s5] =	ssyncadd.s32 $0xFFFF9C00  }
0x7a: {  	[spmem:s18] =	stream.indirect.scatter.add.f32 [tilespmem:s4], [sflag:$0x1], $0x80, s6, s6, $0xb8;
	[tilespmem:$0x1A000] =	vst v63  }
0x7b: {  	_ =	swait.ge [sflag:s5], $0x6400  }
0x7c: {  	s14 =	simm.s32 $0x32;
	s15 =	simm.s32 $0x64;
	[sflag:s5] =	ssyncset.done $0x0  }
.LBB2_2:
0x7d: {  	s19 =	sadd.s32 s14, s31  }
0x7e: {  	[sflag:s5] =	ssyncadd.s32 $0xFFFF9C00;
	s14 =	smov.u32 s15;
	s20 =	sadd.s32 $0x32, s15  }
0x7f: {  	[tilespmem:s9], [sflag:$0x1] =	stream.linear.gather [hbm4b:s19+s9], $0x190, $0x38;
	[tilespmem:$0x1A000] =	vst v63  }
0x80: {  	p1 =	sne.s32 s15, $0x992;
	_ =	swait.ge [sflag:s5], $0x190  }
0x81: {  	[sflag:s5] =	ssyncset.done $0x0  }
0x82: {  	[sflag:s5] =	ssyncadd.s32 $0xFFFFFE70  }
0x83: {  	[tilespmem:s4], [sflag:$0x1] =	stream.indirect.gather [hbm4b:s17+s6], $0x80, s9, s6, $0xb8;
	[tilespmem:$0x1A000] =	vst v63  }
0x84: {  	_ =	swait.ge [sflag:s5], $0x6400  }
.Ltmp0:
0x85: {  	[sflag:s5] =	ssyncset.done $0x0;
	(pc) =	sbr.rel @p1 .LBB2_2-.Ltmp0, $4  }
0x86: {  	[sflag:s5] =	ssyncadd.s32 $0xFFFF9C00  }
0x87: {  	[spmem:s18] =	stream.indirect.scatter.add.f32 [tilespmem:s4], [sflag:$0x1], $0x80, s6, s6, $0xb8;
	[tilespmem:$0x1A000] =	vst v63  }
0x88: {  	_ =	swait.ge [sflag:s5], $0x6400  }
0x89: {  	s15 =	smov.u32 s20;
	[sflag:s5] =	ssyncset.done $0x0  }
0x8a: {  	s14 =	sadd.s32 s14, s31;
	[sflag:s5] =	ssyncadd.s32 $0xFFFF9C00  }
0x8b: {  	[tilespmem:s9], [sflag:$0x1] =	stream.linear.gather [hbm4b:s14+s9], $0x190, $0x38;
	[tilespmem:$0x1A000] =	vst v63  }
0x8c: {  	_ =	swait.ge [sflag:s5], $0x190  }
0x8d: {  	[sflag:s5] =	ssyncset.done $0x0  }
0x8e: {  	[sflag:s5] =	ssyncadd.s32 $0xFFFFFE70  }
0x8f: {  	[tilespmem:s4], [sflag:$0x1] =	stream.indirect.gather [hbm4b:s17+s6], $0x80, s9, s6, $0xb8;
	[tilespmem:$0x1A000] =	vst v63  }
0x90: {  	_ =	swait.ge [sflag:s5], $0x6400  }
0x91: {  	[sflag:s5] =	ssyncset.done $0x0  }
0x92: {  	[sflag:s5] =	ssyncadd.s32 $0xFFFF9C00  }
0x93: {  	[spmem:s18] =	stream.indirect.scatter.add.f32 [tilespmem:s4], [sflag:$0x1], $0x80, s6, s6, $0xb8;
	[tilespmem:$0x1A000] =	vst v63  }
0x94: {  	_ =	swait.ge [sflag:s5], $0x6400  }
0x95: {  	[sflag:s5] =	ssyncset.done $0x0  }
0x96: {  	[sflag:s5] =	ssyncadd.s32 $0xFFFF9C00  }
0x97: {  	s15 =	simm.s32 @!p0 $0x1;
	s14 =	simm.s32 @!p0 $0x200;
	[bflag:$0x0] =	sbarrier.arrive $0xFFFF  }
0x98: {  	[tilespmem:s14], [sflag:$0x1] =	stream.linear.gather @!p0 [spmem:s22], $0x2800, $0x38;
	[tilespmem:$0x1A000] =	vst v63  }
0x99: {  	_ =	swait.ge @!p0 [sflag:s15], $0x2800  }
0x9a: {  	[sflag:s15] =	ssyncset.done @!p0 $0x0  }
0x9b: {  	s19 =	simm.s32 @!p0 $0x0;
	s20 =	rddreg [dreg:$0xc];
	[sflag:s15] =	ssyncadd.s32 @!p0 $0xFFFFD800  }
0x9c: {  	[hbm4b:s20+s19] =	stream.linear.scatter @!p0 [tilespmem:s14], [sflag:$0x1], $0x2800, $0x38;
	[tilespmem:$0x1A000] =	vst v63  }
0x9d: {  	_ =	swait.ge @!p0 [sflag:s15], $0x2800  }
0x9e: {  	[sflag:s15] =	ssyncset.done @!p0 $0x0  }
0x9f: {  	[sflag:s15] =	ssyncadd.s32 @!p0 $0xFFFFD800  }
0xa0: {  	[tilespmem:s14], [sflag:$0x1] =	stream.linear.gather @!p0 [spmem:s23], $0x2800, $0x38;
	[tilespmem:$0x1A000] =	vst v63  }
0xa1: {  	_ =	swait.ge @!p0 [sflag:s15], $0x2800  }
0xa2: {  	[sflag:s15] =	ssyncset.done @!p0 $0x0  }
0xa3: {  	s20 =	rddreg [dreg:$0xd];
	[sflag:s15] =	ssyncadd.s32 @!p0 $0xFFFFD800  }
0xa4: {  	[hbm4b:s20+s19] =	stream.linear.scatter @!p0 [tilespmem:s14], [sflag:$0x1], $0x2800, $0x38;
	[tilespmem:$0x1A000] =	vst v63  }
0xa5: {  	_ =	swait.ge @!p0 [sflag:s15], $0x2800  }
0xa6: {  	[sflag:s15] =	ssyncset.done @!p0 $0x0  }
0xa7: {  	[sflag:s15] =	ssyncadd.s32 @!p0 $0xFFFFD800  }
0xa8: {  	[tilespmem:s14], [sflag:$0x1] =	stream.linear.gather @!p0 [spmem:s24], $0x2800, $0x38;
	[tilespmem:$0x1A000] =	vst v63  }
0xa9: {  	_ =	swait.ge @!p0 [sflag:s15], $0x2800  }
0xaa: {  	[sflag:s15] =	ssyncset.done @!p0 $0x0  }
0xab: {  	s20 =	rddreg [dreg:$0xe];
	[sflag:s15] =	ssyncadd.s32 @!p0 $0xFFFFD800  }
0xac: {  	[hbm4b:s20+s19] =	stream.linear.scatter @!p0 [tilespmem:s14], [sflag:$0x1], $0x2800, $0x38;
	[tilespmem:$0x1A000] =	vst v63  }
0xad: {  	_ =	swait.ge @!p0 [sflag:s15], $0x2800  }
0xae: {  	[sflag:s15] =	ssyncset.done @!p0 $0x0  }
0xaf: {  	[sflag:s15] =	ssyncadd.s32 @!p0 $0xFFFFD800  }
0xb0: {  	[tilespmem:s4], [sflag:$0x1] =	stream.linear.gather [spmem:s25], $0x2800, $0x38;
	[tilespmem:$0x1A000] =	vst v63  }
0xb1: {  	_ =	swait.ge [sflag:s5], $0x2800  }
0xb2: {  	[sflag:s5] =	ssyncset.done $0x0  }
0xb3: {  	s25 =	rddreg [dreg:$0x13];
	[sflag:s5] =	ssyncadd.s32 $0xFFFFD800  }
0xb4: {  	[hbm4b:s25+s9] =	stream.linear.scatter [tilespmem:s4], [sflag:$0x1], $0x2800, $0x38;
	[tilespmem:$0x1A000] =	vst v63  }
0xb5: {  	_ =	swait.ge [sflag:s5], $0x2800  }
0xb6: {  	[sflag:s5] =	ssyncset.done $0x0  }
0xb7: {  	[sflag:s5] =	ssyncadd.s32 $0xFFFFD800  }
0xb8: {  	[tilespmem:s4], [sflag:$0x1] =	stream.linear.gather [spmem:s26], $0x2800, $0x38;
	[tilespmem:$0x1A000] =	vst v63  }
0xb9: {  	_ =	swait.ge [sflag:s5], $0x2800  }
0xba: {  	[sflag:s5] =	ssyncset.done $0x0  }
0xbb: {  	s26 =	rddreg [dreg:$0x12];
	[sflag:s5] =	ssyncadd.s32 $0xFFFFD800  }
0xbc: {  	[hbm4b:s26+s9] =	stream.linear.scatter [tilespmem:s4], [sflag:$0x1], $0x2800, $0x38;
	[tilespmem:$0x1A000] =	vst v63  }
0xbd: {  	_ =	swait.ge [sflag:s5], $0x2800  }
0xbe: {  	[sflag:s5] =	ssyncset.done $0x0  }
0xbf: {  	[sflag:s5] =	ssyncadd.s32 $0xFFFFD800  }
0xc0: {  	[tilespmem:s4], [sflag:$0x1] =	stream.linear.gather [spmem:s28], $0x2800, $0x38;
	[tilespmem:$0x1A000] =	vst v63  }
0xc1: {  	_ =	swait.ge [sflag:s5], $0x2800  }
0xc2: {  	[sflag:s5] =	ssyncset.done $0x0  }
0xc3: {  	s28 =	rddreg [dreg:$0x11];
	[sflag:s5] =	ssyncadd.s32 $0xFFFFD800  }
0xc4: {  	[hbm4b:s28+s9] =	stream.linear.scatter [tilespmem:s4], [sflag:$0x1], $0x2800, $0x38;
	[tilespmem:$0x1A000] =	vst v63  }
0xc5: {  	_ =	swait.ge [sflag:s5], $0x2800  }
0xc6: {  	[sflag:s5] =	ssyncset.done $0x0  }
0xc7: {  	[sflag:s5] =	ssyncadd.s32 $0xFFFFD800  }
0xc8: {  	[tilespmem:s4], [sflag:$0x1] =	stream.linear.gather [spmem:s29], $0x2800, $0x38;
	[tilespmem:$0x1A000] =	vst v63  }
0xc9: {  	_ =	swait.ge [sflag:s5], $0x2800  }
0xca: {  	[sflag:s5] =	ssyncset.done $0x0  }
0xcb: {  	s29 =	rddreg [dreg:$0x10];
	[sflag:s5] =	ssyncadd.s32 $0xFFFFD800  }
0xcc: {  	[hbm4b:s29+s9] =	stream.linear.scatter [tilespmem:s4], [sflag:$0x1], $0x2800, $0x38;
	[tilespmem:$0x1A000] =	vst v63  }
0xcd: {  	_ =	swait.ge [sflag:s5], $0x2800  }
0xce: {  	[sflag:s5] =	ssyncset.done $0x0  }
0xcf: {  	[sflag:s5] =	ssyncadd.s32 $0xFFFFD800  }
0xd0: {  	[tilespmem:s4], [sflag:$0x1] =	stream.linear.gather [spmem:s30], $0x2800, $0x38;
	[tilespmem:$0x1A000] =	vst v63  }
0xd1: {  	s7 =	sadd.s32 $0x1, s7;
	_ =	swait.ge [sflag:s5], $0x2800  }
0xd2: {  	p1 =	sne.s32 s7, s21;
	[sflag:s5] =	ssyncset.done $0x0  }
.Ltmp1:
0xd3: {  	s30 =	rddreg [dreg:$0xf];
	[sflag:s5] =	ssyncadd.s32 $0xFFFFD800;
	(pc) =	sbr.rel @p1 .LBB2_1-.Ltmp1, $4  }
0xd4: {  	[hbm4b:s30+s9] =	stream.linear.scatter [tilespmem:s4], [sflag:$0x1], $0x2800, $0x38;
	[tilespmem:$0x1A000] =	vst v63  }
0xd5: {  	_ =	swait.ge [sflag:s5], $0x2800  }
0xd6: {  	[sflag:s5] =	ssyncset.done $0x0  }
0xd7: {  	[sflag:s5] =	ssyncadd.s32 $0xFFFFD800  }
0xd8: {  	_ =	sfence.sel $0x180000  }
0xd9: {  	[bflag:$0x0] =	sbarrier.arrive $0xFFFF  }
0xda: {  	_ =	strace $0x9000004A  }
0xdb: {  	s0 =	stileid.u32;
	[bflag:$0x2] =	sbarrier.arrive $0xFFFF  }
0xdc: {  	p0 =	sne.s32 s0, $0x0;
	s0 =	rddreg [dreg:$0x3]  }
0xdd: {  	s0 =	sadd.s32 @!p0 $0x100000, s0  }
0xde: {  	[sflag:s0] =	ssyncadd.tile.s32 @!p0 $0x1;
	_ =	shalt  }
.Lfunc_end2:
_tile_overlayer_lowered:
.L_overlay_start_2:
0xdf: {  	(tag) =	ssettag $0x2  }
0xe0: {  	s0 =	rddreg [dreg:$0x0];
	s2 =	stileid.u32  }
0xe1: {  	s1 =	rddreg [dreg:$0x1];
	p0 =	sne.s32 s2, $0x0  }
0xe2: {  	s3 =	rddreg [dreg:$0x2];
	[bflag:$0x3] =	sbarrier.arrive $0xFFFF;
	s2 =	simm.s32 @!p0 $0x1C01  }
0xe3: {  	[timem:s3], [sflag:s2] =	dma.local @!p0 [hbm:s0], s1  }
0xe4: {  	s0 =	simm.s32 @!p0 $0x1  }
0xe5: {  	_ =	swait.ge @!p0 [sflag:s0], s1  }
0xe6: {  	s1 =	ssub.s32 @!p0 $0x0, s1;
	[sflag:s0] =	ssyncset.done @!p0 $0x0  }
0xe7: {  	[sflag:s0] =	ssyncadd.s32 @!p0 s1  }
0xe8: {  	[bflag:$0x3] =	sbarrier.arrive $0xFFFF  }
0xe9: {  	_ =	shalt  }

// kernel: kernel.14.cloned.1.call-start
scs
__scs_entry_jumppad:
0x0: {  	(pc) =	sbr.rel $0x88, $3  }
0x1: {  	(tag) =	ssettag $0x0;
	lr =	simm.s32 $0x1  }
0x2: {  	[smem:$0x3F85] =	sst lr;
	_ =	strace $0xD0000000  }
0x3: {  	_ = 	snop  }
0x4: {  	_ = 	snop  }
0x5: {  	_ = 	snop  }
0x6: {  	_ = 	snop  }
0x7: {  	_ = 	snop  }
__scs_overlays_trampoline_lowered:
0x8: {  	[smem:$0x3F94] =	sst s0  }
0x9: {  	[smem:$0x3F95] =	sst s1  }
0xa: {  	[smem:$0x3F96] =	sst s2  }
0xb: {  	[smem:$0x3F97] =	sst s3  }
0xc: {  	[smem:$0x3F98] =	sst s4  }
0xd: {  	[smem:$0x3F99] =	sst s5  }
0xe: {  	[smem:$0x3F9A] =	sst s6  }
0xf: {  	[smem:$0x3F9B] =	sst s7  }
0x10: {  	[smem:$0x3F9C] =	sst s8  }
0x11: {  	[smem:$0x3F9D] =	sst s9;
	s0 =	simm.s32 @!p0 $0x0  }
0x12: {  	s1 =	sld [smem:$0x3F83];
	s0 =	simm.s32 @p0 $0x1  }
0x13: {  	[smem:$0x3F9E] =	sst s0;
	s0 =	simm.s32 @!p1 $0x0  }
0x14: {  	s2 =	sld [smem:$0x3F82];
	s0 =	simm.s32 @p1 $0x1  }
0x15: {  	[smem:$0x3F9F] =	sst s0;
	s0 =	simm.s32 @!p2 $0x0  }
0x16: {  	s3 =	sld [smem:$0x3FDB];
	s0 =	simm.s32 @p2 $0x1  }
0x17: {  	s4 =	simm.s32 $0x1BF5;
	[smem:$0x3FA1] =	sst s0  }
0x18: {  	s0 =	sld [smem:$0x3F84];
	_ =	swait.ge [sflag:s4], $0x0  }
0x19: {  	s7 =	sld [smem:$0x3F85]  }
0x1a: {  	s8 =	sadd.s32 $0xFFFFE003, lr  }
0x1b: {  	s9 =	sadd.s32 $0xFFFFFEF7, lr;
	s5 =	simm.s32 $0xFFFFFFFF;
	p2 =	slt.u32 s8, $0xFFFFF086  }
0x1c: {  	p1 =	slt.u32 s9, $0xF7A;
	s5 =	simm.s32 @!p2 $0x0  }
0x1d: {  	s5 =	simm.s32 @p1 $0x1;
	p0 =	seq.s32 s7, s2  }
0x1e: {  	s7 =	smul.u32 @!p0 $0xF7A, s2;
	p2 =	seq.s32 @!p0 s5, $0x0  }
0x1f: {  	s9 =	smul.u32 $0xF7A, s1;
	s8 =	simm.s32 @!p0 $0x1BF5;
	p2 =	por !p2, p0  }
0x20: {  	[sflag:s8] =	ssyncset.s32 @!p0 $0xFFFFF086;
	s6 =	sadd.s32 @!p0 s3, s7;
	s7 =	simm.s32 @!p0 $0x108  }
0x21: {  	s3 =	sadd.s32 s3, s9;
	s6 =	sadd.s32 @!p0 $0x88, s6;
	s7 =	simm.s32 @p2 $0x1082  }
0x22: {  	[simem:s7], [sflag:s8] =	dma.local @!p0 [hbm:s6], $0xF7A  }
0x23: {  	s9 =	sor.u32 $0xD0000000, s2;
	s6 =	simm.s32 $0x108;
	_ =	swait.ge @!p0 [sflag:s8], $0x0  }
0x24: {  	s3 =	sadd.s32 $0x88, s3;
	s6 =	simm.s32 @!p1 $0x1082;
	[sflag:s4] =	ssyncset.s32 $0xFFFFF086  }
0x25: {  	[simem:s6], [sflag:s4] =	dma.local [hbm:s3], $0xF7A  }
0x26: {  	[smem:$0x3F85] =	sst s1;
	(tag) =	ssettag s2;
	_ =	strace s9  }
0x27: {  	s1 =	sld [smem:$0x3F95]  }
0x28: {  	s2 =	sld [smem:$0x3F96]  }
0x29: {  	s4 =	sld [smem:$0x3F98]  }
0x2a: {  	p0 =	seq.s32 s5, $0x0;
	s5 =	sld [smem:$0x3F99]  }
0x2b: {  	s6 =	sld [smem:$0x3F9A]  }
0x2c: {  	s7 =	sld [smem:$0x3F9B]  }
0x2d: {  	s3 =	simm.s32 $0x108;
	s8 =	sld [smem:$0x3F9C]  }
0x2e: {  	s3 =	simm.s32 @!p0 $0x1082;
	s9 =	sld [smem:$0x3F9D]  }
0x2f: {  	lr =	sadd.s32 s0, s3;
	s0 =	sld [smem:$0x3F94]  }
0x30: {  	s3 =	sld [smem:$0x3F97]  }
0x31: {  	[smem:$0x3FA0] =	sst s10  }
0x32: {  	s10 =	sld [smem:$0x3F9E];
	_ =	sdelay $0x3  }
0x33: {  	p0 =	seq.s32 s10, $0x1;
	s10 =	sld [smem:$0x3FA0];
	_ =	sdelay $0x3  }
0x34: {  	[smem:$0x3FA0] =	sst s10  }
0x35: {  	s10 =	sld [smem:$0x3F9F];
	_ =	sdelay $0x3  }
0x36: {  	p1 =	seq.s32 s10, $0x1;
	s10 =	sld [smem:$0x3FA0];
	_ =	sdelay $0x3  }
0x37: {  	[smem:$0x3FA0] =	sst s10  }
0x38: {  	s10 =	sld [smem:$0x3FA1]  }
0x39: {  	_ = 	snop;
	(pc) =	sbr.ind lr, $3  }
0x3a: {  	_ = 	snop  }
0x3b: {  	_ = 	snop  }
0x3c: {  	p2 =	seq.s32 s10, $0x1;
	s10 =	sld [smem:$0x3FA0]  }
0x3d: {  	_ =	shalt  }
0x3e: {  	_ =	shalt  }
0x3f: {  	_ =	shalt  }
0x40: {  	_ =	shalt  }
0x41: {  	_ =	shalt  }
0x42: {  	_ =	shalt  }
0x43: {  	_ =	shalt  }
0x44: {  	_ =	shalt  }
0x45: {  	_ =	shalt  }
0x46: {  	_ =	shalt  }
0x47: {  	_ =	shalt  }
0x48: {  	_ =	shalt  }
0x49: {  	_ =	shalt  }
0x4a: {  	_ =	shalt  }
0x4b: {  	_ =	shalt  }
0x4c: {  	_ =	shalt  }
0x4d: {  	_ =	shalt  }
0x4e: {  	_ =	shalt  }
0x4f: {  	_ =	shalt  }
0x50: {  	_ =	shalt  }
0x51: {  	_ =	shalt  }
0x52: {  	_ =	shalt  }
0x53: {  	_ =	shalt  }
0x54: {  	_ =	shalt  }
0x55: {  	_ =	shalt  }
0x56: {  	_ =	shalt  }
0x57: {  	_ =	shalt  }
0x58: {  	_ =	shalt  }
0x59: {  	_ =	shalt  }
0x5a: {  	_ =	shalt  }
0x5b: {  	_ =	shalt  }
0x5c: {  	_ =	shalt  }
0x5d: {  	_ =	shalt  }
0x5e: {  	_ =	shalt  }
0x5f: {  	_ =	shalt  }
0x60: {  	_ =	shalt  }
0x61: {  	_ =	shalt  }
0x62: {  	_ =	shalt  }
0x63: {  	_ =	shalt  }
0x64: {  	_ =	shalt  }
0x65: {  	_ =	shalt  }
0x66: {  	_ =	shalt  }
0x67: {  	_ =	shalt  }
0x68: {  	_ =	shalt  }
0x69: {  	_ =	shalt  }
0x6a: {  	_ =	shalt  }
0x6b: {  	_ =	shalt  }
0x6c: {  	_ =	shalt  }
0x6d: {  	_ =	shalt  }
0x6e: {  	_ =	shalt  }
0x6f: {  	_ =	shalt  }
0x70: {  	_ =	shalt  }
0x71: {  	_ =	shalt  }
0x72: {  	_ =	shalt  }
0x73: {  	_ =	shalt  }
0x74: {  	_ =	shalt  }
0x75: {  	_ =	shalt  }
0x76: {  	_ =	shalt  }
0x77: {  	_ =	shalt  }
0x78: {  	_ =	shalt  }
0x79: {  	_ =	shalt  }
0x7a: {  	_ =	shalt  }
0x7b: {  	_ =	shalt  }
0x7c: {  	_ =	shalt  }
0x7d: {  	_ =	shalt  }
0x7e: {  	_ =	shalt  }
0x7f: {  	_ =	shalt  }
0x80: {  	_ =	shalt  }
0x81: {  	_ =	shalt  }
0x82: {  	_ =	shalt  }
0x83: {  	_ =	shalt  }
0x84: {  	_ =	shalt  }
0x85: {  	_ =	shalt  }
0x86: {  	_ =	shalt  }
0x87: {  	_ =	shalt  }
.Lfunc_end0:
.L_simem_size_0:
called_computation.2_lowered:
.L_overlay_start_0:
0x88: {  	s2 =	sld [smem:$0x3FD9]  }
0x89: {  	s3 =	sld [smem:$0x3FFE];
	_ =	sdelay $0x1  }
0x8a: {  	s1 =	srdreg.scid  }
0x8b: {  	s0 =	sand.u32 $0x1, s1  }
0x8c: {  	s16 =	sshll.u32 s0, $0xA;
	s2 =	sadd.s32 s3, s2  }
0x8d: {  	s2 =	sadd.s32 s2, s16  }
0x8e: {  	[smem:$0x3FAC] =	sst s2  }
0x8f: {  	_ = 	snop  }
0x90: {  	(tm) =	ssettm $0x1  }
0x91: {  	s17 =	sld [smem:$0x3FFB];
	_ =	sdelay $0x3  }
0x92: {  	_ =	strace s17  }
0x93: {  	s2 =	sld [smem:$0x3FFC];
	_ =	sdelay $0x3  }
0x94: {  	_ =	strace s2  }
0x95: {  	s2 =	sld [smem:$0x3FFD];
	_ =	sdelay $0x3  }
0x96: {  	_ =	strace s2  }
0x97: {  	_ =	strace $0x8FFFFFFF  }
0x98: {  	s18 =	sld [smem:$0x3FDB];
	_ =	sdelay $0x1  }
0x99: {  	s19 =	simm.s32 $_scs_section_size  }
0x9a: {  	s4 =	simm.s32 $_size__tile_overlayer_lowered;
	s5 =	simm.s32 $_tile_overlayer_lowered  }
0x9b: {  	s22 =	simm.s32 $0x1BFF;
	s21 =	sshll.u32 s5, $0x1;
	s2 =	sadd.s32 s19, s18  }
0x9c: {  	s6 =	simm.s32 $0x0;
	s20 =	sshll.u32 s4, $0x1;
	s4 =	sadd.s32 s21, s2  }
0x9d: {  	[timem:s6], [sflag:s22] =	dma.local [hbm:s4], s20  }
0x9e: {  	_ =	swait.ge [sflag:s22], s20  }
0x9f: {  	s3 =	ssub.s32 $0x0, s20;
	[sflag:s22] =	ssyncset.done $0x0  }
0xa0: {  	[sflag:s22] =	ssyncadd.s32 s3;
	_ =	sdelay $0x1  }
0xa1: {  	s23 =	simm.s32 $0x1B8B  }
0xa2: {  	_ =	swait.ge [sflag:s23], $0x1  }
0xa3: {  	[sflag:s23] =	ssyncset.done $0x0  }
0xa4: {  	s25 =	simm.s32 $0x1B8E;
	s24 =	sld [smem:$0x3FFE];
	[sflag:s23] =	ssyncadd.s32 $0xFFFFFFFF  }
0xa5: {  	s26 =	simm.s32 $execute0_lowered;
	[smem:$0x3FD2] =	sst s25  }
0xa6: {  	s4 =	sshll.u32 s26, $0x1;
	_ =	strace $0x8000004C;
	[dreg:$0x1] =	wrdreg $0xFFFFFFFF  }
0xa7: {  	s28 =	simm.s32 $_size_execute0_lowered;
	s2 =	sadd.s32 s2, s4;
	[dreg:$0x0] =	wrdreg $0x0  }
0xa8: {  	s4 =	sshll.u32 s28, $0x1;
	[dreg:$0x2] =	wrdreg s2  }
0xa9: {  	[dreg:$0x3] =	wrdreg s4  }
0xaa: {  	[dreg:$0x4] =	wrdreg $0xC0  }
0xab: {  	_ =	task [dreg:s6], $0x5FFFF  }
0xac: {  	[dreg:$0x1] =	wrdreg $0xFFFFFFFF  }
0xad: {  	[dreg:$0x0] =	wrdreg $0x60  }
0xae: {  	[dreg:$0x2] =	wrdreg s24  }
0xaf: {  	[dreg:$0x3] =	wrdreg $0x66000  }
0xb0: {  	[dreg:$0x4] =	wrdreg $0x9  }
0xb1: {  	_ =	task.clear_ibuf [dreg:s6], $0x5FFFF;
	_ =	strace $0x9000004C  }
0xb2: {  	s29 =	simm.s32 $0x9;
	_ =	strace $0x8000004E  }
0xb3: {  	_ =	swait.ge [sflag:s29], $0x1  }
0xb4: {  	[sflag:s29] =	ssyncadd.s32 $0xFFFFFFFF  }
0xb5: {  	_ =	strace $0x9000004E  }
0xb6: {  	_ =	sfence  }
0xb7: {  	s30 =	sld [smem:$0x0];
	_ =	sdelay $0x2  }
0xb8: {  	s31 =	sshll.u32 s1, $0xD;
	s1 =	sshrl.u32 s1, $0x2  }
0xb9: {  	s3 =	sand.u32 $0x4000, s31;
	s1 =	sadd.s32 s1, s30  }
0xba: {  	s0 =	sor.u32 s3, s0;
	s1 =	sshll.u32 s1, $0x11  }
0xbb: {  	s0 =	sor.u32 s1, s0  }
0xbc: {  	s0 =	sadd.s32 $0x8F2B, s0  }
0xbd: {  	[sflag:s0] =	ssyncadd.remote.s32 $0x1  }
0xbe: {  	_ =	sfence.sel $0xFFFF  }
0xbf: {  	[dreg:$0x0] =	wrdreg $0xFFFFFFFF;
	(pc) =	sbr.abs _section_cstart, $3  }
0xc0: {  	[dreg:$0x1] =	wrdreg $0xFFFFFFFF  }
0xc1: {  	_ =	task.clear_ibuf [dreg:s6], $0x2FFFF;
	_ =	strace $0x9FFFFFFF  }
0xc2: {  	(tm) =	ssettm $0x7FFFFFFF  }
0xc3: {  	_ =	shalt  }
tec
execute0_lowered:
.L_overlay_start_1:
0x0: {  	(tag) =	ssettag $0x1  }
0x1: {  	s0 =	srdreg.scid;
	s20 =	stileid.u32  }
0x2: {  	s6 =	rddreg [dreg:$0x0];
	s4 =	smul.u32 $0x280, s20  }
0x3: {  	s1 =	sand.u32 $0x1, s0;
	s5 =	sadd.s32 $0x23800, s6;
	s3 =	smul.u32 $0x2800, s20  }
0x4: {  	p0 =	seq.s32 s20, $0xF;
	s8 =	smul.u32 $0x27100, s1;
	s0 =	ssub.s32 $0x2, s1  }
0x5: {  	s7 =	smul.u32 $0x138800, s1;
	s2 =	sshrl.u32 s0, $0x1;
	s10 =	sor.u32 $0x50, s4  }
0x6: {  	s24 =	sadd.s32 s5, s3;
	s11 =	sadd.s32 $0xA0, s4;
	s28 =	sadd.s32 $0xF0, s4  }
0x7: {  	s30 =	sadd.s32 $0x140, s4;
	s12 =	sadd.s32 $0x190, s4;
	s14 =	sadd.s32 $0x1E0, s4  }
0x8: {  	s0 =	ssub.s32 s0, s2;
	[dreg:$0x3] =	wrdreg s24;
	s25 =	sshll.u32 s10, $0x4  }
0x9: {  	s26 =	sshll.u32 s11, $0x4;
	s29 =	sshll.u32 s28, $0x4;
	s9 =	sshll.u32 s30, $0x4  }
0xa: {  	s13 =	sshll.u32 s12, $0x4;
	s2 =	sshll.u32 s30, $0x7;
	s3 =	sshll.u32 s12, $0x7  }
0xb: {  	s15 =	sshll.u32 s14, $0x4;
	s12 =	sadd.s32 $0x49500, s6;
	s8 =	sadd.s32 s8, s6  }
0xc: {  	s10 =	sshll.u32 s10, $0x7;
	s11 =	sshll.u32 s11, $0x7;
	s1 =	sadd.s32 s5, s25  }
0xd: {  	s17 =	sadd.s32 s5, s29;
	s18 =	sadd.s32 s5, s9;
	s19 =	sadd.s32 s5, s13  }
0xe: {  	s13 =	sadd.s32 $0x230, s4;
	s21 =	sadd.s32 s5, s15;
	s4 =	sshll.u32 s14, $0x7  }
0xf: {  	s9 =	sadd.s32 $0x49000, s6;
	s14 =	sadd.s32 $0x49F00, s6;
	s15 =	sadd.s32 $0x4A400, s6  }
0x10: {  	s29 =	smul.u32 $0x50000, s20;
	[dreg:$0x4] =	wrdreg s1;
	s1 =	sadd.s32 s5, s26  }
0x11: {  	s16 =	sshll.u32 s13, $0x4;
	s17 =	smov.u32 @p0 s9;
	s18 =	smov.u32 @p0 s12  }
0x12: {  	s12 =	sadd.s32 s7, s3;
	s21 =	smov.u32 @p0 s14;
	s9 =	sadd.s32 $0x12C000, s7  }
0x13: {  	s14 =	sadd.s32 $0x12E800, s7;
	[dreg:$0x5] =	wrdreg s1;
	s1 =	sshll.u32 s28, $0x7  }
0x14: {  	s22 =	sadd.s32 s5, s16;
	s5 =	sshll.u32 s13, $0x7;
	[dreg:$0x6] =	wrdreg s17  }
0x15: {  	s13 =	sadd.s32 $0x49A00, s6;
	s17 =	sadd.s32 s7, s2;
	[dreg:$0x7] =	wrdreg s18  }
0x16: {  	[dreg:$0x9] =	wrdreg s21;
	s18 =	smul.u32 $0x1388, s20;
	s21 =	sadd.s32 s7, s10  }
0x17: {  	s30 =	sshrl.u32 s29, $0x2;
	s16 =	sadd.s32 s7, s1;
	s19 =	smov.u32 @p0 s13  }
0x18: {  	s13 =	sadd.s32 s7, s4;
	s22 =	smov.u32 @p0 s15;
	s17 =	smov.u32 @p0 s14  }
0x19: {  	s14 =	sadd.s32 $0x133800, s7;
	s15 =	sadd.s32 s7, s5;
	[dreg:$0x8] =	wrdreg s19  }
0x1a: {  	[dreg:$0xa] =	wrdreg s22;
	s16 =	smov.u32 @p0 s9;
	s9 =	sadd.s32 $0x131000, s7  }
0x1b: {  	s13 =	smov.u32 @p0 s14;
	s19 =	smul.u32 $0x14000, s20;
	s14 =	sadd.s32 s18, s6  }
0x1c: {  	s6 =	sadd.s32 $0xAC600, s6;
	s26 =	sshrl.u32 s17, $0x3;
	s17 =	rddreg [dreg:$0x1]  }
0x1d: {  	s20 =	sadd.s32 $0x4AA00, s8;
	s12 =	smov.u32 @p0 s9;
	s9 =	sadd.s32 $0x136000, s7  }
0x1e: {  	s13 =	sshrl.u32 s13, $0x3;
	s28 =	sshrl.u32 s16, $0x3;
	s8 =	sadd.s32 s1, s17  }
0x1f: {  	s31 =	sadd.s32 $0x98C00, s14;
	s14 =	sadd.s32 $0x12C000, s17;
	s1 =	sadd.s32 $0x131000, s17  }
0x20: {  	s15 =	smov.u32 @p0 s9;
	s9 =	simm.s32 $0x0;
	s18 =	sadd.s32 s7, s19  }
0x21: {  	s19 =	sshrl.u32 s21, $0x3;
	s7 =	sadd.s32 s7, s11;
	s24 =	sadd.s32 s6, s13  }
0x22: {  	s25 =	sshrl.u32 s12, $0x3;
	s21 =	smax.u32 s0, $0x1;
	s12 =	sadd.s32 s4, s17  }
0x23: {  	s13 =	sadd.s32 s5, s17;
	s0 =	sadd.s32 $0x12E800, s17;
	s4 =	simm.s32 $0x200  }
0x24: {  	s5 =	simm.s32 $0x1;
	[smem:$0x7FF] =	sst s9;
	s18 =	sshrl.u32 s18, $0x3  }
0x25: {  	s22 =	sadd.s32 s6, s19;
	s7 =	sshrl.u32 s7, $0x3;
	[dreg:$0xf] =	wrdreg s24  }
0x26: {  	s23 =	sshrl.u32 s15, $0x3;
	s18 =	sadd.s32 s6, s18;
	[dreg:$0xc] =	wrdreg s22  }
0x27: {  	s24 =	sadd.s32 s11, s17;
	s7 =	sadd.s32 s6, s7;
	[dreg:$0xb] =	wrdreg s18  }
0x28: {  	s11 =	sadd.s32 s3, s17;
	[dreg:$0xd] =	wrdreg s7;
	s7 =	sadd.s32 s6, s23  }
0x29: {  	s3 =	sadd.s32 $0x136000, s17;
	[dreg:$0xe] =	wrdreg s7;
	s7 =	sadd.s32 s6, s25  }
0x2a: {  	s22 =	sadd.s32 s30, s17;
	[dreg:$0x10] =	wrdreg s7;
	s7 =	sadd.s32 s6, s26  }
0x2b: {  	s23 =	sadd.s32 s10, s17;
	s6 =	sadd.s32 s6, s28;
	[dreg:$0x11] =	wrdreg s7  }
0x2c: {  	s10 =	sadd.s32 s2, s17;
	s2 =	sadd.s32 $0x133800, s17;
	[dreg:$0x12] =	wrdreg s6  }
0x2d: {  	s6 =	simm.s32 $0xC8;
	s7 =	simm.s32 $0x0;
	_ =	strace $0x8000004D  }
.LBB2_1:
0x2e: {  	s15 =	simm.s32 @!p0 $0x0  }
0x2f: {  	s16 =	simm.s32 @!p0 $0x200;
	s18 =	rddreg [dreg:$0x3];
	s25 =	simm.s32 @!p0 $0x1  }
0x30: {  	[tilespmem:s16], [sflag:$0x1] =	stream.linear.gather @!p0 [hbm4b:s18+s15], $0x2800, $0x38;
	[tilespmem:$0x1A000] =	vst v63  }
0x31: {  	_ =	swait.ge @!p0 [sflag:s25], $0x2800  }
0x32: {  	[sflag:s25] =	ssyncset.done @!p0 $0x0  }
0x33: {  	[sflag:s25] =	ssyncadd.s32 @!p0 $0xFFFFD800  }
0x34: {  	[spmem:s22] =	stream.linear.scatter @!p0 [tilespmem:s16], [sflag:$0x1], $0x2800, $0x38;
	[tilespmem:$0x1A000] =	vst v63  }
0x35: {  	_ =	swait.ge @!p0 [sflag:s25], $0x2800  }
0x36: {  	[sflag:s25] =	ssyncset.done @!p0 $0x0  }
0x37: {  	s18 =	rddreg [dreg:$0x4];
	[sflag:s25] =	ssyncadd.s32 @!p0 $0xFFFFD800  }
0x38: {  	[tilespmem:s16], [sflag:$0x1] =	stream.linear.gather @!p0 [hbm4b:s18+s15], $0x2800, $0x38;
	[tilespmem:$0x1A000] =	vst v63  }
0x39: {  	_ =	swait.ge @!p0 [sflag:s25], $0x2800  }
0x3a: {  	[sflag:s25] =	ssyncset.done @!p0 $0x0  }
0x3b: {  	[sflag:s25] =	ssyncadd.s32 @!p0 $0xFFFFD800  }
0x3c: {  	[spmem:s23] =	stream.linear.scatter @!p0 [tilespmem:s16], [sflag:$0x1], $0x2800, $0x38;
	[tilespmem:$0x1A000] =	vst v63  }
0x3d: {  	_ =	swait.ge @!p0 [sflag:s25], $0x2800  }
0x3e: {  	[sflag:s25] =	ssyncset.done @!p0 $0x0  }
0x3f: {  	s18 =	rddreg [dreg:$0x5];
	[sflag:s25] =	ssyncadd.s32 @!p0 $0xFFFFD800  }
0x40: {  	[tilespmem:s16], [sflag:$0x1] =	stream.linear.gather @!p0 [hbm4b:s18+s15], $0x2800, $0x38;
	[tilespmem:$0x1A000] =	vst v63  }
0x41: {  	_ =	swait.ge @!p0 [sflag:s25], $0x2800  }
0x42: {  	[sflag:s25] =	ssyncset.done @!p0 $0x0  }
0x43: {  	[sflag:s25] =	ssyncadd.s32 @!p0 $0xFFFFD800  }
0x44: {  	[spmem:s24] =	stream.linear.scatter @!p0 [tilespmem:s16], [sflag:$0x1], $0x2800, $0x38;
	[tilespmem:$0x1A000] =	vst v63  }
0x45: {  	_ =	swait.ge @!p0 [sflag:s25], $0x2800  }
0x46: {  	[sflag:s25] =	ssyncset.done @!p0 $0x0  }
0x47: {  	s16 =	rddreg [dreg:$0x6];
	[sflag:s25] =	ssyncadd.s32 @!p0 $0xFFFFD800  }
0x48: {  	[tilespmem:s4], [sflag:$0x1] =	stream.linear.gather [hbm4b:s16+s9], $0x2800, $0x38;
	[tilespmem:$0x1A000] =	vst v63  }
0x49: {  	_ =	swait.ge [sflag:s5], $0x2800  }
0x4a: {  	s25 =	smov.u32 s8;
	[sflag:s5] =	ssyncset.done $0x0  }
0x4b: {  	s25 =	smov.u32 @p0 s14;
	[sflag:s5] =	ssyncadd.s32 $0xFFFFD800  }
0x4c: {  	[spmem:s25] =	stream.linear.scatter [tilespmem:s4], [sflag:$0x1], $0x2800, $0x38;
	[tilespmem:$0x1A000] =	vst v63  }
0x4d: {  	_ =	swait.ge [sflag:s5], $0x2800  }
0x4e: {  	[sflag:s5] =	ssyncset.done $0x0  }
0x4f: {  	s18 =	rddreg [dreg:$0x7];
	[sflag:s5] =	ssyncadd.s32 $0xFFFFD800  }
0x50: {  	[tilespmem:s4], [sflag:$0x1] =	stream.linear.gather [hbm4b:s18+s9], $0x2800, $0x38;
	[tilespmem:$0x1A000] =	vst v63  }
0x51: {  	_ =	swait.ge [sflag:s5], $0x2800  }
0x52: {  	s26 =	smov.u32 s10;
	[sflag:s5] =	ssyncset.done $0x0  }
0x53: {  	s26 =	smov.u32 @p0 s0;
	[sflag:s5] =	ssyncadd.s32 $0xFFFFD800  }
0x54: {  	[spmem:s26] =	stream.linear.scatter [tilespmem:s4], [sflag:$0x1], $0x2800, $0x38;
	[tilespmem:$0x1A000] =	vst v63  }
0x55: {  	_ =	swait.ge [sflag:s5], $0x2800  }
0x56: {  	[sflag:s5] =	ssyncset.done $0x0  }
0x57: {  	s19 =	rddreg [dreg:$0x8];
	[sflag:s5] =	ssyncadd.s32 $0xFFFFD800  }
0x58: {  	[tilespmem:s4], [sflag:$0x1] =	stream.linear.gather [hbm4b:s19+s9], $0x2800, $0x38;
	[tilespmem:$0x1A000] =	vst v63  }
0x59: {  	_ =	swait.ge [sflag:s5], $0x2800  }
0x5a: {  	s28 =	smov.u32 s11;
	[sflag:s5] =	ssyncset.done $0x0  }
0x5b: {  	s28 =	smov.u32 @p0 s1;
	[sflag:s5] =	ssyncadd.s32 $0xFFFFD800  }
0x5c: {  	[spmem:s28] =	stream.linear.scatter [tilespmem:s4], [sflag:$0x1], $0x2800, $0x38;
	[tilespmem:$0x1A000] =	vst v63  }
0x5d: {  	_ =	swait.ge [sflag:s5], $0x2800  }
0x5e: {  	[sflag:s5] =	ssyncset.done $0x0  }
0x5f: {  	s16 =	rddreg [dreg:$0x9];
	[sflag:s5] =	ssyncadd.s32 $0xFFFFD800  }
0x60: {  	[tilespmem:s4], [sflag:$0x1] =	stream.linear.gather [hbm4b:s16+s9], $0x2800, $0x38;
	[tilespmem:$0x1A000] =	vst v63  }
0x61: {  	_ =	swait.ge [sflag:s5], $0x2800  }
0x62: {  	s29 =	smov.u32 s12;
	[sflag:s5] =	ssyncset.done $0x0  }
0x63: {  	s29 =	smov.u32 @p0 s2;
	[sflag:s5] =	ssyncadd.s32 $0xFFFFD800  }
0x64: {  	[spmem:s29] =	stream.linear.scatter [tilespmem:s4], [sflag:$0x1], $0x2800, $0x38;
	[tilespmem:$0x1A000] =	vst v63  }
0x65: {  	_ =	swait.ge [sflag:s5], $0x2800  }
0x66: {  	[sflag:s5] =	ssyncset.done $0x0  }
0x67: {  	s18 =	rddreg [dreg:$0xa];
	[sflag:s5] =	ssyncadd.s32 $0xFFFFD800  }
0x68: {  	[tilespmem:s4], [sflag:$0x1] =	stream.linear.gather [hbm4b:s18+s9], $0x2800, $0x38;
	[tilespmem:$0x1A000] =	vst v63  }
0x69: {  	_ =	swait.ge [sflag:s5], $0x2800  }
0x6a: {  	s30 =	smov.u32 s13;
	[sflag:s5] =	ssyncset.done $0x0  }
0x6b: {  	s30 =	smov.u32 @p0 s3;
	[sflag:s5] =	ssyncadd.s32 $0xFFFFD800  }
0x6c: {  	[spmem:s30] =	stream.linear.scatter [tilespmem:s4], [sflag:$0x1], $0x2800, $0x38;
	[tilespmem:$0x1A000] =	vst v63  }
0x6d: {  	_ =	swait.ge [sflag:s5], $0x2800  }
0x6e: {  	[sflag:s5] =	ssyncset.done $0x0  }
0x6f: {  	[sflag:s5] =	ssyncadd.s32 $0xFFFFD800  }
0x70: {  	s19 =	sadd.s32 $0x0, s31;
	[bflag:$0x0] =	sbarrier.arrive $0xFFFF  }
0x71: {  	[tilespmem:s9], [sflag:$0x1] =	stream.linear.gather [hbm4b:s19+s9], $0x190, $0x38;
	[tilespmem:$0x1A000] =	vst v63  }
0x72: {  	_ =	swait.ge [sflag:s5], $0x190  }
0x73: {  	[sflag:s5] =	ssyncset.done $0x0  }
0x74: {  	[sflag:s5] =	ssyncadd.s32 $0xFFFFFE70  }
0x75: {  	[tilespmem:s4], [sflag:$0x1] =	stream.indirect.gather [hbm4b:s20+s6], $0x80, s9, s6, $0xb8;
	[tilespmem:$0x1A000] =	vst v63  }
0x76: {  	_ =	swait.ge [sflag:s5], $0x6400  }
0x77: {  	[sflag:s5] =	ssyncset.done $0x0  }
0x78: {  	[sflag:s5] =	ssyncadd.s32 $0xFFFF9C00  }
0x79: {  	[spmem:s17] =	stream.indirect.scatter.add.f32 [tilespmem:s4], [sflag:$0x1], $0x80, s6, s6, $0xb8;
	[tilespmem:$0x1A000] =	vst v63  }
0x7a: {  	_ =	swait.ge [sflag:s5], $0x6400  }
0x7b: {  	s15 =	simm.s32 $0x32;
	s16 =	simm.s32 $0x64;
	[sflag:s5] =	ssyncset.done $0x0  }
.LBB2_2:
0x7c: {  	s18 =	sadd.s32 s15, s31  }
0x7d: {  	[sflag:s5] =	ssyncadd.s32 $0xFFFF9C00;
	s15 =	smov.u32 s16;
	s19 =	sadd.s32 $0x32, s16  }
0x7e: {  	[tilespmem:s9], [sflag:$0x1] =	stream.linear.gather [hbm4b:s18+s9], $0x190, $0x38;
	[tilespmem:$0x1A000] =	vst v63  }
0x7f: {  	p1 =	sne.s32 s16, $0x1356;
	_ =	swait.ge [sflag:s5], $0x190  }
0x80: {  	[sflag:s5] =	ssyncset.done $0x0  }
0x81: {  	[sflag:s5] =	ssyncadd.s32 $0xFFFFFE70  }
0x82: {  	[tilespmem:s4], [sflag:$0x1] =	stream.indirect.gather [hbm4b:s20+s6], $0x80, s9, s6, $0xb8;
	[tilespmem:$0x1A000] =	vst v63  }
0x83: {  	_ =	swait.ge [sflag:s5], $0x6400  }
.Ltmp0:
0x84: {  	[sflag:s5] =	ssyncset.done $0x0;
	(pc) =	sbr.rel @p1 .LBB2_2-.Ltmp0, $4  }
0x85: {  	[sflag:s5] =	ssyncadd.s32 $0xFFFF9C00  }
0x86: {  	[spmem:s17] =	stream.indirect.scatter.add.f32 [tilespmem:s4], [sflag:$0x1], $0x80, s6, s6, $0xb8;
	[tilespmem:$0x1A000] =	vst v63  }
0x87: {  	_ =	swait.ge [sflag:s5], $0x6400  }
0x88: {  	s16 =	smov.u32 s19;
	[sflag:s5] =	ssyncset.done $0x0  }
0x89: {  	s15 =	sadd.s32 s15, s31;
	[sflag:s5] =	ssyncadd.s32 $0xFFFF9C00  }
0x8a: {  	[tilespmem:s9], [sflag:$0x1] =	stream.linear.gather [hbm4b:s15+s9], $0x190, $0x38;
	[tilespmem:$0x1A000] =	vst v63  }
0x8b: {  	_ =	swait.ge [sflag:s5], $0x190  }
0x8c: {  	[sflag:s5] =	ssyncset.done $0x0  }
0x8d: {  	[sflag:s5] =	ssyncadd.s32 $0xFFFFFE70  }
0x8e: {  	[tilespmem:s4], [sflag:$0x1] =	stream.indirect.gather [hbm4b:s20+s6], $0x80, s9, s6, $0xb8;
	[tilespmem:$0x1A000] =	vst v63  }
0x8f: {  	_ =	swait.ge [sflag:s5], $0x6400  }
0x90: {  	[sflag:s5] =	ssyncset.done $0x0  }
0x91: {  	[sflag:s5] =	ssyncadd.s32 $0xFFFF9C00  }
0x92: {  	[spmem:s17] =	stream.indirect.scatter.add.f32 [tilespmem:s4], [sflag:$0x1], $0x80, s6, s6, $0xb8;
	[tilespmem:$0x1A000] =	vst v63  }
0x93: {  	_ =	swait.ge [sflag:s5], $0x6400  }
0x94: {  	[sflag:s5] =	ssyncset.done $0x0  }
0x95: {  	[sflag:s5] =	ssyncadd.s32 $0xFFFF9C00  }
0x96: {  	s16 =	simm.s32 @!p0 $0x1;
	s15 =	simm.s32 @!p0 $0x200;
	[bflag:$0x0] =	sbarrier.arrive $0xFFFF  }
0x97: {  	[tilespmem:s15], [sflag:$0x1] =	stream.linear.gather @!p0 [spmem:s22], $0x2800, $0x38;
	[tilespmem:$0x1A000] =	vst v63  }
0x98: {  	_ =	swait.ge @!p0 [sflag:s16], $0x2800  }
0x99: {  	[sflag:s16] =	ssyncset.done @!p0 $0x0  }
0x9a: {  	s18 =	simm.s32 @!p0 $0x0;
	s19 =	rddreg [dreg:$0xb];
	[sflag:s16] =	ssyncadd.s32 @!p0 $0xFFFFD800  }
0x9b: {  	[hbm4b:s19+s18] =	stream.linear.scatter @!p0 [tilespmem:s15], [sflag:$0x1], $0x2800, $0x38;
	[tilespmem:$0x1A000] =	vst v63  }
0x9c: {  	_ =	swait.ge @!p0 [sflag:s16], $0x2800  }
0x9d: {  	[sflag:s16] =	ssyncset.done @!p0 $0x0  }
0x9e: {  	[sflag:s16] =	ssyncadd.s32 @!p0 $0xFFFFD800  }
0x9f: {  	[tilespmem:s15], [sflag:$0x1] =	stream.linear.gather @!p0 [spmem:s23], $0x2800, $0x38;
	[tilespmem:$0x1A000] =	vst v63  }
0xa0: {  	_ =	swait.ge @!p0 [sflag:s16], $0x2800  }
0xa1: {  	[sflag:s16] =	ssyncset.done @!p0 $0x0  }
0xa2: {  	s19 =	rddreg [dreg:$0xc];
	[sflag:s16] =	ssyncadd.s32 @!p0 $0xFFFFD800  }
0xa3: {  	[hbm4b:s19+s18] =	stream.linear.scatter @!p0 [tilespmem:s15], [sflag:$0x1], $0x2800, $0x38;
	[tilespmem:$0x1A000] =	vst v63  }
0xa4: {  	_ =	swait.ge @!p0 [sflag:s16], $0x2800  }
0xa5: {  	[sflag:s16] =	ssyncset.done @!p0 $0x0  }
0xa6: {  	[sflag:s16] =	ssyncadd.s32 @!p0 $0xFFFFD800  }
0xa7: {  	[tilespmem:s15], [sflag:$0x1] =	stream.linear.gather @!p0 [spmem:s24], $0x2800, $0x38;
	[tilespmem:$0x1A000] =	vst v63  }
0xa8: {  	_ =	swait.ge @!p0 [sflag:s16], $0x2800  }
0xa9: {  	[sflag:s16] =	ssyncset.done @!p0 $0x0  }
0xaa: {  	s19 =	rddreg [dreg:$0xd];
	[sflag:s16] =	ssyncadd.s32 @!p0 $0xFFFFD800  }
0xab: {  	[hbm4b:s19+s18] =	stream.linear.scatter @!p0 [tilespmem:s15], [sflag:$0x1], $0x2800, $0x38;
	[tilespmem:$0x1A000] =	vst v63  }
0xac: {  	_ =	swait.ge @!p0 [sflag:s16], $0x2800  }
0xad: {  	[sflag:s16] =	ssyncset.done @!p0 $0x0  }
0xae: {  	[sflag:s16] =	ssyncadd.s32 @!p0 $0xFFFFD800  }
0xaf: {  	[tilespmem:s4], [sflag:$0x1] =	stream.linear.gather [spmem:s25], $0x2800, $0x38;
	[tilespmem:$0x1A000] =	vst v63  }
0xb0: {  	_ =	swait.ge [sflag:s5], $0x2800  }
0xb1: {  	[sflag:s5] =	ssyncset.done $0x0  }
0xb2: {  	s25 =	rddreg [dreg:$0x12];
	[sflag:s5] =	ssyncadd.s32 $0xFFFFD800  }
0xb3: {  	[hbm4b:s25+s9] =	stream.linear.scatter [tilespmem:s4], [sflag:$0x1], $0x2800, $0x38;
	[tilespmem:$0x1A000] =	vst v63  }
0xb4: {  	_ =	swait.ge [sflag:s5], $0x2800  }
0xb5: {  	[sflag:s5] =	ssyncset.done $0x0  }
0xb6: {  	[sflag:s5] =	ssyncadd.s32 $0xFFFFD800  }
0xb7: {  	[tilespmem:s4], [sflag:$0x1] =	stream.linear.gather [spmem:s26], $0x2800, $0x38;
	[tilespmem:$0x1A000] =	vst v63  }
0xb8: {  	_ =	swait.ge [sflag:s5], $0x2800  }
0xb9: {  	[sflag:s5] =	ssyncset.done $0x0  }
0xba: {  	s26 =	rddreg [dreg:$0x11];
	[sflag:s5] =	ssyncadd.s32 $0xFFFFD800  }
0xbb: {  	[hbm4b:s26+s9] =	stream.linear.scatter [tilespmem:s4], [sflag:$0x1], $0x2800, $0x38;
	[tilespmem:$0x1A000] =	vst v63  }
0xbc: {  	_ =	swait.ge [sflag:s5], $0x2800  }
0xbd: {  	[sflag:s5] =	ssyncset.done $0x0  }
0xbe: {  	[sflag:s5] =	ssyncadd.s32 $0xFFFFD800  }
0xbf: {  	[tilespmem:s4], [sflag:$0x1] =	stream.linear.gather [spmem:s28], $0x2800, $0x38;
	[tilespmem:$0x1A000] =	vst v63  }
0xc0: {  	_ =	swait.ge [sflag:s5], $0x2800  }
0xc1: {  	[sflag:s5] =	ssyncset.done $0x0  }
0xc2: {  	s28 =	rddreg [dreg:$0x10];
	[sflag:s5] =	ssyncadd.s32 $0xFFFFD800  }
0xc3: {  	[hbm4b:s28+s9] =	stream.linear.scatter [tilespmem:s4], [sflag:$0x1], $0x2800, $0x38;
	[tilespmem:$0x1A000] =	vst v63  }
0xc4: {  	_ =	swait.ge [sflag:s5], $0x2800  }
0xc5: {  	[sflag:s5] =	ssyncset.done $0x0  }
0xc6: {  	[sflag:s5] =	ssyncadd.s32 $0xFFFFD800  }
0xc7: {  	[tilespmem:s4], [sflag:$0x1] =	stream.linear.gather [spmem:s29], $0x2800, $0x38;
	[tilespmem:$0x1A000] =	vst v63  }
0xc8: {  	_ =	swait.ge [sflag:s5], $0x2800  }
0xc9: {  	[sflag:s5] =	ssyncset.done $0x0  }
0xca: {  	s29 =	rddreg [dreg:$0xf];
	[sflag:s5] =	ssyncadd.s32 $0xFFFFD800  }
0xcb: {  	[hbm4b:s29+s9] =	stream.linear.scatter [tilespmem:s4], [sflag:$0x1], $0x2800, $0x38;
	[tilespmem:$0x1A000] =	vst v63  }
0xcc: {  	_ =	swait.ge [sflag:s5], $0x2800  }
0xcd: {  	[sflag:s5] =	ssyncset.done $0x0  }
0xce: {  	[sflag:s5] =	ssyncadd.s32 $0xFFFFD800  }
0xcf: {  	[tilespmem:s4], [sflag:$0x1] =	stream.linear.gather [spmem:s30], $0x2800, $0x38;
	[tilespmem:$0x1A000] =	vst v63  }
0xd0: {  	s7 =	sadd.s32 $0x1, s7;
	_ =	swait.ge [sflag:s5], $0x2800  }
0xd1: {  	p1 =	sne.s32 s7, s21;
	[sflag:s5] =	ssyncset.done $0x0  }
.Ltmp1:
0xd2: {  	s30 =	rddreg [dreg:$0xe];
	[sflag:s5] =	ssyncadd.s32 $0xFFFFD800;
	(pc) =	sbr.rel @p1 .LBB2_1-.Ltmp1, $4  }
0xd3: {  	[hbm4b:s30+s9] =	stream.linear.scatter [tilespmem:s4], [sflag:$0x1], $0x2800, $0x38;
	[tilespmem:$0x1A000] =	vst v63  }
0xd4: {  	_ =	swait.ge [sflag:s5], $0x2800  }
0xd5: {  	[sflag:s5] =	ssyncset.done $0x0  }
0xd6: {  	[sflag:s5] =	ssyncadd.s32 $0xFFFFD800  }
0xd7: {  	_ =	sfence.sel $0x180000  }
0xd8: {  	[bflag:$0x0] =	sbarrier.arrive $0xFFFF  }
0xd9: {  	_ =	strace $0x9000004D  }
0xda: {  	s0 =	stileid.u32;
	[bflag:$0x2] =	sbarrier.arrive $0xFFFF  }
0xdb: {  	p0 =	sne.s32 s0, $0x0;
	s0 =	rddreg [dreg:$0x2]  }
0xdc: {  	s0 =	sadd.s32 @!p0 $0x100000, s0  }
0xdd: {  	[sflag:s0] =	ssyncadd.tile.s32 @!p0 $0x1;
	_ =	shalt  }
.Lfunc_end2:
_tile_overlayer_lowered:
.L_overlay_start_2:
0xde: {  	(tag) =	ssettag $0x2  }
0xdf: {  	s0 =	rddreg [dreg:$0x0];
	s2 =	stileid.u32  }
0xe0: {  	s1 =	rddreg [dreg:$0x1];
	p0 =	sne.s32 s2, $0x0  }
0xe1: {  	s3 =	rddreg [dreg:$0x2];
	[bflag:$0x3] =	sbarrier.arrive $0xFFFF;
	s2 =	simm.s32 @!p0 $0x1C01  }
0xe2: {  	[timem:s3], [sflag:s2] =	dma.local @!p0 [hbm:s0], s1  }
0xe3: {  	s0 =	simm.s32 @!p0 $0x1  }
0xe4: {  	_ =	swait.ge @!p0 [sflag:s0], s1  }
0xe5: {  	s1 =	ssub.s32 @!p0 $0x0, s1;
	[sflag:s0] =	ssyncset.done @!p0 $0x0  }
0xe6: {  	[sflag:s0] =	ssyncadd.s32 @!p0 s1  }
0xe7: {  	[bflag:$0x3] =	sbarrier.arrive $0xFFFF  }
0xe8: {  	_ =	shalt  }

// kernel: kernel.8.cloned.1.call-start
scs
__scs_entry_jumppad:
0x0: {  	(pc) =	sbr.rel $0x88, $3  }
0x1: {  	(tag) =	ssettag $0x0;
	lr =	simm.s32 $0x1  }
0x2: {  	[smem:$0x3F85] =	sst lr;
	_ =	strace $0xD0000000  }
0x3: {  	_ = 	snop  }
0x4: {  	_ = 	snop  }
0x5: {  	_ = 	snop  }
0x6: {  	_ = 	snop  }
0x7: {  	_ = 	snop  }
__scs_overlays_trampoline_lowered:
0x8: {  	[smem:$0x3F94] =	sst s0  }
0x9: {  	[smem:$0x3F95] =	sst s1  }
0xa: {  	[smem:$0x3F96] =	sst s2  }
0xb: {  	[smem:$0x3F97] =	sst s3  }
0xc: {  	[smem:$0x3F98] =	sst s4  }
0xd: {  	[smem:$0x3F99] =	sst s5  }
0xe: {  	[smem:$0x3F9A] =	sst s6  }
0xf: {  	[smem:$0x3F9B] =	sst s7  }
0x10: {  	[smem:$0x3F9C] =	sst s8  }
0x11: {  	[smem:$0x3F9D] =	sst s9;
	s0 =	simm.s32 @!p0 $0x0  }
0x12: {  	s1 =	sld [smem:$0x3F83];
	s0 =	simm.s32 @p0 $0x1  }
0x13: {  	[smem:$0x3F9E] =	sst s0;
	s0 =	simm.s32 @!p1 $0x0  }
0x14: {  	s2 =	sld [smem:$0x3F82];
	s0 =	simm.s32 @p1 $0x1  }
0x15: {  	[smem:$0x3F9F] =	sst s0;
	s0 =	simm.s32 @!p2 $0x0  }
0x16: {  	s3 =	sld [smem:$0x3FDB];
	s0 =	simm.s32 @p2 $0x1  }
0x17: {  	s4 =	simm.s32 $0x1BF5;
	[smem:$0x3FA1] =	sst s0  }
0x18: {  	s0 =	sld [smem:$0x3F84];
	_ =	swait.ge [sflag:s4], $0x0  }
0x19: {  	s7 =	sld [smem:$0x3F85]  }
0x1a: {  	s8 =	sadd.s32 $0xFFFFE003, lr  }
0x1b: {  	s9 =	sadd.s32 $0xFFFFFEF7, lr;
	s5 =	simm.s32 $0xFFFFFFFF;
	p2 =	slt.u32 s8, $0xFFFFF086  }
0x1c: {  	p1 =	slt.u32 s9, $0xF7A;
	s5 =	simm.s32 @!p2 $0x0  }
0x1d: {  	s5 =	simm.s32 @p1 $0x1;
	p0 =	seq.s32 s7, s2  }
0x1e: {  	s7 =	smul.u32 @!p0 $0xF7A, s2;
	p2 =	seq.s32 @!p0 s5, $0x0  }
0x1f: {  	s9 =	smul.u32 $0xF7A, s1;
	s8 =	simm.s32 @!p0 $0x1BF5;
	p2 =	por !p2, p0  }
0x20: {  	[sflag:s8] =	ssyncset.s32 @!p0 $0xFFFFF086;
	s6 =	sadd.s32 @!p0 s3, s7;
	s7 =	simm.s32 @!p0 $0x108  }
0x21: {  	s3 =	sadd.s32 s3, s9;
	s6 =	sadd.s32 @!p0 $0x88, s6;
	s7 =	simm.s32 @p2 $0x1082  }
0x22: {  	[simem:s7], [sflag:s8] =	dma.local @!p0 [hbm:s6], $0xF7A  }
0x23: {  	s9 =	sor.u32 $0xD0000000, s2;
	s6 =	simm.s32 $0x108;
	_ =	swait.ge @!p0 [sflag:s8], $0x0  }
0x24: {  	s3 =	sadd.s32 $0x88, s3;
	s6 =	simm.s32 @!p1 $0x1082;
	[sflag:s4] =	ssyncset.s32 $0xFFFFF086  }
0x25: {  	[simem:s6], [sflag:s4] =	dma.local [hbm:s3], $0xF7A  }
0x26: {  	[smem:$0x3F85] =	sst s1;
	(tag) =	ssettag s2;
	_ =	strace s9  }
0x27: {  	s1 =	sld [smem:$0x3F95]  }
0x28: {  	s2 =	sld [smem:$0x3F96]  }
0x29: {  	s4 =	sld [smem:$0x3F98]  }
0x2a: {  	p0 =	seq.s32 s5, $0x0;
	s5 =	sld [smem:$0x3F99]  }
0x2b: {  	s6 =	sld [smem:$0x3F9A]  }
0x2c: {  	s7 =	sld [smem:$0x3F9B]  }
0x2d: {  	s3 =	simm.s32 $0x108;
	s8 =	sld [smem:$0x3F9C]  }
0x2e: {  	s3 =	simm.s32 @!p0 $0x1082;
	s9 =	sld [smem:$0x3F9D]  }
0x2f: {  	lr =	sadd.s32 s0, s3;
	s0 =	sld [smem:$0x3F94]  }
0x30: {  	s3 =	sld [smem:$0x3F97]  }
0x31: {  	[smem:$0x3FA0] =	sst s10  }
0x32: {  	s10 =	sld [smem:$0x3F9E];
	_ =	sdelay $0x3  }
0x33: {  	p0 =	seq.s32 s10, $0x1;
	s10 =	sld [smem:$0x3FA0];
	_ =	sdelay $0x3  }
0x34: {  	[smem:$0x3FA0] =	sst s10  }
0x35: {  	s10 =	sld [smem:$0x3F9F];
	_ =	sdelay $0x3  }
0x36: {  	p1 =	seq.s32 s10, $0x1;
	s10 =	sld [smem:$0x3FA0];
	_ =	sdelay $0x3  }
0x37: {  	[smem:$0x3FA0] =	sst s10  }
0x38: {  	s10 =	sld [smem:$0x3FA1]  }
0x39: {  	_ = 	snop;
	(pc) =	sbr.ind lr, $3  }
0x3a: {  	_ = 	snop  }
0x3b: {  	_ = 	snop  }
0x3c: {  	p2 =	seq.s32 s10, $0x1;
	s10 =	sld [smem:$0x3FA0]  }
0x3d: {  	_ =	shalt  }
0x3e: {  	_ =	shalt  }
0x3f: {  	_ =	shalt  }
0x40: {  	_ =	shalt  }
0x41: {  	_ =	shalt  }
0x42: {  	_ =	shalt  }
0x43: {  	_ =	shalt  }
0x44: {  	_ =	shalt  }
0x45: {  	_ =	shalt  }
0x46: {  	_ =	shalt  }
0x47: {  	_ =	shalt  }
0x48: {  	_ =	shalt  }
0x49: {  	_ =	shalt  }
0x4a: {  	_ =	shalt  }
0x4b: {  	_ =	shalt  }
0x4c: {  	_ =	shalt  }
0x4d: {  	_ =	shalt  }
0x4e: {  	_ =	shalt  }
0x4f: {  	_ =	shalt  }
0x50: {  	_ =	shalt  }
0x51: {  	_ =	shalt  }
0x52: {  	_ =	shalt  }
0x53: {  	_ =	shalt  }
0x54: {  	_ =	shalt  }
0x55: {  	_ =	shalt  }
0x56: {  	_ =	shalt  }
0x57: {  	_ =	shalt  }
0x58: {  	_ =	shalt  }
0x59: {  	_ =	shalt  }
0x5a: {  	_ =	shalt  }
0x5b: {  	_ =	shalt  }
0x5c: {  	_ =	shalt  }
0x5d: {  	_ =	shalt  }
0x5e: {  	_ =	shalt  }
0x5f: {  	_ =	shalt  }
0x60: {  	_ =	shalt  }
0x61: {  	_ =	shalt  }
0x62: {  	_ =	shalt  }
0x63: {  	_ =	shalt  }
0x64: {  	_ =	shalt  }
0x65: {  	_ =	shalt  }
0x66: {  	_ =	shalt  }
0x67: {  	_ =	shalt  }
0x68: {  	_ =	shalt  }
0x69: {  	_ =	shalt  }
0x6a: {  	_ =	shalt  }
0x6b: {  	_ =	shalt  }
0x6c: {  	_ =	shalt  }
0x6d: {  	_ =	shalt  }
0x6e: {  	_ =	shalt  }
0x6f: {  	_ =	shalt  }
0x70: {  	_ =	shalt  }
0x71: {  	_ =	shalt  }
0x72: {  	_ =	shalt  }
0x73: {  	_ =	shalt  }
0x74: {  	_ =	shalt  }
0x75: {  	_ =	shalt  }
0x76: {  	_ =	shalt  }
0x77: {  	_ =	shalt  }
0x78: {  	_ =	shalt  }
0x79: {  	_ =	shalt  }
0x7a: {  	_ =	shalt  }
0x7b: {  	_ =	shalt  }
0x7c: {  	_ =	shalt  }
0x7d: {  	_ =	shalt  }
0x7e: {  	_ =	shalt  }
0x7f: {  	_ =	shalt  }
0x80: {  	_ =	shalt  }
0x81: {  	_ =	shalt  }
0x82: {  	_ =	shalt  }
0x83: {  	_ =	shalt  }
0x84: {  	_ =	shalt  }
0x85: {  	_ =	shalt  }
0x86: {  	_ =	shalt  }
0x87: {  	_ =	shalt  }
.Lfunc_end0:
.L_simem_size_0:
called_computation_lowered:
.L_overlay_start_0:
0x88: {  	s2 =	sld [smem:$0x3FD9]  }
0x89: {  	s3 =	sld [smem:$0x3FFE];
	_ =	sdelay $0x1  }
0x8a: {  	s1 =	srdreg.scid  }
0x8b: {  	s0 =	sand.u32 $0x1, s1  }
0x8c: {  	s17 =	sshll.u32 s0, $0xA;
	s2 =	sadd.s32 s3, s2  }
0x8d: {  	s2 =	sadd.s32 s2, s17  }
0x8e: {  	[smem:$0x3FAC] =	sst s2  }
0x8f: {  	_ = 	snop  }
0x90: {  	s2 =	sld [smem:$0x3FD0];
	(tm) =	ssettm $0x1  }
0x91: {  	s18 =	sld [smem:$0x3FFB];
	_ =	sdelay $0x3  }
0x92: {  	_ =	strace s18  }
0x93: {  	s3 =	sld [smem:$0x3FFC];
	_ =	sdelay $0x3  }
0x94: {  	_ =	strace s3  }
0x95: {  	s3 =	sld [smem:$0x3FFD];
	_ =	sdelay $0x3  }
0x96: {  	_ =	strace s3  }
0x97: {  	_ =	strace $0x8FFFFFFF  }
0x98: {  	s19 =	sld [smem:$0x3FDB];
	_ =	sdelay $0x1  }
0x99: {  	s4 =	simm.s32 $_scs_section_size  }
0x9a: {  	s5 =	simm.s32 $_size__tile_overlayer_lowered;
	s6 =	simm.s32 $_tile_overlayer_lowered  }
0x9b: {  	s22 =	simm.s32 $0x1BFF;
	s21 =	sshll.u32 s6, $0x1;
	s3 =	sadd.s32 s4, s19  }
0x9c: {  	s7 =	simm.s32 $0x0;
	s20 =	sshll.u32 s5, $0x1;
	s5 =	sadd.s32 s21, s3  }
0x9d: {  	[timem:s7], [sflag:s22] =	dma.local [hbm:s5], s20  }
0x9e: {  	_ =	swait.ge [sflag:s22], s20  }
0x9f: {  	s4 =	ssub.s32 $0x0, s20;
	[sflag:s22] =	ssyncset.done $0x0  }
0xa0: {  	[sflag:s22] =	ssyncadd.s32 s4;
	_ =	sdelay $0x1  }
0xa1: {  	s23 =	simm.s32 $0x1B8B  }
0xa2: {  	_ =	swait.ge [sflag:s23], $0x1  }
0xa3: {  	[sflag:s23] =	ssyncset.done $0x0  }
0xa4: {  	s25 =	simm.s32 $0x1B8E;
	s24 =	sld [smem:$0x3FFE];
	[sflag:s23] =	ssyncadd.s32 $0xFFFFFFFF  }
0xa5: {  	s26 =	simm.s32 $execute0_lowered;
	[smem:$0x3FD2] =	sst s25  }
0xa6: {  	s5 =	sshll.u32 s26, $0x1;
	_ =	strace $0x80000046;
	[dreg:$0x1] =	wrdreg $0xFFFFFFFF  }
0xa7: {  	s28 =	simm.s32 $_size_execute0_lowered;
	s3 =	sadd.s32 s3, s5;
	[dreg:$0x0] =	wrdreg $0x0  }
0xa8: {  	s5 =	sshll.u32 s28, $0x1;
	[dreg:$0x2] =	wrdreg s3  }
0xa9: {  	[dreg:$0x3] =	wrdreg s5  }
0xaa: {  	[dreg:$0x4] =	wrdreg $0xC0  }
0xab: {  	_ =	task [dreg:s7], $0x5FFFF  }
0xac: {  	[dreg:$0x1] =	wrdreg $0xFFFFFFFF  }
0xad: {  	[dreg:$0x0] =	wrdreg $0x60  }
0xae: {  	[dreg:$0x2] =	wrdreg s24  }
0xaf: {  	[dreg:$0x3] =	wrdreg s2  }
0xb0: {  	[dreg:$0x4] =	wrdreg $0x10000  }
0xb1: {  	[dreg:$0x5] =	wrdreg $0x9  }
0xb2: {  	_ =	task.clear_ibuf [dreg:s7], $0x6FFFF;
	_ =	strace $0x90000046  }
0xb3: {  	s29 =	simm.s32 $0x9;
	_ =	strace $0x80000048  }
0xb4: {  	_ =	swait.ge [sflag:s29], $0x1  }
0xb5: {  	[sflag:s29] =	ssyncadd.s32 $0xFFFFFFFF  }
0xb6: {  	_ =	strace $0x90000048  }
0xb7: {  	_ =	sfence  }
0xb8: {  	s30 =	sld [smem:$0x0];
	_ =	sdelay $0x2  }
0xb9: {  	s31 =	sshll.u32 s1, $0xD;
	s1 =	sshrl.u32 s1, $0x2  }
0xba: {  	s3 =	sand.u32 $0x4000, s31;
	s1 =	sadd.s32 s1, s30  }
0xbb: {  	s0 =	sor.u32 s3, s0;
	s1 =	sshll.u32 s1, $0x11  }
0xbc: {  	s0 =	sor.u32 s1, s0  }
0xbd: {  	s0 =	sadd.s32 $0x8F2B, s0  }
0xbe: {  	[sflag:s0] =	ssyncadd.remote.s32 $0x1  }
0xbf: {  	_ =	sfence.sel $0xFFFF  }
0xc0: {  	[dreg:$0x0] =	wrdreg $0xFFFFFFFF;
	(pc) =	sbr.abs _section_cstart, $3  }
0xc1: {  	[dreg:$0x1] =	wrdreg $0xFFFFFFFF  }
0xc2: {  	_ =	task.clear_ibuf [dreg:s7], $0x2FFFF;
	_ =	strace $0x9FFFFFFF  }
0xc3: {  	(tm) =	ssettm $0x7FFFFFFF  }
tec
execute0_lowered:
.L_overlay_start_1:
0x0: {  	(tag) =	ssettag $0x1  }
0x1: {  	s6 =	rddreg [dreg:$0x0]  }
0x2: {  	s2 =	rddreg [dreg:$0x1]  }
0x3: {  	s1 =	srdreg.scid;
	s0 =	stileid.u32  }
0x4: {  	s3 =	rddreg [dreg:$0x2];
	s4 =	simm.s32 $0x0;
	s12 =	simm.s32 $0x1  }
0x5: {  	s13 =	simm.s32 $0x3E8;
	s14 =	simm.s32 $0x400;
	s15 =	simm.s32 $0x0  }
0x6: {  	s7 =	sand.u32 $0x1, s1;
	s8 =	smul.u32 $0x7D0, s0;
	s1 =	rddreg [dreg:$0x3]  }
0x7: {  	[smem:$0x7FF] =	sst s4;
	s10 =	smul.u32 $0x1F40, s0;
	p0 =	sgt.u32 s0, $0x9  }
0x8: {  	s5 =	smul.u32 $0x4E20, s7;
	s31 =	ssub.s32 $0x2, s7;
	s7 =	sshll.u32 s7, $0x4  }
0x9: {  	_ =	strace $0x80000047;
	s11 =	sshrl.u32 s31, $0x1;
	s7 =	sor.u32 s0, s7  }
0xa: {  	s10 =	sshrl.u32 s10, $0x2;
	s9 =	sadd.s32 s8, s5;
	s5 =	sadd.s32 $0x4C00, s6  }
0xb: {  	s11 =	ssub.s32 s31, s11;
	s7 =	smul.u32 $0x2710, s7;
	s9 =	sshrl.u32 s9, $0x3  }
0xc: {  	s8 =	sadd.s32 s8, s3;
	s9 =	sadd.s32 s9, s6;
	s6 =	sadd.s32 s10, s3  }
0xd: {  	v0 =	vimm.f32 $1.000000000e+00;
	v1 =	vimm.f32 $0.0e+00;
	s10 =	smax.u32 s11, $0x1;
	s11 =	simm.s32 $0x800;
	s9 =	sadd.s32 $0xEA00, s9  }
.LBB2_1:
0xe: {  	s16 =	simm.s32 $0x40;
	s17 =	simm.s32 $0x0  }
.LBB2_2:
0xf: {  	p1 =	sne.s32 s16, $0xF80;
	[tilespmem:s17+$0x400] =	vst v0;
	s17 =	smov.u32 s16;
	s16 =	sadd.s32 $0x40, s16  }
.Ltmp0:
0x10: {  	(pc) =	sbr.rel @p1 .LBB2_2-.Ltmp0, $2  }
0x11: {  	_ =	sdelay $0x2  }
0x12: {  	s17 =	sshra.s32 s17, $0x2  }
.Ltmp1:
0x13: {  	(pc) =	sbr.rel @p0 .LBB2_7-.Ltmp1, $2  }
0x14: {  	_ =	sdelay $0x2  }
0x15: {  	[tilespmem:s17+$0x400] =	vst v0;
	s16 =	simm.s32 $0x0  }
0x16: {  	s17 =	simm.s32 $0x40;
	s18 =	simm.s32 $0x0  }
.LBB2_5:
0x17: {  	p1 =	sne.s32 s17, $0x1F00;
	[tilespmem:s18+$0x800] =	vst v1;
	s18 =	smov.u32 s17;
	s17 =	sadd.s32 $0x40, s17  }
.Ltmp2:
0x18: {  	(pc) =	sbr.rel @p1 .LBB2_5-.Ltmp2, $2  }
0x19: {  	_ =	sdelay $0x2  }
0x1a: {  	s18 =	sshra.s32 s18, $0x2  }
0x1b: {  	[tilespmem:s18+$0x800] =	vst v1  }
0x1c: {  	[spmem:s6] =	stream.linear.scatter [tilespmem:s11], [sflag:$0x1], $0x7D0, $0x38;
	[tilespmem:$0x14E8] =	vst v63  }
0x1d: {  	_ =	swait.ge [sflag:s12], $0x7D0  }
0x1e: {  	[sflag:s12] =	ssyncset.done $0x0  }
0x1f: {  	[sflag:s12] =	ssyncadd.s32 $0xFFFFF830  }
.LBB2_7:
0x20: {  	[bflag:$0x0] =	sbarrier.arrive $0xFFFF;
	s17 =	simm.s32 $0x0  }
.LBB2_8:
0x21: {  	s18 =	smul.u32 $0x3E8, s17;
	_ =	sdelay $0x1  }
0x22: {  	s18 =	sadd.s32 s7, s18  }
0x23: {  	s18 =	sshrl.u32 s18, $0x3  }
0x24: {  	s19 =	sadd.s32 s5, s18  }
0x25: {  	[tilespmem:s16], [sflag:$0x1] =	stream.linear.gather [hbm4b:s19+s16], $0x3E8, $0x38;
	[tilespmem:$0x14E8] =	vst v63  }
0x26: {  	_ =	swait.ge [sflag:s12], $0x3E8  }
0x27: {  	[sflag:s12] =	ssyncset.done $0x0  }
0x28: {  	[sflag:s12] =	ssyncadd.s32 $0xFFFFFC18  }
0x29: {  	[spmem:s3] =	stream.indirect.scatter.add.f32 [tilespmem:s14], [sflag:$0x1], $0x1, s16, s13, $0xb8;
	[tilespmem:$0x14E8] =	vst v63  }
0x2a: {  	_ =	swait.ge [sflag:s12], $0x3E8  }
0x2b: {  	[sflag:s12] =	ssyncset.done $0x0  }
0x2c: {  	s18 =	sadd.s32 s2, s18;
	[sflag:s12] =	ssyncadd.s32 $0xFFFFFC18  }
0x2d: {  	[tilespmem:s16], [sflag:$0x1] =	stream.linear.gather [hbm4b:s18+s16], $0x3E8, $0x38;
	[tilespmem:$0x14E8] =	vst v63  }
0x2e: {  	_ =	swait.ge [sflag:s12], $0x3E8  }
0x2f: {  	[sflag:s12] =	ssyncset.done $0x0  }
0x30: {  	s19 =	simm.s32 $0x40;
	s18 =	simm.s32 $0x0;
	[sflag:s12] =	ssyncadd.s32 $0xFFFFFC18  }
.LBB2_9:
0x31: {  	p1 =	sne.s32 s19, $0xF80;
	v2 =	vld [tilespmem:s18+$0x0];
	_ =	sdelay $0x1  }
.Ltmp3:
0x32: {  	(pc) =	sbr.rel @p1 .LBB2_9-.Ltmp3, $3  }
0x33: {  	_ =	sdelay $0x1  }
0x34: {  	v2 =	vadd.s32 $0x2710, v2  }
0x35: {  	[tilespmem:s18+$0x0] =	vst v2;
	s18 =	sshra.s32 s19, $0x2;
	s19 =	sadd.s32 $0x40, s19  }
0x36: {  	v2 =	vld [tilespmem:s18+$0x0];
	_ =	sdelay $0x3  }
0x37: {  	s17 =	sadd.s32 $0x1, s17  }
0x38: {  	p1 =	sne.s32 s17, $0xA;
	v2 =	vadd.s32 $0x2710, v2  }
.Ltmp4:
0x39: {  	[tilespmem:s18+$0x0] =	vst v2;
	(pc) =	sbr.rel @p1 .LBB2_8-.Ltmp4, $4  }
0x3a: {  	[spmem:s3] =	stream.indirect.scatter.add.f32 [tilespmem:s14], [sflag:$0x1], $0x1, s4, s13, $0xb8;
	[tilespmem:$0x14E8] =	vst v63  }
0x3b: {  	_ =	swait.ge [sflag:s12], $0x3E8  }
0x3c: {  	[sflag:s12] =	ssyncset.done $0x0  }
0x3d: {  	[sflag:s12] =	ssyncadd.s32 $0xFFFFFC18  }
0x3e: {  	[bflag:$0x0] =	sbarrier.arrive $0xFFFF;
	s16 =	simm.s32 @!p0 $0x800;
	s17 =	simm.s32 @!p0 $0x1  }
0x3f: {  	[tilespmem:s16], [sflag:$0x1] =	stream.linear.gather @!p0 [spmem:s8], $0x7D0, $0x38;
	[tilespmem:$0x14E8] =	vst v63  }
0x40: {  	s15 =	sadd.s32 $0x1, s15;
	_ =	swait.ge @!p0 [sflag:s17], $0x7D0  }
0x41: {  	p1 =	sne.s32 s15, s10;
	[sflag:s17] =	ssyncset.done @!p0 $0x0  }
.Ltmp5:
0x42: {  	s18 =	simm.s32 @!p0 $0x0;
	[sflag:s17] =	ssyncadd.s32 @!p0 $0xFFFFF830;
	(pc) =	sbr.rel @p1 .LBB2_1-.Ltmp5, $4  }
0x43: {  	[hbm4b:s9+s18] =	stream.linear.scatter @!p0 [tilespmem:s16], [sflag:$0x1], $0x7D0, $0x38;
	[tilespmem:$0x14E8] =	vst v63  }
0x44: {  	_ =	swait.ge @!p0 [sflag:s17], $0x7D0  }
0x45: {  	[sflag:s17] =	ssyncset.done @!p0 $0x0  }
0x46: {  	[sflag:s17] =	ssyncadd.s32 @!p0 $0xFFFFF830  }
0x47: {  	_ =	sfence.sel $0x180000  }
0x48: {  	[bflag:$0x0] =	sbarrier.arrive $0xFFFF  }
0x49: {  	p0 =	sne.s32 s0, $0x0;
	_ =	strace $0x90000047  }
0x4a: {  	s0 =	sadd.s32 @!p0 $0x100000, s1;
	[bflag:$0x2] =	sbarrier.arrive $0xFFFF  }
0x4b: {  	[sflag:s0] =	ssyncadd.tile.s32 @!p0 $0x1;
	_ =	shalt  }
.Lfunc_end2:
_tile_overlayer_lowered:
.L_overlay_start_2:
0x4c: {  	(tag) =	ssettag $0x2  }
0x4d: {  	s0 =	rddreg [dreg:$0x0];
	s2 =	stileid.u32  }
0x4e: {  	s1 =	rddreg [dreg:$0x1];
	p0 =	sne.s32 s2, $0x0  }
0x4f: {  	s3 =	rddreg [dreg:$0x2];
	[bflag:$0x3] =	sbarrier.arrive $0xFFFF;
	s2 =	simm.s32 @!p0 $0x1C01  }
0x50: {  	[timem:s3], [sflag:s2] =	dma.local @!p0 [hbm:s0], s1  }
0x51: {  	s0 =	simm.s32 @!p0 $0x1  }
0x52: {  	_ =	swait.ge @!p0 [sflag:s0], s1  }
0x53: {  	s1 =	ssub.s32 @!p0 $0x0, s1;
	[sflag:s0] =	ssyncset.done @!p0 $0x0  }
0x54: {  	[sflag:s0] =	ssyncadd.s32 @!p0 s1  }
0x55: {  	[bflag:$0x3] =	sbarrier.arrive $0xFFFF  }
0x56: {  	_ =	shalt  }

</sc_bundles>
